<compile_context>
chip_gen: v7x
topology: tpu7x:2x2x1
jax: 0.10.2.dev20260603
libtpu: 0.0.44.dev20260713+nightly
codegen_flags: <defaults>
</compile_context>

<pallas_src>
import functools

import jax
import jax.numpy as jnp
from jax import lax
from jax.experimental import pallas as pl
from jax.experimental.pallas import tpu as pltpu
from jax.experimental.pallas import tpu_sc as plsc

NUM_NODES = 1000000
MEM_DIM = 32
TIME_DIM = 64
B = 16384
W = 10
BW = B * W

_info = plsc.get_sparse_core_info()
_NC, _NS = _info.num_cores, _info.num_subcores
_NW = _NC * _NS
_PER_W = BW // _NW
_CHUNK = 1024
_NCHUNK = _PER_W // _CHUNK
_L = 16
_GROUPS = _CHUNK // _L

_M = 4096
_TAB_ROWS = _M // 128 + 1
_TAB_N = _TAB_ROWS * 128


def _make_sc_kernel():
    mesh = plsc.VectorSubcoreMesh(core_axis_name="c", subcore_axis_name="s")

    @functools.partial(
        pl.kernel,
        mesh=mesh,
        compiler_params=pltpu.CompilerParams(
            use_tc_tiling_on_sc=False, needs_layout_passes=False,
            disable_bounds_checks=True),
        out_type=jax.ShapeDtypeStruct((BW,), jnp.float32),
        scratch_types=[
            pltpu.VMEM((_PER_W,), jnp.int32),
            pltpu.VMEM((_CHUNK, MEM_DIM), jnp.float32),
            pltpu.VMEM((_CHUNK, MEM_DIM), jnp.float32),
            pltpu.VMEM((_PER_W,), jnp.float32),
            pltpu.VMEM((_PER_W,), jnp.float32),
            pltpu.VMEM((_TAB_N,), jnp.float32),
            pltpu.VMEM((MEM_DIM * _L,), jnp.float32),
            pltpu.SemaphoreType.DMA,
            pltpu.SemaphoreType.DMA,
        ],
    )
    def sc_kernel(table_hbm, idx_hbm, t_hbm, tab_hbm, wb_hbm, out_hbm,
                  idx_v, rows0_v, rows1_v, t_v, probs_v, tab_v, wb_v,
                  sem0, sem1):
        wid = lax.axis_index("s") * _NC + lax.axis_index("c")
        wbase = wid * _PER_W
        pltpu.sync_copy(wb_hbm, wb_v)
        pltpu.sync_copy(tab_hbm, tab_v)
        pltpu.sync_copy(idx_hbm.at[pl.ds(wbase, _PER_W)], idx_v)
        pltpu.sync_copy(t_hbm.at[pl.ds(wbase, _PER_W)], t_v)
        wvecs = [wb_v[pl.ds(d * _L, _L)] for d in range(MEM_DIM)]
        lane = lax.iota(jnp.int32, _L)
        rows = (rows0_v, rows1_v)
        sems = (sem0, sem1)

        def gather(c):
            return pltpu.async_copy(
                table_hbm.at[idx_v.at[pl.ds(c * _CHUNK, _CHUNK)]],
                rows[c % 2], sems[c % 2])

        pending = gather(0)
        for c in range(_NCHUNK):
            nxt = gather(c + 1) if c + 1 < _NCHUNK else None
            pending.wait()
            pending = nxt
            rows_v = rows[c % 2]
            cbase = c * _CHUNK

            def body(g, _):
                row_ids = g * _L + lane
                u = t_v[pl.ds(cbase + g * _L, _L)] * float(_M)
                j = u.astype(jnp.int32)
                j = jnp.maximum(jnp.minimum(j, _M - 1), 0)
                f = u - j.astype(jnp.float32)
                g0 = plsc.load_gather(tab_v, [j])
                g1 = plsc.load_gather(tab_v, [j + 1])
                ts16 = g0 + f * (g1 - g0)
                accs = [ts16, None, None, None]
                for d in range(MEM_DIM):
                    col = plsc.load_gather(
                        rows_v, [row_ids, jnp.full((_L,), d, jnp.int32)])
                    p = col * wvecs[d]
                    a = accs[d % 4]
                    accs[d % 4] = p if a is None else a + p
                acc = (accs[0] + accs[1]) + (accs[2] + accs[3])
                probs_v[pl.ds(cbase + g * _L, _L)] = (
                    1.0 / (1.0 + jnp.exp(-acc)))
                return _

            lax.fori_loop(0, _GROUPS, body, None)
        pltpu.sync_copy(probs_v, out_hbm.at[pl.ds(wbase, _PER_W)])

    return sc_kernel


_sc_kernel = _make_sc_kernel()


def _tc_tab_body(tw_ref, tb_ref, wt_ref, b0_ref, o_ref):
    r = lax.broadcasted_iota(jnp.int32, (_TAB_ROWS, 128), 0)
    c = lax.broadcasted_iota(jnp.int32, (_TAB_ROWS, 128), 1)
    t = (r * 128 + c).astype(jnp.float32) * (1.0 / _M)
    acc = jnp.full((_TAB_ROWS, 128), b0_ref[0], dtype=jnp.float32)
    for k in range(TIME_DIM):
        acc = acc + wt_ref[k] * jnp.cos(t * tw_ref[k] + tb_ref[k])
    o_ref[...] = acc


def _tc_table(time_w, time_b, wt, b0):
    return pl.pallas_call(
        _tc_tab_body,
        in_specs=[
            pl.BlockSpec(memory_space=pltpu.SMEM),
            pl.BlockSpec(memory_space=pltpu.SMEM),
            pl.BlockSpec(memory_space=pltpu.SMEM),
            pl.BlockSpec(memory_space=pltpu.SMEM),
        ],
        out_specs=pl.BlockSpec((_TAB_ROWS, 128), lambda: (0, 0)),
        out_shape=jax.ShapeDtypeStruct((_TAB_ROWS, 128), jnp.float32),
    )(time_w, time_b, wt, b0)


def kernel(node_ids, times, memory_states, time_w, time_b, restart_W, restart_b):
    idx = jnp.clip(node_ids, 0, NUM_NODES - 1).reshape(BW).astype(jnp.int32)
    wm = restart_W[:MEM_DIM, 0]
    wt = restart_W[MEM_DIM:, 0]
    wb = jnp.broadcast_to(wm[:, None], (MEM_DIM, _L)).reshape(MEM_DIM * _L)
    tab = _tc_table(time_w, time_b, wt, restart_b).reshape(_TAB_N)
    probs = _sc_kernel(memory_states, idx, times.reshape(BW), tab, wb)
    return probs.reshape(B, W)

# --- scband reference (transcript-rebuilt; emitter-appended) ---
"""Pipeline reference for scband-multi-scale-walk-sampler-12275016532655 (READ-ONLY COPY).

The authoritative reference and input builder live on the scoring server;
editing this copy changes nothing except your own understanding.
"""

import jax, jax.numpy as jnp
import numpy as np

NUM_NODES = 1000000
MEM_DIM = 32
TIME_DIM = 64
B = 16384
W = 10

def setup_inputs(seed: int = 0) -> dict:
    key = jax.random.key(seed)
    k1, k2, k3, k4, k5, k6, k7 = jax.random.split(key, 7)
    node_ids = jax.random.randint(k1, (B, W), 0, NUM_NODES)
    times = jax.random.uniform(k2, (B, W), dtype=jnp.float32)
    memory_states = jax.random.normal(k3, (NUM_NODES, MEM_DIM), dtype=jnp.float32)
    # TimeEncoder params: Phi(t) = cos(t * w + b)
    time_w = jax.random.normal(k4, (TIME_DIM,), dtype=jnp.float32)
    time_b = jax.random.normal(k5, (TIME_DIM,), dtype=jnp.float32)
    # restart_projection: Linear(memory_dim + time_dim -> 1), xavier weight, zero bias
    fan_in = MEM_DIM + TIME_DIM
    limit = float(np.sqrt(6.0 / (fan_in + 1)))
    restart_W = jax.random.uniform(k6, (fan_in, 1), minval=-limit, maxval=limit, dtype=jnp.float32)
    restart_b = jnp.zeros((1,), dtype=jnp.float32)
    return {"node_ids": node_ids, "times": times, "memory_states": memory_states,
            "time_w": time_w, "time_b": time_b, "restart_W": restart_W, "restart_b": restart_b}

def reference(node_ids, times, memory_states, time_w, time_b, restart_W, restart_b):
    # compute_restart_probabilities_batched:
    # rho_u(tau) = sigmoid(w^T [m_u(tau) || Phi(tau)] + b)
    n = memory_states.shape[0]
    idx = jnp.clip(node_ids, 0, n - 1)
    mem = jnp.take(memory_states, idx, axis=0)  # [B, W, MEM_DIM] gather
    time_enc = jnp.cos(times[..., None] * time_w[None, None, :] + time_b[None, None, :])  # [B, W, TIME_DIM]
    combined = jnp.concatenate([mem, time_enc], axis=-1)  # [B, W, MEM_DIM+TIME_DIM]
    logits = combined @ restart_W + restart_b  # [B, W, 1]
    probs = jax.nn.sigmoid(logits)[..., 0]  # [B, W]
    return probs

if __name__ == "__main__":
    import jax
    _d = setup_inputs()
    print(jax.jit(kernel)(*tuple(_d.values())))

</pallas_src>

<mosaic_0001>
#map = affine_map<(d0, d1) -> (0, 0)>
#map1 = affine_map<(d0, d1) -> (0)>
module attributes {stable_mosaic.version = 14 : i64} {
  func.func @sc_kernel(%arg0: i32, %arg1: i32, %arg2: memref<1000000x32xf32, #tpu.memory_space<hbm>>, %arg3: memref<163840xi32, #tpu.memory_space<hbm>>, %arg4: memref<163840xf32, #tpu.memory_space<hbm>>, %arg5: memref<4224xf32, #tpu.memory_space<hbm>>, %arg6: memref<512xf32, #tpu.memory_space<hbm>>, %arg7: memref<163840xf32, #tpu.memory_space<hbm>>, %arg8: memref<5120xi32, #tpu.memory_space<vmem>>, %arg9: memref<1024x32xf32, #tpu.memory_space<vmem>>, %arg10: memref<1024x32xf32, #tpu.memory_space<vmem>>, %arg11: memref<5120xf32, #tpu.memory_space<vmem>>, %arg12: memref<5120xf32, #tpu.memory_space<vmem>>, %arg13: memref<4224xf32, #tpu.memory_space<vmem>>, %arg14: memref<512xf32, #tpu.memory_space<vmem>>, %arg15: memref<!tpu.dma_semaphore, #tpu.memory_space<semaphore_mem>>, %arg16: memref<!tpu.dma_semaphore, #tpu.memory_space<semaphore_mem>>) attributes {dimension_semantics = [#tpu.dimension_semantics<core_parallel>, #tpu.dimension_semantics<subcore_parallel>], iteration_bounds = array<i64: 2, 16>, scalar_prefetch = 0 : i64, scratch_operands = 9 : i64, tpu.core_type = #tpu.core_type<sc_vector_subcore>, window_params = [{transform_indices = #map}, {transform_indices = #map1}, {transform_indices = #map1}, {transform_indices = #map1}, {transform_indices = #map1}, {transform_indices = #map1}]} {
    %mul3A = arith.constant 2 : i32
    %mul3A_0 = arith.muli %arg1, %mul3A : i32
    %add3A = arith.addi %mul3A_0, %arg0 : i32
    %mul3A_1 = arith.constant 5120 : i32
    %mul3A_2 = arith.muli %add3A, %mul3A_1 : i32
    "tpu.region"() ({
      %run_scoped3A = tpu.sem_alloc : memref<!tpu.dma_semaphore, #tpu.memory_space<semaphore_mem>>
      tpu.enqueue_dma source(%arg6 : memref<512xf32, #tpu.memory_space<hbm>>) target(%arg14 : memref<512xf32, #tpu.memory_space<vmem>>) target_semaphore(%run_scoped3A : memref<!tpu.dma_semaphore, #tpu.memory_space<semaphore_mem>>)
      tpu.wait_dma2 semaphore(%run_scoped3A : memref<!tpu.dma_semaphore, #tpu.memory_space<semaphore_mem>>) src(%arg6 : memref<512xf32, #tpu.memory_space<hbm>>) dst(%arg14 : memref<512xf32, #tpu.memory_space<vmem>>)
      tpu.yield
    }) : () -> ()
    "tpu.region"() ({
      %run_scoped3A = tpu.sem_alloc : memref<!tpu.dma_semaphore, #tpu.memory_space<semaphore_mem>>
      tpu.enqueue_dma source(%arg5 : memref<4224xf32, #tpu.memory_space<hbm>>) target(%arg13 : memref<4224xf32, #tpu.memory_space<vmem>>) target_semaphore(%run_scoped3A : memref<!tpu.dma_semaphore, #tpu.memory_space<semaphore_mem>>)
      tpu.wait_dma2 semaphore(%run_scoped3A : memref<!tpu.dma_semaphore, #tpu.memory_space<semaphore_mem>>) src(%arg5 : memref<4224xf32, #tpu.memory_space<hbm>>) dst(%arg13 : memref<4224xf32, #tpu.memory_space<vmem>>)
      tpu.yield
    }) : () -> ()
    "tpu.region"() ({
      %run_scoped3A = tpu.sem_alloc : memref<!tpu.dma_semaphore, #tpu.memory_space<semaphore_mem>>
      %dma_start3A_138 = tpu.memref_slice %arg3[%mul3A_2] : memref<163840xi32, #tpu.memory_space<hbm>> -> memref<5120xi32, #tpu.memory_space<hbm>>
      %dma_start3A_139 = tpu.memref_slice %arg3[%mul3A_2] : memref<163840xi32, #tpu.memory_space<hbm>> -> memref<5120xi32, #tpu.memory_space<hbm>>
      tpu.enqueue_dma source(%dma_start3A_139 : memref<5120xi32, #tpu.memory_space<hbm>>) target(%arg8 : memref<5120xi32, #tpu.memory_space<vmem>>) target_semaphore(%run_scoped3A : memref<!tpu.dma_semaphore, #tpu.memory_space<semaphore_mem>>)
      %dma_wait3A_140 = tpu.memref_slice %arg3[%mul3A_2] : memref<163840xi32, #tpu.memory_space<hbm>> -> memref<5120xi32, #tpu.memory_space<hbm>>
      %dma_wait3A_141 = tpu.memref_slice %arg3[%mul3A_2] : memref<163840xi32, #tpu.memory_space<hbm>> -> memref<5120xi32, #tpu.memory_space<hbm>>
      tpu.wait_dma2 semaphore(%run_scoped3A : memref<!tpu.dma_semaphore, #tpu.memory_space<semaphore_mem>>) src(%dma_wait3A_141 : memref<5120xi32, #tpu.memory_space<hbm>>) dst(%arg8 : memref<5120xi32, #tpu.memory_space<vmem>>)
      tpu.yield
    }) : () -> ()
    "tpu.region"() ({
      %run_scoped3A = tpu.sem_alloc : memref<!tpu.dma_semaphore, #tpu.memory_space<semaphore_mem>>
      %dma_start3A_138 = tpu.memref_slice %arg4[%mul3A_2] : memref<163840xf32, #tpu.memory_space<hbm>> -> memref<5120xf32, #tpu.memory_space<hbm>>
      %dma_start3A_139 = tpu.memref_slice %arg4[%mul3A_2] : memref<163840xf32, #tpu.memory_space<hbm>> -> memref<5120xf32, #tpu.memory_space<hbm>>
      tpu.enqueue_dma source(%dma_start3A_139 : memref<5120xf32, #tpu.memory_space<hbm>>) target(%arg11 : memref<5120xf32, #tpu.memory_space<vmem>>) target_semaphore(%run_scoped3A : memref<!tpu.dma_semaphore, #tpu.memory_space<semaphore_mem>>)
      %dma_wait3A_140 = tpu.memref_slice %arg4[%mul3A_2] : memref<163840xf32, #tpu.memory_space<hbm>> -> memref<5120xf32, #tpu.memory_space<hbm>>
      %dma_wait3A_141 = tpu.memref_slice %arg4[%mul3A_2] : memref<163840xf32, #tpu.memory_space<hbm>> -> memref<5120xf32, #tpu.memory_space<hbm>>
      tpu.wait_dma2 semaphore(%run_scoped3A : memref<!tpu.dma_semaphore, #tpu.memory_space<semaphore_mem>>) src(%dma_wait3A_141 : memref<5120xf32, #tpu.memory_space<hbm>>) dst(%arg11 : memref<5120xf32, #tpu.memory_space<vmem>>)
      tpu.yield
    }) : () -> ()
    %get3A = arith.constant 0 : index
    %get3A_3 = tpu.vector_load %arg14[%get3A] {strides = array<i32>} : memref<512xf32, #tpu.memory_space<vmem>>, vector<16xf32>,
    %get3A_4 = arith.constant 16 : index
    %get3A_5 = tpu.vector_load %arg14[%get3A_4] {strides = array<i32>} : memref<512xf32, #tpu.memory_space<vmem>>, vector<16xf32>,
    %get3A_6 = arith.constant 32 : index
    %get3A_7 = tpu.vector_load %arg14[%get3A_6] {strides = array<i32>} : memref<512xf32, #tpu.memory_space<vmem>>, vector<16xf32>,
    %get3A_8 = arith.constant 48 : index
    %get3A_9 = tpu.vector_load %arg14[%get3A_8] {strides = array<i32>} : memref<512xf32, #tpu.memory_space<vmem>>, vector<16xf32>,
    %get3A_10 = arith.constant 64 : index
    %get3A_11 = tpu.vector_load %arg14[%get3A_10] {strides = array<i32>} : memref<512xf32, #tpu.memory_space<vmem>>, vector<16xf32>,
    %get3A_12 = arith.constant 80 : index
    %get3A_13 = tpu.vector_load %arg14[%get3A_12] {strides = array<i32>} : memref<512xf32, #tpu.memory_space<vmem>>, vector<16xf32>,
    %get3A_14 = arith.constant 96 : index
    %get3A_15 = tpu.vector_load %arg14[%get3A_14] {strides = array<i32>} : memref<512xf32, #tpu.memory_space<vmem>>, vector<16xf32>,
    %get3A_16 = arith.constant 112 : index
    %get3A_17 = tpu.vector_load %arg14[%get3A_16] {strides = array<i32>} : memref<512xf32, #tpu.memory_space<vmem>>, vector<16xf32>,
    %get3A_18 = arith.constant 128 : index
    %get3A_19 = tpu.vector_load %arg14[%get3A_18] {strides = array<i32>} : memref<512xf32, #tpu.memory_space<vmem>>, vector<16xf32>,
    %get3A_20 = arith.constant 144 : index
    %get3A_21 = tpu.vector_load %arg14[%get3A_20] {strides = array<i32>} : memref<512xf32, #tpu.memory_space<vmem>>, vector<16xf32>,
    %get3A_22 = arith.constant 160 : index
    %get3A_23 = tpu.vector_load %arg14[%get3A_22] {strides = array<i32>} : memref<512xf32, #tpu.memory_space<vmem>>, vector<16xf32>,
    %get3A_24 = arith.constant 176 : index
    %get3A_25 = tpu.vector_load %arg14[%get3A_24] {strides = array<i32>} : memref<512xf32, #tpu.memory_space<vmem>>, vector<16xf32>,
    %get3A_26 = arith.constant 192 : index
    %get3A_27 = tpu.vector_load %arg14[%get3A_26] {strides = array<i32>} : memref<512xf32, #tpu.memory_space<vmem>>, vector<16xf32>,
    %get3A_28 = arith.constant 208 : index
    %get3A_29 = tpu.vector_load %arg14[%get3A_28] {strides = array<i32>} : memref<512xf32, #tpu.memory_space<vmem>>, vector<16xf32>,
    %get3A_30 = arith.constant 224 : index
    %get3A_31 = tpu.vector_load %arg14[%get3A_30] {strides = array<i32>} : memref<512xf32, #tpu.memory_space<vmem>>, vector<16xf32>,
    %get3A_32 = arith.constant 240 : index
    %get3A_33 = tpu.vector_load %arg14[%get3A_32] {strides = array<i32>} : memref<512xf32, #tpu.memory_space<vmem>>, vector<16xf32>,
    %get3A_34 = arith.constant 256 : index
    %get3A_35 = tpu.vector_load %arg14[%get3A_34] {strides = array<i32>} : memref<512xf32, #tpu.memory_space<vmem>>, vector<16xf32>,
    %get3A_36 = arith.constant 272 : index
    %get3A_37 = tpu.vector_load %arg14[%get3A_36] {strides = array<i32>} : memref<512xf32, #tpu.memory_space<vmem>>, vector<16xf32>,
    %get3A_38 = arith.constant 288 : index
    %get3A_39 = tpu.vector_load %arg14[%get3A_38] {strides = array<i32>} : memref<512xf32, #tpu.memory_space<vmem>>, vector<16xf32>,
    %get3A_40 = arith.constant 304 : index
    %get3A_41 = tpu.vector_load %arg14[%get3A_40] {strides = array<i32>} : memref<512xf32, #tpu.memory_space<vmem>>, vector<16xf32>,
    %get3A_42 = arith.constant 320 : index
    %get3A_43 = tpu.vector_load %arg14[%get3A_42] {strides = array<i32>} : memref<512xf32, #tpu.memory_space<vmem>>, vector<16xf32>,
    %get3A_44 = arith.constant 336 : index
    %get3A_45 = tpu.vector_load %arg14[%get3A_44] {strides = array<i32>} : memref<512xf32, #tpu.memory_space<vmem>>, vector<16xf32>,
    %get3A_46 = arith.constant 352 : index
    %get3A_47 = tpu.vector_load %arg14[%get3A_46] {strides = array<i32>} : memref<512xf32, #tpu.memory_space<vmem>>, vector<16xf32>,
    %get3A_48 = arith.constant 368 : index
    %get3A_49 = tpu.vector_load %arg14[%get3A_48] {strides = array<i32>} : memref<512xf32, #tpu.memory_space<vmem>>, vector<16xf32>,
    %get3A_50 = arith.constant 384 : index
    %get3A_51 = tpu.vector_load %arg14[%get3A_50] {strides = array<i32>} : memref<512xf32, #tpu.memory_space<vmem>>, vector<16xf32>,
    %get3A_52 = arith.constant 400 : index
    %get3A_53 = tpu.vector_load %arg14[%get3A_52] {strides = array<i32>} : memref<512xf32, #tpu.memory_space<vmem>>, vector<16xf32>,
    %get3A_54 = arith.constant 416 : index
    %get3A_55 = tpu.vector_load %arg14[%get3A_54] {strides = array<i32>} : memref<512xf32, #tpu.memory_space<vmem>>, vector<16xf32>,
    %get3A_56 = arith.constant 432 : index
    %get3A_57 = tpu.vector_load %arg14[%get3A_56] {strides = array<i32>} : memref<512xf32, #tpu.memory_space<vmem>>, vector<16xf32>,
    %get3A_58 = arith.constant 448 : index
    %get3A_59 = tpu.vector_load %arg14[%get3A_58] {strides = array<i32>} : memref<512xf32, #tpu.memory_space<vmem>>, vector<16xf32>,
    %get3A_60 = arith.constant 464 : index
    %get3A_61 = tpu.vector_load %arg14[%get3A_60] {strides = array<i32>} : memref<512xf32, #tpu.memory_space<vmem>>, vector<16xf32>,
    %get3A_62 = arith.constant 480 : index
    %get3A_63 = tpu.vector_load %arg14[%get3A_62] {strides = array<i32>} : memref<512xf32, #tpu.memory_space<vmem>>, vector<16xf32>,
    %get3A_64 = arith.constant 496 : index
    %get3A_65 = tpu.vector_load %arg14[%get3A_64] {strides = array<i32>} : memref<512xf32, #tpu.memory_space<vmem>>, vector<16xf32>,
    %iota3A = tpu.iota {dimensions = array<i32: 0>} : vector<16xi32>
    %dma_start3A = arith.constant 0 : i32
    %dma_start3A_66 = tpu.memref_slice %arg8[%dma_start3A] : memref<5120xi32, #tpu.memory_space<vmem>> -> memref<1024xi32, #tpu.memory_space<vmem>>
    %dma_start3A_67 = arith.constant 0 : i32
    %dma_start3A_68 = arith.constant 0 : i32
    %dma_start3A_69 = tpu.memref_slice %arg2[%dma_start3A_67, %dma_start3A_68] : memref<1000000x32xf32, #tpu.memory_space<hbm>> -> memref<1000000x32xf32, #tpu.memory_space<hbm>>
    tpu.enqueue_indirect_dma source(%dma_start3A_69 : memref<1000000x32xf32, #tpu.memory_space<hbm>>) target(%arg9 : memref<1024x32xf32, #tpu.memory_space<vmem>>) offsets(%dma_start3A_66 : memref<1024xi32, #tpu.memory_space<vmem>>) semaphore(%arg15 : memref<!tpu.dma_semaphore, #tpu.memory_space<semaphore_mem>>)
    %dma_start3A_70 = arith.constant 1024 : i32
    %dma_start3A_71 = tpu.memref_slice %arg8[%dma_start3A_70] : memref<5120xi32, #tpu.memory_space<vmem>> -> memref<1024xi32, #tpu.memory_space<vmem>>
    %dma_start3A_72 = arith.constant 0 : i32
    %dma_start3A_73 = arith.constant 0 : i32
    %dma_start3A_74 = tpu.memref_slice %arg2[%dma_start3A_72, %dma_start3A_73] : memref<1000000x32xf32, #tpu.memory_space<hbm>> -> memref<1000000x32xf32, #tpu.memory_space<hbm>>
    tpu.enqueue_indirect_dma source(%dma_start3A_74 : memref<1000000x32xf32, #tpu.memory_space<hbm>>) target(%arg10 : memref<1024x32xf32, #tpu.memory_space<vmem>>) offsets(%dma_start3A_71 : memref<1024xi32, #tpu.memory_space<vmem>>) semaphore(%arg16 : memref<!tpu.dma_semaphore, #tpu.memory_space<semaphore_mem>>)
    %dma_wait3A = arith.constant 0 : i32
    %dma_wait3A_75 = tpu.memref_slice %arg8[%dma_wait3A] : memref<5120xi32, #tpu.memory_space<vmem>> -> memref<1024xi32, #tpu.memory_space<vmem>>
    %dma_wait3A_76 = arith.constant 0 : i32
    %dma_wait3A_77 = arith.constant 0 : i32
    %dma_wait3A_78 = tpu.memref_slice %arg2[%dma_wait3A_76, %dma_wait3A_77] : memref<1000000x32xf32, #tpu.memory_space<hbm>> -> memref<1000000x32xf32, #tpu.memory_space<hbm>>
    tpu.wait_indirect_dma semaphore(%arg15 : memref<!tpu.dma_semaphore, #tpu.memory_space<semaphore_mem>>) src(%dma_wait3A_78 : memref<1000000x32xf32, #tpu.memory_space<hbm>>) dst(%arg9 : memref<1024x32xf32, #tpu.memory_space<vmem>>)
    %scan3A = arith.constant 0 : i32
    %scan3A_79 = arith.constant 64 : i32
    %scan3A_80 = arith.addi %scan3A, %scan3A_79 : i32
    %scan3A_81 = arith.constant 1 : i32
    scf.for %scan3A_138 = %scan3A to %scan3A_80 step %scan3A_81  : i32 {
      %mul3A_139 = arith.constant 16 : i32
      %mul3A_140 = arith.muli %scan3A_138, %mul3A_139 : i32
      %add3A_141 = vector.broadcast %mul3A_140 : i32 to vector<16xi32>
      %add3A_142 = arith.addi %add3A_141, %iota3A : vector<16xi32>
      %mul3A_143 = arith.constant 16 : i32
      %mul3A_144 = arith.muli %scan3A_138, %mul3A_143 : i32
      %add3A_145 = arith.constant 0 : i32
      %add3A_146 = arith.addi %add3A_145, %mul3A_144 : i32
      %get3A_147 = arith.index_cast %add3A_146 : i32 to index
      %get3A_148 = tpu.vector_load %arg11[%get3A_147] {strides = array<i32>} : memref<5120xf32, #tpu.memory_space<vmem>>, vector<16xf32>,
      %mul3A_149 = arith.constant 4.096000e+03 : f32
      %mul3A_150 = vector.broadcast %mul3A_149 : f32 to vector<16xf32>
      %mul3A_151 = arith.mulf %get3A_148, %mul3A_150 : vector<16xf32>
      %convert_element_type3A = arith.fptosi %mul3A_151 : vector<16xf32> to vector<16xi32>
      %min3A = arith.constant 4095 : i32
      %min3A_152 = vector.broadcast %min3A : i32 to vector<16xi32>
      %min3A_153 = arith.minsi %convert_element_type3A, %min3A_152 : vector<16xi32>
      %max3A = arith.constant 0 : i32
      %max3A_154 = vector.broadcast %max3A : i32 to vector<16xi32>
      %max3A_155 = arith.maxsi %min3A_153, %max3A_154 : vector<16xi32>
      %convert_element_type3A_156 = arith.sitofp %max3A_155 : vector<16xi32> to vector<16xf32>
      %sub3A = arith.subf %mul3A_151, %convert_element_type3A_156 : vector<16xf32>
      %gather3A = tpu.vector_load_idx %arg13[%max3A_155] : memref<4224xf32, #tpu.memory_space<vmem>>[vector<16xi32>], vector<16xf32>,
      %add3A_157 = arith.constant 1 : i32
      %add3A_158 = vector.broadcast %add3A_157 : i32 to vector<16xi32>
      %add3A_159 = arith.addi %max3A_155, %add3A_158 : vector<16xi32>
      %gather3A_160 = tpu.vector_load_idx %arg13[%add3A_159] : memref<4224xf32, #tpu.memory_space<vmem>>[vector<16xi32>], vector<16xf32>,
      %sub3A_161 = arith.subf %gather3A_160, %gather3A : vector<16xf32>
      %mul3A_162 = arith.mulf %sub3A, %sub3A_161 : vector<16xf32>
      %add3A_163 = arith.addf %gather3A, %mul3A_162 : vector<16xf32>
      %broadcast_in_dim3A = arith.constant 0 : i32
      %broadcast_in_dim3A_164 = vector.broadcast %broadcast_in_dim3A : i32 to vector<16xi32>
      %gather3A_165 = tpu.vector_load_idx %arg9[%add3A_142, %broadcast_in_dim3A_164] : memref<1024x32xf32, #tpu.memory_space<vmem>>[vector<16xi32>, vector<16xi32>], vector<16xf32>,
      %mul3A_166 = arith.mulf %gather3A_165, %get3A_3 : vector<16xf32>
      %add3A_167 = arith.addf %add3A_163, %mul3A_166 : vector<16xf32>
      %broadcast_in_dim3A_168 = arith.constant 1 : i32
      %broadcast_in_dim3A_169 = vector.broadcast %broadcast_in_dim3A_168 : i32 to vector<16xi32>
      %gather3A_170 = tpu.vector_load_idx %arg9[%add3A_142, %broadcast_in_dim3A_169] : memref<1024x32xf32, #tpu.memory_space<vmem>>[vector<16xi32>, vector<16xi32>], vector<16xf32>,
      %mul3A_171 = arith.mulf %gather3A_170, %get3A_5 : vector<16xf32>
      %broadcast_in_dim3A_172 = arith.constant 2 : i32
      %broadcast_in_dim3A_173 = vector.broadcast %broadcast_in_dim3A_172 : i32 to vector<16xi32>
      %gather3A_174 = tpu.vector_load_idx %arg9[%add3A_142, %broadcast_in_dim3A_173] : memref<1024x32xf32, #tpu.memory_space<vmem>>[vector<16xi32>, vector<16xi32>], vector<16xf32>,
      %mul3A_175 = arith.mulf %gather3A_174, %get3A_7 : vector<16xf32>
      %broadcast_in_dim3A_176 = arith.constant 3 : i32
      %broadcast_in_dim3A_177 = vector.broadcast %broadcast_in_dim3A_176 : i32 to vector<16xi32>
      %gather3A_178 = tpu.vector_load_idx %arg9[%add3A_142, %broadcast_in_dim3A_177] : memref<1024x32xf32, #tpu.memory_space<vmem>>[vector<16xi32>, vector<16xi32>], vector<16xf32>,
      %mul3A_179 = arith.mulf %gather3A_178, %get3A_9 : vector<16xf32>
      %broadcast_in_dim3A_180 = arith.constant 4 : i32
      %broadcast_in_dim3A_181 = vector.broadcast %broadcast_in_dim3A_180 : i32 to vector<16xi32>
      %gather3A_182 = tpu.vector_load_idx %arg9[%add3A_142, %broadcast_in_dim3A_181] : memref<1024x32xf32, #tpu.memory_space<vmem>>[vector<16xi32>, vector<16xi32>], vector<16xf32>,
      %mul3A_183 = arith.mulf %gather3A_182, %get3A_11 : vector<16xf32>
      %add3A_184 = arith.addf %add3A_167, %mul3A_183 : vector<16xf32>
      %broadcast_in_dim3A_185 = arith.constant 5 : i32
      %broadcast_in_dim3A_186 = vector.broadcast %broadcast_in_dim3A_185 : i32 to vector<16xi32>
      %gather3A_187 = tpu.vector_load_idx %arg9[%add3A_142, %broadcast_in_dim3A_186] : memref<1024x32xf32, #tpu.memory_space<vmem>>[vector<16xi32>, vector<16xi32>], vector<16xf32>,
      %mul3A_188 = arith.mulf %gather3A_187, %get3A_13 : vector<16xf32>
      %add3A_189 = arith.addf %mul3A_171, %mul3A_188 : vector<16xf32>
      %broadcast_in_dim3A_190 = arith.constant 6 : i32
      %broadcast_in_dim3A_191 = vector.broadcast %broadcast_in_dim3A_190 : i32 to vector<16xi32>
      %gather3A_192 = tpu.vector_load_idx %arg9[%add3A_142, %broadcast_in_dim3A_191] : memref<1024x32xf32, #tpu.memory_space<vmem>>[vector<16xi32>, vector<16xi32>], vector<16xf32>,
      %mul3A_193 = arith.mulf %gather3A_192, %get3A_15 : vector<16xf32>
      %add3A_194 = arith.addf %mul3A_175, %mul3A_193 : vector<16xf32>
      %broadcast_in_dim3A_195 = arith.constant 7 : i32
      %broadcast_in_dim3A_196 = vector.broadcast %broadcast_in_dim3A_195 : i32 to vector<16xi32>
      %gather3A_197 = tpu.vector_load_idx %arg9[%add3A_142, %broadcast_in_dim3A_196] : memref<1024x32xf32, #tpu.memory_space<vmem>>[vector<16xi32>, vector<16xi32>], vector<16xf32>,
      %mul3A_198 = arith.mulf %gather3A_197, %get3A_17 : vector<16xf32>
      %add3A_199 = arith.addf %mul3A_179, %mul3A_198 : vector<16xf32>
      %broadcast_in_dim3A_200 = arith.constant 8 : i32
      %broadcast_in_dim3A_201 = vector.broadcast %broadcast_in_dim3A_200 : i32 to vector<16xi32>
      %gather3A_202 = tpu.vector_load_idx %arg9[%add3A_142, %broadcast_in_dim3A_201] : memref<1024x32xf32, #tpu.memory_space<vmem>>[vector<16xi32>, vector<16xi32>], vector<16xf32>,
      %mul3A_203 = arith.mulf %gather3A_202, %get3A_19 : vector<16xf32>
      %add3A_204 = arith.addf %add3A_184, %mul3A_203 : vector<16xf32>
      %broadcast_in_dim3A_205 = arith.constant 9 : i32
      %broadcast_in_dim3A_206 = vector.broadcast %broadcast_in_dim3A_205 : i32 to vector<16xi32>
      %gather3A_207 = tpu.vector_load_idx %arg9[%add3A_142, %broadcast_in_dim3A_206] : memref<1024x32xf32, #tpu.memory_space<vmem>>[vector<16xi32>, vector<16xi32>], vector<16xf32>,
      %mul3A_208 = arith.mulf %gather3A_207, %get3A_21 : vector<16xf32>
      %add3A_209 = arith.addf %add3A_189, %mul3A_208 : vector<16xf32>
      %broadcast_in_dim3A_210 = arith.constant 10 : i32
      %broadcast_in_dim3A_211 = vector.broadcast %broadcast_in_dim3A_210 : i32 to vector<16xi32>
      %gather3A_212 = tpu.vector_load_idx %arg9[%add3A_142, %broadcast_in_dim3A_211] : memref<1024x32xf32, #tpu.memory_space<vmem>>[vector<16xi32>, vector<16xi32>], vector<16xf32>,
      %mul3A_213 = arith.mulf %gather3A_212, %get3A_23 : vector<16xf32>
      %add3A_214 = arith.addf %add3A_194, %mul3A_213 : vector<16xf32>
      %broadcast_in_dim3A_215 = arith.constant 11 : i32
      %broadcast_in_dim3A_216 = vector.broadcast %broadcast_in_dim3A_215 : i32 to vector<16xi32>
      %gather3A_217 = tpu.vector_load_idx %arg9[%add3A_142, %broadcast_in_dim3A_216] : memref<1024x32xf32, #tpu.memory_space<vmem>>[vector<16xi32>, vector<16xi32>], vector<16xf32>,
      %mul3A_218 = arith.mulf %gather3A_217, %get3A_25 : vector<16xf32>
      %add3A_219 = arith.addf %add3A_199, %mul3A_218 : vector<16xf32>
      %broadcast_in_dim3A_220 = arith.constant 12 : i32
      %broadcast_in_dim3A_221 = vector.broadcast %broadcast_in_dim3A_220 : i32 to vector<16xi32>
      %gather3A_222 = tpu.vector_load_idx %arg9[%add3A_142, %broadcast_in_dim3A_221] : memref<1024x32xf32, #tpu.memory_space<vmem>>[vector<16xi32>, vector<16xi32>], vector<16xf32>,
      %mul3A_223 = arith.mulf %gather3A_222, %get3A_27 : vector<16xf32>
      %add3A_224 = arith.addf %add3A_204, %mul3A_223 : vector<16xf32>
      %broadcast_in_dim3A_225 = arith.constant 13 : i32
      %broadcast_in_dim3A_226 = vector.broadcast %broadcast_in_dim3A_225 : i32 to vector<16xi32>
      %gather3A_227 = tpu.vector_load_idx %arg9[%add3A_142, %broadcast_in_dim3A_226] : memref<1024x32xf32, #tpu.memory_space<vmem>>[vector<16xi32>, vector<16xi32>], vector<16xf32>,
      %mul3A_228 = arith.mulf %gather3A_227, %get3A_29 : vector<16xf32>
      %add3A_229 = arith.addf %add3A_209, %mul3A_228 : vector<16xf32>
      %broadcast_in_dim3A_230 = arith.constant 14 : i32
      %broadcast_in_dim3A_231 = vector.broadcast %broadcast_in_dim3A_230 : i32 to vector<16xi32>
      %gather3A_232 = tpu.vector_load_idx %arg9[%add3A_142, %broadcast_in_dim3A_231] : memref<1024x32xf32, #tpu.memory_space<vmem>>[vector<16xi32>, vector<16xi32>], vector<16xf32>,
      %mul3A_233 = arith.mulf %gather3A_232, %get3A_31 : vector<16xf32>
      %add3A_234 = arith.addf %add3A_214, %mul3A_233 : vector<16xf32>
      %broadcast_in_dim3A_235 = arith.constant 15 : i32
      %broadcast_in_dim3A_236 = vector.broadcast %broadcast_in_dim3A_235 : i32 to vector<16xi32>
      %gather3A_237 = tpu.vector_load_idx %arg9[%add3A_142, %broadcast_in_dim3A_236] : memref<1024x32xf32, #tpu.memory_space<vmem>>[vector<16xi32>, vector<16xi32>], vector<16xf32>,
      %mul3A_238 = arith.mulf %gather3A_237, %get3A_33 : vector<16xf32>
      %add3A_239 = arith.addf %add3A_219, %mul3A_238 : vector<16xf32>
      %broadcast_in_dim3A_240 = arith.constant 16 : i32
      %broadcast_in_dim3A_241 = vector.broadcast %broadcast_in_dim3A_240 : i32 to vector<16xi32>
      %gather3A_242 = tpu.vector_load_idx %arg9[%add3A_142, %broadcast_in_dim3A_241] : memref<1024x32xf32, #tpu.memory_space<vmem>>[vector<16xi32>, vector<16xi32>], vector<16xf32>,
      %mul3A_243 = arith.mulf %gather3A_242, %get3A_35 : vector<16xf32>
      %add3A_244 = arith.addf %add3A_224, %mul3A_243 : vector<16xf32>
      %broadcast_in_dim3A_245 = arith.constant 17 : i32
      %broadcast_in_dim3A_246 = vector.broadcast %broadcast_in_dim3A_245 : i32 to vector<16xi32>
      %gather3A_247 = tpu.vector_load_idx %arg9[%add3A_142, %broadcast_in_dim3A_246] : memref<1024x32xf32, #tpu.memory_space<vmem>>[vector<16xi32>, vector<16xi32>], vector<16xf32>,
      %mul3A_248 = arith.mulf %gather3A_247, %get3A_37 : vector<16xf32>
      %add3A_249 = arith.addf %add3A_229, %mul3A_248 : vector<16xf32>
      %broadcast_in_dim3A_250 = arith.constant 18 : i32
      %broadcast_in_dim3A_251 = vector.broadcast %broadcast_in_dim3A_250 : i32 to vector<16xi32>
      %gather3A_252 = tpu.vector_load_idx %arg9[%add3A_142, %broadcast_in_dim3A_251] : memref<1024x32xf32, #tpu.memory_space<vmem>>[vector<16xi32>, vector<16xi32>], vector<16xf32>,
      %mul3A_253 = arith.mulf %gather3A_252, %get3A_39 : vector<16xf32>
      %add3A_254 = arith.addf %add3A_234, %mul3A_253 : vector<16xf32>
      %broadcast_in_dim3A_255 = arith.constant 19 : i32
      %broadcast_in_dim3A_256 = vector.broadcast %broadcast_in_dim3A_255 : i32 to vector<16xi32>
      %gather3A_257 = tpu.vector_load_idx %arg9[%add3A_142, %broadcast_in_dim3A_256] : memref<1024x32xf32, #tpu.memory_space<vmem>>[vector<16xi32>, vector<16xi32>], vector<16xf32>,
      %mul3A_258 = arith.mulf %gather3A_257, %get3A_41 : vector<16xf32>
      %add3A_259 = arith.addf %add3A_239, %mul3A_258 : vector<16xf32>
      %broadcast_in_dim3A_260 = arith.constant 20 : i32
      %broadcast_in_dim3A_261 = vector.broadcast %broadcast_in_dim3A_260 : i32 to vector<16xi32>
      %gather3A_262 = tpu.vector_load_idx %arg9[%add3A_142, %broadcast_in_dim3A_261] : memref<1024x32xf32, #tpu.memory_space<vmem>>[vector<16xi32>, vector<16xi32>], vector<16xf32>,
      %mul3A_263 = arith.mulf %gather3A_262, %get3A_43 : vector<16xf32>
      %add3A_264 = arith.addf %add3A_244, %mul3A_263 : vector<16xf32>
      %broadcast_in_dim3A_265 = arith.constant 21 : i32
      %broadcast_in_dim3A_266 = vector.broadcast %broadcast_in_dim3A_265 : i32 to vector<16xi32>
      %gather3A_267 = tpu.vector_load_idx %arg9[%add3A_142, %broadcast_in_dim3A_266] : memref<1024x32xf32, #tpu.memory_space<vmem>>[vector<16xi32>, vector<16xi32>], vector<16xf32>,
      %mul3A_268 = arith.mulf %gather3A_267, %get3A_45 : vector<16xf32>
      %add3A_269 = arith.addf %add3A_249, %mul3A_268 : vector<16xf32>
      %broadcast_in_dim3A_270 = arith.constant 22 : i32
      %broadcast_in_dim3A_271 = vector.broadcast %broadcast_in_dim3A_270 : i32 to vector<16xi32>
      %gather3A_272 = tpu.vector_load_idx %arg9[%add3A_142, %broadcast_in_dim3A_271] : memref<1024x32xf32, #tpu.memory_space<vmem>>[vector<16xi32>, vector<16xi32>], vector<16xf32>,
      %mul3A_273 = arith.mulf %gather3A_272, %get3A_47 : vector<16xf32>
      %add3A_274 = arith.addf %add3A_254, %mul3A_273 : vector<16xf32>
      %broadcast_in_dim3A_275 = arith.constant 23 : i32
      %broadcast_in_dim3A_276 = vector.broadcast %broadcast_in_dim3A_275 : i32 to vector<16xi32>
      %gather3A_277 = tpu.vector_load_idx %arg9[%add3A_142, %broadcast_in_dim3A_276] : memref<1024x32xf32, #tpu.memory_space<vmem>>[vector<16xi32>, vector<16xi32>], vector<16xf32>,
      %mul3A_278 = arith.mulf %gather3A_277, %get3A_49 : vector<16xf32>
      %add3A_279 = arith.addf %add3A_259, %mul3A_278 : vector<16xf32>
      %broadcast_in_dim3A_280 = arith.constant 24 : i32
      %broadcast_in_dim3A_281 = vector.broadcast %broadcast_in_dim3A_280 : i32 to vector<16xi32>
      %gather3A_282 = tpu.vector_load_idx %arg9[%add3A_142, %broadcast_in_dim3A_281] : memref<1024x32xf32, #tpu.memory_space<vmem>>[vector<16xi32>, vector<16xi32>], vector<16xf32>,
      %mul3A_283 = arith.mulf %gather3A_282, %get3A_51 : vector<16xf32>
      %add3A_284 = arith.addf %add3A_264, %mul3A_283 : vector<16xf32>
      %broadcast_in_dim3A_285 = arith.constant 25 : i32
      %broadcast_in_dim3A_286 = vector.broadcast %broadcast_in_dim3A_285 : i32 to vector<16xi32>
      %gather3A_287 = tpu.vector_load_idx %arg9[%add3A_142, %broadcast_in_dim3A_286] : memref<1024x32xf32, #tpu.memory_space<vmem>>[vector<16xi32>, vector<16xi32>], vector<16xf32>,
      %mul3A_288 = arith.mulf %gather3A_287, %get3A_53 : vector<16xf32>
      %add3A_289 = arith.addf %add3A_269, %mul3A_288 : vector<16xf32>
      %broadcast_in_dim3A_290 = arith.constant 26 : i32
      %broadcast_in_dim3A_291 = vector.broadcast %broadcast_in_dim3A_290 : i32 to vector<16xi32>
      %gather3A_292 = tpu.vector_load_idx %arg9[%add3A_142, %broadcast_in_dim3A_291] : memref<1024x32xf32, #tpu.memory_space<vmem>>[vector<16xi32>, vector<16xi32>], vector<16xf32>,
      %mul3A_293 = arith.mulf %gather3A_292, %get3A_55 : vector<16xf32>
      %add3A_294 = arith.addf %add3A_274, %mul3A_293 : vector<16xf32>
      %broadcast_in_dim3A_295 = arith.constant 27 : i32
      %broadcast_in_dim3A_296 = vector.broadcast %broadcast_in_dim3A_295 : i32 to vector<16xi32>
      %gather3A_297 = tpu.vector_load_idx %arg9[%add3A_142, %broadcast_in_dim3A_296] : memref<1024x32xf32, #tpu.memory_space<vmem>>[vector<16xi32>, vector<16xi32>], vector<16xf32>,
      %mul3A_298 = arith.mulf %gather3A_297, %get3A_57 : vector<16xf32>
      %add3A_299 = arith.addf %add3A_279, %mul3A_298 : vector<16xf32>
      %broadcast_in_dim3A_300 = arith.constant 28 : i32
      %broadcast_in_dim3A_301 = vector.broadcast %broadcast_in_dim3A_300 : i32 to vector<16xi32>
      %gather3A_302 = tpu.vector_load_idx %arg9[%add3A_142, %broadcast_in_dim3A_301] : memref<1024x32xf32, #tpu.memory_space<vmem>>[vector<16xi32>, vector<16xi32>], vector<16xf32>,
      %mul3A_303 = arith.mulf %gather3A_302, %get3A_59 : vector<16xf32>
      %add3A_304 = arith.addf %add3A_284, %mul3A_303 : vector<16xf32>
      %broadcast_in_dim3A_305 = arith.constant 29 : i32
      %broadcast_in_dim3A_306 = vector.broadcast %broadcast_in_dim3A_305 : i32 to vector<16xi32>
      %gather3A_307 = tpu.vector_load_idx %arg9[%add3A_142, %broadcast_in_dim3A_306] : memref<1024x32xf32, #tpu.memory_space<vmem>>[vector<16xi32>, vector<16xi32>], vector<16xf32>,
      %mul3A_308 = arith.mulf %gather3A_307, %get3A_61 : vector<16xf32>
      %add3A_309 = arith.addf %add3A_289, %mul3A_308 : vector<16xf32>
      %broadcast_in_dim3A_310 = arith.constant 30 : i32
      %broadcast_in_dim3A_311 = vector.broadcast %broadcast_in_dim3A_310 : i32 to vector<16xi32>
      %gather3A_312 = tpu.vector_load_idx %arg9[%add3A_142, %broadcast_in_dim3A_311] : memref<1024x32xf32, #tpu.memory_space<vmem>>[vector<16xi32>, vector<16xi32>], vector<16xf32>,
      %mul3A_313 = arith.mulf %gather3A_312, %get3A_63 : vector<16xf32>
      %add3A_314 = arith.addf %add3A_294, %mul3A_313 : vector<16xf32>
      %broadcast_in_dim3A_315 = arith.constant 31 : i32
      %broadcast_in_dim3A_316 = vector.broadcast %broadcast_in_dim3A_315 : i32 to vector<16xi32>
      %gather3A_317 = tpu.vector_load_idx %arg9[%add3A_142, %broadcast_in_dim3A_316] : memref<1024x32xf32, #tpu.memory_space<vmem>>[vector<16xi32>, vector<16xi32>], vector<16xf32>,
      %mul3A_318 = arith.mulf %gather3A_317, %get3A_65 : vector<16xf32>
      %add3A_319 = arith.addf %add3A_299, %mul3A_318 : vector<16xf32>
      %add3A_320 = arith.addf %add3A_304, %add3A_309 : vector<16xf32>
      %add3A_321 = arith.addf %add3A_314, %add3A_319 : vector<16xf32>
      %add3A_322 = arith.addf %add3A_320, %add3A_321 : vector<16xf32>
      %neg3A = arith.constant 0.000000e+00 : f32
      %neg3A_323 = vector.broadcast %neg3A : f32 to vector<16xf32>
      %neg3A_324 = arith.subf %neg3A_323, %add3A_322 : vector<16xf32>
      %exp3A = math.exp %neg3A_324 : vector<16xf32>
      %add3A_325 = arith.constant 1.000000e+00 : f32
      %add3A_326 = vector.broadcast %add3A_325 : f32 to vector<16xf32>
      %add3A_327 = arith.addf %add3A_326, %exp3A : vector<16xf32>
      %div3A = arith.constant 1.000000e+00 : f32
      %div3A_328 = vector.broadcast %div3A : f32 to vector<16xf32>
      %div3A_329 = arith.divf %div3A_328, %add3A_327 : vector<16xf32>
      %mul3A_330 = arith.constant 16 : i32
      %mul3A_331 = arith.muli %scan3A_138, %mul3A_330 : i32
      %add3A_332 = arith.constant 0 : i32
      %add3A_333 = arith.addi %add3A_332, %mul3A_331 : i32
      %swap3A = arith.index_cast %add3A_333 : i32 to index
      %swap3A_334 = tpu.vector_load %arg12[%swap3A] {strides = array<i32>} : memref<5120xf32, #tpu.memory_space<vmem>>, vector<16xf32>,
      tpu.vector_store %arg12[%swap3A], %div3A_329 {strides = array<i32>} : memref<5120xf32, #tpu.memory_space<vmem>>, vector<16xf32>,
    }
    %scan3A_82 = arith.constant 64 : i32
    %dma_start3A_83 = arith.constant 2048 : i32
    %dma_start3A_84 = tpu.memref_slice %arg8[%dma_start3A_83] : memref<5120xi32, #tpu.memory_space<vmem>> -> memref<1024xi32, #tpu.memory_space<vmem>>
    %dma_start3A_85 = arith.constant 0 : i32
    %dma_start3A_86 = arith.constant 0 : i32
    %dma_start3A_87 = tpu.memref_slice %arg2[%dma_start3A_85, %dma_start3A_86] : memref<1000000x32xf32, #tpu.memory_space<hbm>> -> memref<1000000x32xf32, #tpu.memory_space<hbm>>
    tpu.enqueue_indirect_dma source(%dma_start3A_87 : memref<1000000x32xf32, #tpu.memory_space<hbm>>) target(%arg9 : memref<1024x32xf32, #tpu.memory_space<vmem>>) offsets(%dma_start3A_84 : memref<1024xi32, #tpu.memory_space<vmem>>) semaphore(%arg15 : memref<!tpu.dma_semaphore, #tpu.memory_space<semaphore_mem>>)
    %dma_wait3A_88 = arith.constant 1024 : i32
    %dma_wait3A_89 = tpu.memref_slice %arg8[%dma_wait3A_88] : memref<5120xi32, #tpu.memory_space<vmem>> -> memref<1024xi32, #tpu.memory_space<vmem>>
    %dma_wait3A_90 = arith.constant 0 : i32
    %dma_wait3A_91 = arith.constant 0 : i32
    %dma_wait3A_92 = tpu.memref_slice %arg2[%dma_wait3A_90, %dma_wait3A_91] : memref<1000000x32xf32, #tpu.memory_space<hbm>> -> memref<1000000x32xf32, #tpu.memory_space<hbm>>
    tpu.wait_indirect_dma semaphore(%arg16 : memref<!tpu.dma_semaphore, #tpu.memory_space<semaphore_mem>>) src(%dma_wait3A_92 : memref<1000000x32xf32, #tpu.memory_space<hbm>>) dst(%arg10 : memref<1024x32xf32, #tpu.memory_space<vmem>>)
    %scan3A_93 = arith.constant 0 : i32
    %scan3A_94 = arith.constant 64 : i32
    %scan3A_95 = arith.addi %scan3A_93, %scan3A_94 : i32
    %scan3A_96 = arith.constant 1 : i32
    scf.for %scan3A_138 = %scan3A_93 to %scan3A_95 step %scan3A_96  : i32 {
      %mul3A_139 = arith.constant 16 : i32
      %mul3A_140 = arith.muli %scan3A_138, %mul3A_139 : i32
      %add3A_141 = vector.broadcast %mul3A_140 : i32 to vector<16xi32>
      %add3A_142 = arith.addi %add3A_141, %iota3A : vector<16xi32>
      %mul3A_143 = arith.constant 16 : i32
      %mul3A_144 = arith.muli %scan3A_138, %mul3A_143 : i32
      %add3A_145 = arith.constant 1024 : i32
      %add3A_146 = arith.addi %add3A_145, %mul3A_144 : i32
      %get3A_147 = arith.index_cast %add3A_146 : i32 to index
      %get3A_148 = tpu.vector_load %arg11[%get3A_147] {strides = array<i32>} : memref<5120xf32, #tpu.memory_space<vmem>>, vector<16xf32>,
      %mul3A_149 = arith.constant 4.096000e+03 : f32
      %mul3A_150 = vector.broadcast %mul3A_149 : f32 to vector<16xf32>
      %mul3A_151 = arith.mulf %get3A_148, %mul3A_150 : vector<16xf32>
      %convert_element_type3A = arith.fptosi %mul3A_151 : vector<16xf32> to vector<16xi32>
      %min3A = arith.constant 4095 : i32
      %min3A_152 = vector.broadcast %min3A : i32 to vector<16xi32>
      %min3A_153 = arith.minsi %convert_element_type3A, %min3A_152 : vector<16xi32>
      %max3A = arith.constant 0 : i32
      %max3A_154 = vector.broadcast %max3A : i32 to vector<16xi32>
      %max3A_155 = arith.maxsi %min3A_153, %max3A_154 : vector<16xi32>
      %convert_element_type3A_156 = arith.sitofp %max3A_155 : vector<16xi32> to vector<16xf32>
      %sub3A = arith.subf %mul3A_151, %convert_element_type3A_156 : vector<16xf32>
      %gather3A = tpu.vector_load_idx %arg13[%max3A_155] : memref<4224xf32, #tpu.memory_space<vmem>>[vector<16xi32>], vector<16xf32>,
      %add3A_157 = arith.constant 1 : i32
      %add3A_158 = vector.broadcast %add3A_157 : i32 to vector<16xi32>
      %add3A_159 = arith.addi %max3A_155, %add3A_158 : vector<16xi32>
      %gather3A_160 = tpu.vector_load_idx %arg13[%add3A_159] : memref<4224xf32, #tpu.memory_space<vmem>>[vector<16xi32>], vector<16xf32>,
      %sub3A_161 = arith.subf %gather3A_160, %gather3A : vector<16xf32>
      %mul3A_162 = arith.mulf %sub3A, %sub3A_161 : vector<16xf32>
      %add3A_163 = arith.addf %gather3A, %mul3A_162 : vector<16xf32>
      %broadcast_in_dim3A = arith.constant 0 : i32
      %broadcast_in_dim3A_164 = vector.broadcast %broadcast_in_dim3A : i32 to vector<16xi32>
      %gather3A_165 = tpu.vector_load_idx %arg10[%add3A_142, %broadcast_in_dim3A_164] : memref<1024x32xf32, #tpu.memory_space<vmem>>[vector<16xi32>, vector<16xi32>], vector<16xf32>,
      %mul3A_166 = arith.mulf %gather3A_165, %get3A_3 : vector<16xf32>
      %add3A_167 = arith.addf %add3A_163, %mul3A_166 : vector<16xf32>
      %broadcast_in_dim3A_168 = arith.constant 1 : i32
      %broadcast_in_dim3A_169 = vector.broadcast %broadcast_in_dim3A_168 : i32 to vector<16xi32>
      %gather3A_170 = tpu.vector_load_idx %arg10[%add3A_142, %broadcast_in_dim3A_169] : memref<1024x32xf32, #tpu.memory_space<vmem>>[vector<16xi32>, vector<16xi32>], vector<16xf32>,
      %mul3A_171 = arith.mulf %gather3A_170, %get3A_5 : vector<16xf32>
      %broadcast_in_dim3A_172 = arith.constant 2 : i32
      %broadcast_in_dim3A_173 = vector.broadcast %broadcast_in_dim3A_172 : i32 to vector<16xi32>
      %gather3A_174 = tpu.vector_load_idx %arg10[%add3A_142, %broadcast_in_dim3A_173] : memref<1024x32xf32, #tpu.memory_space<vmem>>[vector<16xi32>, vector<16xi32>], vector<16xf32>,
      %mul3A_175 = arith.mulf %gather3A_174, %get3A_7 : vector<16xf32>
      %broadcast_in_dim3A_176 = arith.constant 3 : i32
      %broadcast_in_dim3A_177 = vector.broadcast %broadcast_in_dim3A_176 : i32 to vector<16xi32>
      %gather3A_178 = tpu.vector_load_idx %arg10[%add3A_142, %broadcast_in_dim3A_177] : memref<1024x32xf32, #tpu.memory_space<vmem>>[vector<16xi32>, vector<16xi32>], vector<16xf32>,
      %mul3A_179 = arith.mulf %gather3A_178, %get3A_9 : vector<16xf32>
      %broadcast_in_dim3A_180 = arith.constant 4 : i32
      %broadcast_in_dim3A_181 = vector.broadcast %broadcast_in_dim3A_180 : i32 to vector<16xi32>
      %gather3A_182 = tpu.vector_load_idx %arg10[%add3A_142, %broadcast_in_dim3A_181] : memref<1024x32xf32, #tpu.memory_space<vmem>>[vector<16xi32>, vector<16xi32>], vector<16xf32>,
      %mul3A_183 = arith.mulf %gather3A_182, %get3A_11 : vector<16xf32>
      %add3A_184 = arith.addf %add3A_167, %mul3A_183 : vector<16xf32>
      %broadcast_in_dim3A_185 = arith.constant 5 : i32
      %broadcast_in_dim3A_186 = vector.broadcast %broadcast_in_dim3A_185 : i32 to vector<16xi32>
      %gather3A_187 = tpu.vector_load_idx %arg10[%add3A_142, %broadcast_in_dim3A_186] : memref<1024x32xf32, #tpu.memory_space<vmem>>[vector<16xi32>, vector<16xi32>], vector<16xf32>,
      %mul3A_188 = arith.mulf %gather3A_187, %get3A_13 : vector<16xf32>
      %add3A_189 = arith.addf %mul3A_171, %mul3A_188 : vector<16xf32>
      %broadcast_in_dim3A_190 = arith.constant 6 : i32
      %broadcast_in_dim3A_191 = vector.broadcast %broadcast_in_dim3A_190 : i32 to vector<16xi32>
      %gather3A_192 = tpu.vector_load_idx %arg10[%add3A_142, %broadcast_in_dim3A_191] : memref<1024x32xf32, #tpu.memory_space<vmem>>[vector<16xi32>, vector<16xi32>], vector<16xf32>,
      %mul3A_193 = arith.mulf %gather3A_192, %get3A_15 : vector<16xf32>
      %add3A_194 = arith.addf %mul3A_175, %mul3A_193 : vector<16xf32>
      %broadcast_in_dim3A_195 = arith.constant 7 : i32
      %broadcast_in_dim3A_196 = vector.broadcast %broadcast_in_dim3A_195 : i32 to vector<16xi32>
      %gather3A_197 = tpu.vector_load_idx %arg10[%add3A_142, %broadcast_in_dim3A_196] : memref<1024x32xf32, #tpu.memory_space<vmem>>[vector<16xi32>, vector<16xi32>], vector<16xf32>,
      %mul3A_198 = arith.mulf %gather3A_197, %get3A_17 : vector<16xf32>
      %add3A_199 = arith.addf %mul3A_179, %mul3A_198 : vector<16xf32>
      %broadcast_in_dim3A_200 = arith.constant 8 : i32
      %broadcast_in_dim3A_201 = vector.broadcast %broadcast_in_dim3A_200 : i32 to vector<16xi32>
      %gather3A_202 = tpu.vector_load_idx %arg10[%add3A_142, %broadcast_in_dim3A_201] : memref<1024x32xf32, #tpu.memory_space<vmem>>[vector<16xi32>, vector<16xi32>], vector<16xf32>,
      %mul3A_203 = arith.mulf %gather3A_202, %get3A_19 : vector<16xf32>
      %add3A_204 = arith.addf %add3A_184, %mul3A_203 : vector<16xf32>
      %broadcast_in_dim3A_205 = arith.constant 9 : i32
      %broadcast_in_dim3A_206 = vector.broadcast %broadcast_in_dim3A_205 : i32 to vector<16xi32>
      %gather3A_207 = tpu.vector_load_idx %arg10[%add3A_142, %broadcast_in_dim3A_206] : memref<1024x32xf32, #tpu.memory_space<vmem>>[vector<16xi32>, vector<16xi32>], vector<16xf32>,
      %mul3A_208 = arith.mulf %gather3A_207, %get3A_21 : vector<16xf32>
      %add3A_209 = arith.addf %add3A_189, %mul3A_208 : vector<16xf32>
      %broadcast_in_dim3A_210 = arith.constant 10 : i32
      %broadcast_in_dim3A_211 = vector.broadcast %broadcast_in_dim3A_210 : i32 to vector<16xi32>
      %gather3A_212 = tpu.vector_load_idx %arg10[%add3A_142, %broadcast_in_dim3A_211] : memref<1024x32xf32, #tpu.memory_space<vmem>>[vector<16xi32>, vector<16xi32>], vector<16xf32>,
      %mul3A_213 = arith.mulf %gather3A_212, %get3A_23 : vector<16xf32>
      %add3A_214 = arith.addf %add3A_194, %mul3A_213 : vector<16xf32>
      %broadcast_in_dim3A_215 = arith.constant 11 : i32
      %broadcast_in_dim3A_216 = vector.broadcast %broadcast_in_dim3A_215 : i32 to vector<16xi32>
      %gather3A_217 = tpu.vector_load_idx %arg10[%add3A_142, %broadcast_in_dim3A_216] : memref<1024x32xf32, #tpu.memory_space<vmem>>[vector<16xi32>, vector<16xi32>], vector<16xf32>,
      %mul3A_218 = arith.mulf %gather3A_217, %get3A_25 : vector<16xf32>
      %add3A_219 = arith.addf %add3A_199, %mul3A_218 : vector<16xf32>
      %broadcast_in_dim3A_220 = arith.constant 12 : i32
      %broadcast_in_dim3A_221 = vector.broadcast %broadcast_in_dim3A_220 : i32 to vector<16xi32>
      %gather3A_222 = tpu.vector_load_idx %arg10[%add3A_142, %broadcast_in_dim3A_221] : memref<1024x32xf32, #tpu.memory_space<vmem>>[vector<16xi32>, vector<16xi32>], vector<16xf32>,
      %mul3A_223 = arith.mulf %gather3A_222, %get3A_27 : vector<16xf32>
      %add3A_224 = arith.addf %add3A_204, %mul3A_223 : vector<16xf32>
      %broadcast_in_dim3A_225 = arith.constant 13 : i32
      %broadcast_in_dim3A_226 = vector.broadcast %broadcast_in_dim3A_225 : i32 to vector<16xi32>
      %gather3A_227 = tpu.vector_load_idx %arg10[%add3A_142, %broadcast_in_dim3A_226] : memref<1024x32xf32, #tpu.memory_space<vmem>>[vector<16xi32>, vector<16xi32>], vector<16xf32>,
      %mul3A_228 = arith.mulf %gather3A_227, %get3A_29 : vector<16xf32>
      %add3A_229 = arith.addf %add3A_209, %mul3A_228 : vector<16xf32>
      %broadcast_in_dim3A_230 = arith.constant 14 : i32
      %broadcast_in_dim3A_231 = vector.broadcast %broadcast_in_dim3A_230 : i32 to vector<16xi32>
      %gather3A_232 = tpu.vector_load_idx %arg10[%add3A_142, %broadcast_in_dim3A_231] : memref<1024x32xf32, #tpu.memory_space<vmem>>[vector<16xi32>, vector<16xi32>], vector<16xf32>,
      %mul3A_233 = arith.mulf %gather3A_232, %get3A_31 : vector<16xf32>
      %add3A_234 = arith.addf %add3A_214, %mul3A_233 : vector<16xf32>
      %broadcast_in_dim3A_235 = arith.constant 15 : i32
      %broadcast_in_dim3A_236 = vector.broadcast %broadcast_in_dim3A_235 : i32 to vector<16xi32>
      %gather3A_237 = tpu.vector_load_idx %arg10[%add3A_142, %broadcast_in_dim3A_236] : memref<1024x32xf32, #tpu.memory_space<vmem>>[vector<16xi32>, vector<16xi32>], vector<16xf32>,
      %mul3A_238 = arith.mulf %gather3A_237, %get3A_33 : vector<16xf32>
      %add3A_239 = arith.addf %add3A_219, %mul3A_238 : vector<16xf32>
      %broadcast_in_dim3A_240 = arith.constant 16 : i32
      %broadcast_in_dim3A_241 = vector.broadcast %broadcast_in_dim3A_240 : i32 to vector<16xi32>
      %gather3A_242 = tpu.vector_load_idx %arg10[%add3A_142, %broadcast_in_dim3A_241] : memref<1024x32xf32, #tpu.memory_space<vmem>>[vector<16xi32>, vector<16xi32>], vector<16xf32>,
      %mul3A_243 = arith.mulf %gather3A_242, %get3A_35 : vector<16xf32>
      %add3A_244 = arith.addf %add3A_224, %mul3A_243 : vector<16xf32>
      %broadcast_in_dim3A_245 = arith.constant 17 : i32
      %broadcast_in_dim3A_246 = vector.broadcast %broadcast_in_dim3A_245 : i32 to vector<16xi32>
      %gather3A_247 = tpu.vector_load_idx %arg10[%add3A_142, %broadcast_in_dim3A_246] : memref<1024x32xf32, #tpu.memory_space<vmem>>[vector<16xi32>, vector<16xi32>], vector<16xf32>,
      %mul3A_248 = arith.mulf %gather3A_247, %get3A_37 : vector<16xf32>
      %add3A_249 = arith.addf %add3A_229, %mul3A_248 : vector<16xf32>
      %broadcast_in_dim3A_250 = arith.constant 18 : i32
      %broadcast_in_dim3A_251 = vector.broadcast %broadcast_in_dim3A_250 : i32 to vector<16xi32>
      %gather3A_252 = tpu.vector_load_idx %arg10[%add3A_142, %broadcast_in_dim3A_251] : memref<1024x32xf32, #tpu.memory_space<vmem>>[vector<16xi32>, vector<16xi32>], vector<16xf32>,
      %mul3A_253 = arith.mulf %gather3A_252, %get3A_39 : vector<16xf32>
      %add3A_254 = arith.addf %add3A_234, %mul3A_253 : vector<16xf32>
      %broadcast_in_dim3A_255 = arith.constant 19 : i32
      %broadcast_in_dim3A_256 = vector.broadcast %broadcast_in_dim3A_255 : i32 to vector<16xi32>
      %gather3A_257 = tpu.vector_load_idx %arg10[%add3A_142, %broadcast_in_dim3A_256] : memref<1024x32xf32, #tpu.memory_space<vmem>>[vector<16xi32>, vector<16xi32>], vector<16xf32>,
      %mul3A_258 = arith.mulf %gather3A_257, %get3A_41 : vector<16xf32>
      %add3A_259 = arith.addf %add3A_239, %mul3A_258 : vector<16xf32>
      %broadcast_in_dim3A_260 = arith.constant 20 : i32
      %broadcast_in_dim3A_261 = vector.broadcast %broadcast_in_dim3A_260 : i32 to vector<16xi32>
      %gather3A_262 = tpu.vector_load_idx %arg10[%add3A_142, %broadcast_in_dim3A_261] : memref<1024x32xf32, #tpu.memory_space<vmem>>[vector<16xi32>, vector<16xi32>], vector<16xf32>,
      %mul3A_263 = arith.mulf %gather3A_262, %get3A_43 : vector<16xf32>
      %add3A_264 = arith.addf %add3A_244, %mul3A_263 : vector<16xf32>
      %broadcast_in_dim3A_265 = arith.constant 21 : i32
      %broadcast_in_dim3A_266 = vector.broadcast %broadcast_in_dim3A_265 : i32 to vector<16xi32>
      %gather3A_267 = tpu.vector_load_idx %arg10[%add3A_142, %broadcast_in_dim3A_266] : memref<1024x32xf32, #tpu.memory_space<vmem>>[vector<16xi32>, vector<16xi32>], vector<16xf32>,
      %mul3A_268 = arith.mulf %gather3A_267, %get3A_45 : vector<16xf32>
      %add3A_269 = arith.addf %add3A_249, %mul3A_268 : vector<16xf32>
      %broadcast_in_dim3A_270 = arith.constant 22 : i32
      %broadcast_in_dim3A_271 = vector.broadcast %broadcast_in_dim3A_270 : i32 to vector<16xi32>
      %gather3A_272 = tpu.vector_load_idx %arg10[%add3A_142, %broadcast_in_dim3A_271] : memref<1024x32xf32, #tpu.memory_space<vmem>>[vector<16xi32>, vector<16xi32>], vector<16xf32>,
      %mul3A_273 = arith.mulf %gather3A_272, %get3A_47 : vector<16xf32>
      %add3A_274 = arith.addf %add3A_254, %mul3A_273 : vector<16xf32>
      %broadcast_in_dim3A_275 = arith.constant 23 : i32
      %broadcast_in_dim3A_276 = vector.broadcast %broadcast_in_dim3A_275 : i32 to vector<16xi32>
      %gather3A_277 = tpu.vector_load_idx %arg10[%add3A_142, %broadcast_in_dim3A_276] : memref<1024x32xf32, #tpu.memory_space<vmem>>[vector<16xi32>, vector<16xi32>], vector<16xf32>,
      %mul3A_278 = arith.mulf %gather3A_277, %get3A_49 : vector<16xf32>
      %add3A_279 = arith.addf %add3A_259, %mul3A_278 : vector<16xf32>
      %broadcast_in_dim3A_280 = arith.constant 24 : i32
      %broadcast_in_dim3A_281 = vector.broadcast %broadcast_in_dim3A_280 : i32 to vector<16xi32>
      %gather3A_282 = tpu.vector_load_idx %arg10[%add3A_142, %broadcast_in_dim3A_281] : memref<1024x32xf32, #tpu.memory_space<vmem>>[vector<16xi32>, vector<16xi32>], vector<16xf32>,
      %mul3A_283 = arith.mulf %gather3A_282, %get3A_51 : vector<16xf32>
      %add3A_284 = arith.addf %add3A_264, %mul3A_283 : vector<16xf32>
      %broadcast_in_dim3A_285 = arith.constant 25 : i32
      %broadcast_in_dim3A_286 = vector.broadcast %broadcast_in_dim3A_285 : i32 to vector<16xi32>
      %gather3A_287 = tpu.vector_load_idx %arg10[%add3A_142, %broadcast_in_dim3A_286] : memref<1024x32xf32, #tpu.memory_space<vmem>>[vector<16xi32>, vector<16xi32>], vector<16xf32>,
      %mul3A_288 = arith.mulf %gather3A_287, %get3A_53 : vector<16xf32>
      %add3A_289 = arith.addf %add3A_269, %mul3A_288 : vector<16xf32>
      %broadcast_in_dim3A_290 = arith.constant 26 : i32
      %broadcast_in_dim3A_291 = vector.broadcast %broadcast_in_dim3A_290 : i32 to vector<16xi32>
      %gather3A_292 = tpu.vector_load_idx %arg10[%add3A_142, %broadcast_in_dim3A_291] : memref<1024x32xf32, #tpu.memory_space<vmem>>[vector<16xi32>, vector<16xi32>], vector<16xf32>,
      %mul3A_293 = arith.mulf %gather3A_292, %get3A_55 : vector<16xf32>
      %add3A_294 = arith.addf %add3A_274, %mul3A_293 : vector<16xf32>
      %broadcast_in_dim3A_295 = arith.constant 27 : i32
      %broadcast_in_dim3A_296 = vector.broadcast %broadcast_in_dim3A_295 : i32 to vector<16xi32>
      %gather3A_297 = tpu.vector_load_idx %arg10[%add3A_142, %broadcast_in_dim3A_296] : memref<1024x32xf32, #tpu.memory_space<vmem>>[vector<16xi32>, vector<16xi32>], vector<16xf32>,
      %mul3A_298 = arith.mulf %gather3A_297, %get3A_57 : vector<16xf32>
      %add3A_299 = arith.addf %add3A_279, %mul3A_298 : vector<16xf32>
      %broadcast_in_dim3A_300 = arith.constant 28 : i32
      %broadcast_in_dim3A_301 = vector.broadcast %broadcast_in_dim3A_300 : i32 to vector<16xi32>
      %gather3A_302 = tpu.vector_load_idx %arg10[%add3A_142, %broadcast_in_dim3A_301] : memref<1024x32xf32, #tpu.memory_space<vmem>>[vector<16xi32>, vector<16xi32>], vector<16xf32>,
      %mul3A_303 = arith.mulf %gather3A_302, %get3A_59 : vector<16xf32>
      %add3A_304 = arith.addf %add3A_284, %mul3A_303 : vector<16xf32>
      %broadcast_in_dim3A_305 = arith.constant 29 : i32
      %broadcast_in_dim3A_306 = vector.broadcast %broadcast_in_dim3A_305 : i32 to vector<16xi32>
      %gather3A_307 = tpu.vector_load_idx %arg10[%add3A_142, %broadcast_in_dim3A_306] : memref<1024x32xf32, #tpu.memory_space<vmem>>[vector<16xi32>, vector<16xi32>], vector<16xf32>,
      %mul3A_308 = arith.mulf %gather3A_307, %get3A_61 : vector<16xf32>
      %add3A_309 = arith.addf %add3A_289, %mul3A_308 : vector<16xf32>
      %broadcast_in_dim3A_310 = arith.constant 30 : i32
      %broadcast_in_dim3A_311 = vector.broadcast %broadcast_in_dim3A_310 : i32 to vector<16xi32>
      %gather3A_312 = tpu.vector_load_idx %arg10[%add3A_142, %broadcast_in_dim3A_311] : memref<1024x32xf32, #tpu.memory_space<vmem>>[vector<16xi32>, vector<16xi32>], vector<16xf32>,
      %mul3A_313 = arith.mulf %gather3A_312, %get3A_63 : vector<16xf32>
      %add3A_314 = arith.addf %add3A_294, %mul3A_313 : vector<16xf32>
      %broadcast_in_dim3A_315 = arith.constant 31 : i32
      %broadcast_in_dim3A_316 = vector.broadcast %broadcast_in_dim3A_315 : i32 to vector<16xi32>
      %gather3A_317 = tpu.vector_load_idx %arg10[%add3A_142, %broadcast_in_dim3A_316] : memref<1024x32xf32, #tpu.memory_space<vmem>>[vector<16xi32>, vector<16xi32>], vector<16xf32>,
      %mul3A_318 = arith.mulf %gather3A_317, %get3A_65 : vector<16xf32>
      %add3A_319 = arith.addf %add3A_299, %mul3A_318 : vector<16xf32>
      %add3A_320 = arith.addf %add3A_304, %add3A_309 : vector<16xf32>
      %add3A_321 = arith.addf %add3A_314, %add3A_319 : vector<16xf32>
      %add3A_322 = arith.addf %add3A_320, %add3A_321 : vector<16xf32>
      %neg3A = arith.constant 0.000000e+00 : f32
      %neg3A_323 = vector.broadcast %neg3A : f32 to vector<16xf32>
      %neg3A_324 = arith.subf %neg3A_323, %add3A_322 : vector<16xf32>
      %exp3A = math.exp %neg3A_324 : vector<16xf32>
      %add3A_325 = arith.constant 1.000000e+00 : f32
      %add3A_326 = vector.broadcast %add3A_325 : f32 to vector<16xf32>
      %add3A_327 = arith.addf %add3A_326, %exp3A : vector<16xf32>
      %div3A = arith.constant 1.000000e+00 : f32
      %div3A_328 = vector.broadcast %div3A : f32 to vector<16xf32>
      %div3A_329 = arith.divf %div3A_328, %add3A_327 : vector<16xf32>
      %mul3A_330 = arith.constant 16 : i32
      %mul3A_331 = arith.muli %scan3A_138, %mul3A_330 : i32
      %add3A_332 = arith.constant 1024 : i32
      %add3A_333 = arith.addi %add3A_332, %mul3A_331 : i32
      %swap3A = arith.index_cast %add3A_333 : i32 to index
      %swap3A_334 = tpu.vector_load %arg12[%swap3A] {strides = array<i32>} : memref<5120xf32, #tpu.memory_space<vmem>>, vector<16xf32>,
      tpu.vector_store %arg12[%swap3A], %div3A_329 {strides = array<i32>} : memref<5120xf32, #tpu.memory_space<vmem>>, vector<16xf32>,
    }
    %scan3A_97 = arith.constant 64 : i32
    %dma_start3A_98 = arith.constant 3072 : i32
    %dma_start3A_99 = tpu.memref_slice %arg8[%dma_start3A_98] : memref<5120xi32, #tpu.memory_space<vmem>> -> memref<1024xi32, #tpu.memory_space<vmem>>
    %dma_start3A_100 = arith.constant 0 : i32
    %dma_start3A_101 = arith.constant 0 : i32
    %dma_start3A_102 = tpu.memref_slice %arg2[%dma_start3A_100, %dma_start3A_101] : memref<1000000x32xf32, #tpu.memory_space<hbm>> -> memref<1000000x32xf32, #tpu.memory_space<hbm>>
    tpu.enqueue_indirect_dma source(%dma_start3A_102 : memref<1000000x32xf32, #tpu.memory_space<hbm>>) target(%arg10 : memref<1024x32xf32, #tpu.memory_space<vmem>>) offsets(%dma_start3A_99 : memref<1024xi32, #tpu.memory_space<vmem>>) semaphore(%arg16 : memref<!tpu.dma_semaphore, #tpu.memory_space<semaphore_mem>>)
    %dma_wait3A_103 = arith.constant 2048 : i32
    %dma_wait3A_104 = tpu.memref_slice %arg8[%dma_wait3A_103] : memref<5120xi32, #tpu.memory_space<vmem>> -> memref<1024xi32, #tpu.memory_space<vmem>>
    %dma_wait3A_105 = arith.constant 0 : i32
    %dma_wait3A_106 = arith.constant 0 : i32
    %dma_wait3A_107 = tpu.memref_slice %arg2[%dma_wait3A_105, %dma_wait3A_106] : memref<1000000x32xf32, #tpu.memory_space<hbm>> -> memref<1000000x32xf32, #tpu.memory_space<hbm>>
    tpu.wait_indirect_dma semaphore(%arg15 : memref<!tpu.dma_semaphore, #tpu.memory_space<semaphore_mem>>) src(%dma_wait3A_107 : memref<1000000x32xf32, #tpu.memory_space<hbm>>) dst(%arg9 : memref<1024x32xf32, #tpu.memory_space<vmem>>)
    %scan3A_108 = arith.constant 0 : i32
    %scan3A_109 = arith.constant 64 : i32
    %scan3A_110 = arith.addi %scan3A_108, %scan3A_109 : i32
    %scan3A_111 = arith.constant 1 : i32
    scf.for %scan3A_138 = %scan3A_108 to %scan3A_110 step %scan3A_111  : i32 {
      %mul3A_139 = arith.constant 16 : i32
      %mul3A_140 = arith.muli %scan3A_138, %mul3A_139 : i32
      %add3A_141 = vector.broadcast %mul3A_140 : i32 to vector<16xi32>
      %add3A_142 = arith.addi %add3A_141, %iota3A : vector<16xi32>
      %mul3A_143 = arith.constant 16 : i32
      %mul3A_144 = arith.muli %scan3A_138, %mul3A_143 : i32
      %add3A_145 = arith.constant 2048 : i32
      %add3A_146 = arith.addi %add3A_145, %mul3A_144 : i32
      %get3A_147 = arith.index_cast %add3A_146 : i32 to index
      %get3A_148 = tpu.vector_load %arg11[%get3A_147] {strides = array<i32>} : memref<5120xf32, #tpu.memory_space<vmem>>, vector<16xf32>,
      %mul3A_149 = arith.constant 4.096000e+03 : f32
      %mul3A_150 = vector.broadcast %mul3A_149 : f32 to vector<16xf32>
      %mul3A_151 = arith.mulf %get3A_148, %mul3A_150 : vector<16xf32>
      %convert_element_type3A = arith.fptosi %mul3A_151 : vector<16xf32> to vector<16xi32>
      %min3A = arith.constant 4095 : i32
      %min3A_152 = vector.broadcast %min3A : i32 to vector<16xi32>
      %min3A_153 = arith.minsi %convert_element_type3A, %min3A_152 : vector<16xi32>
      %max3A = arith.constant 0 : i32
      %max3A_154 = vector.broadcast %max3A : i32 to vector<16xi32>
      %max3A_155 = arith.maxsi %min3A_153, %max3A_154 : vector<16xi32>
      %convert_element_type3A_156 = arith.sitofp %max3A_155 : vector<16xi32> to vector<16xf32>
      %sub3A = arith.subf %mul3A_151, %convert_element_type3A_156 : vector<16xf32>
      %gather3A = tpu.vector_load_idx %arg13[%max3A_155] : memref<4224xf32, #tpu.memory_space<vmem>>[vector<16xi32>], vector<16xf32>,
      %add3A_157 = arith.constant 1 : i32
      %add3A_158 = vector.broadcast %add3A_157 : i32 to vector<16xi32>
      %add3A_159 = arith.addi %max3A_155, %add3A_158 : vector<16xi32>
      %gather3A_160 = tpu.vector_load_idx %arg13[%add3A_159] : memref<4224xf32, #tpu.memory_space<vmem>>[vector<16xi32>], vector<16xf32>,
      %sub3A_161 = arith.subf %gather3A_160, %gather3A : vector<16xf32>
      %mul3A_162 = arith.mulf %sub3A, %sub3A_161 : vector<16xf32>
      %add3A_163 = arith.addf %gather3A, %mul3A_162 : vector<16xf32>
      %broadcast_in_dim3A = arith.constant 0 : i32
      %broadcast_in_dim3A_164 = vector.broadcast %broadcast_in_dim3A : i32 to vector<16xi32>
      %gather3A_165 = tpu.vector_load_idx %arg9[%add3A_142, %broadcast_in_dim3A_164] : memref<1024x32xf32, #tpu.memory_space<vmem>>[vector<16xi32>, vector<16xi32>], vector<16xf32>,
      %mul3A_166 = arith.mulf %gather3A_165, %get3A_3 : vector<16xf32>
      %add3A_167 = arith.addf %add3A_163, %mul3A_166 : vector<16xf32>
      %broadcast_in_dim3A_168 = arith.constant 1 : i32
      %broadcast_in_dim3A_169 = vector.broadcast %broadcast_in_dim3A_168 : i32 to vector<16xi32>
      %gather3A_170 = tpu.vector_load_idx %arg9[%add3A_142, %broadcast_in_dim3A_169] : memref<1024x32xf32, #tpu.memory_space<vmem>>[vector<16xi32>, vector<16xi32>], vector<16xf32>,
      %mul3A_171 = arith.mulf %gather3A_170, %get3A_5 : vector<16xf32>
      %broadcast_in_dim3A_172 = arith.constant 2 : i32
      %broadcast_in_dim3A_173 = vector.broadcast %broadcast_in_dim3A_172 : i32 to vector<16xi32>
      %gather3A_174 = tpu.vector_load_idx %arg9[%add3A_142, %broadcast_in_dim3A_173] : memref<1024x32xf32, #tpu.memory_space<vmem>>[vector<16xi32>, vector<16xi32>], vector<16xf32>,
      %mul3A_175 = arith.mulf %gather3A_174, %get3A_7 : vector<16xf32>
      %broadcast_in_dim3A_176 = arith.constant 3 : i32
      %broadcast_in_dim3A_177 = vector.broadcast %broadcast_in_dim3A_176 : i32 to vector<16xi32>
      %gather3A_178 = tpu.vector_load_idx %arg9[%add3A_142, %broadcast_in_dim3A_177] : memref<1024x32xf32, #tpu.memory_space<vmem>>[vector<16xi32>, vector<16xi32>], vector<16xf32>,
      %mul3A_179 = arith.mulf %gather3A_178, %get3A_9 : vector<16xf32>
      %broadcast_in_dim3A_180 = arith.constant 4 : i32
      %broadcast_in_dim3A_181 = vector.broadcast %broadcast_in_dim3A_180 : i32 to vector<16xi32>
      %gather3A_182 = tpu.vector_load_idx %arg9[%add3A_142, %broadcast_in_dim3A_181] : memref<1024x32xf32, #tpu.memory_space<vmem>>[vector<16xi32>, vector<16xi32>], vector<16xf32>,
      %mul3A_183 = arith.mulf %gather3A_182, %get3A_11 : vector<16xf32>
      %add3A_184 = arith.addf %add3A_167, %mul3A_183 : vector<16xf32>
      %broadcast_in_dim3A_185 = arith.constant 5 : i32
      %broadcast_in_dim3A_186 = vector.broadcast %broadcast_in_dim3A_185 : i32 to vector<16xi32>
      %gather3A_187 = tpu.vector_load_idx %arg9[%add3A_142, %broadcast_in_dim3A_186] : memref<1024x32xf32, #tpu.memory_space<vmem>>[vector<16xi32>, vector<16xi32>], vector<16xf32>,
      %mul3A_188 = arith.mulf %gather3A_187, %get3A_13 : vector<16xf32>
      %add3A_189 = arith.addf %mul3A_171, %mul3A_188 : vector<16xf32>
      %broadcast_in_dim3A_190 = arith.constant 6 : i32
      %broadcast_in_dim3A_191 = vector.broadcast %broadcast_in_dim3A_190 : i32 to vector<16xi32>
      %gather3A_192 = tpu.vector_load_idx %arg9[%add3A_142, %broadcast_in_dim3A_191] : memref<1024x32xf32, #tpu.memory_space<vmem>>[vector<16xi32>, vector<16xi32>], vector<16xf32>,
      %mul3A_193 = arith.mulf %gather3A_192, %get3A_15 : vector<16xf32>
      %add3A_194 = arith.addf %mul3A_175, %mul3A_193 : vector<16xf32>
      %broadcast_in_dim3A_195 = arith.constant 7 : i32
      %broadcast_in_dim3A_196 = vector.broadcast %broadcast_in_dim3A_195 : i32 to vector<16xi32>
      %gather3A_197 = tpu.vector_load_idx %arg9[%add3A_142, %broadcast_in_dim3A_196] : memref<1024x32xf32, #tpu.memory_space<vmem>>[vector<16xi32>, vector<16xi32>], vector<16xf32>,
      %mul3A_198 = arith.mulf %gather3A_197, %get3A_17 : vector<16xf32>
      %add3A_199 = arith.addf %mul3A_179, %mul3A_198 : vector<16xf32>
      %broadcast_in_dim3A_200 = arith.constant 8 : i32
      %broadcast_in_dim3A_201 = vector.broadcast %broadcast_in_dim3A_200 : i32 to vector<16xi32>
      %gather3A_202 = tpu.vector_load_idx %arg9[%add3A_142, %broadcast_in_dim3A_201] : memref<1024x32xf32, #tpu.memory_space<vmem>>[vector<16xi32>, vector<16xi32>], vector<16xf32>,
      %mul3A_203 = arith.mulf %gather3A_202, %get3A_19 : vector<16xf32>
      %add3A_204 = arith.addf %add3A_184, %mul3A_203 : vector<16xf32>
      %broadcast_in_dim3A_205 = arith.constant 9 : i32
      %broadcast_in_dim3A_206 = vector.broadcast %broadcast_in_dim3A_205 : i32 to vector<16xi32>
      %gather3A_207 = tpu.vector_load_idx %arg9[%add3A_142, %broadcast_in_dim3A_206] : memref<1024x32xf32, #tpu.memory_space<vmem>>[vector<16xi32>, vector<16xi32>], vector<16xf32>,
      %mul3A_208 = arith.mulf %gather3A_207, %get3A_21 : vector<16xf32>
      %add3A_209 = arith.addf %add3A_189, %mul3A_208 : vector<16xf32>
      %broadcast_in_dim3A_210 = arith.constant 10 : i32
      %broadcast_in_dim3A_211 = vector.broadcast %broadcast_in_dim3A_210 : i32 to vector<16xi32>
      %gather3A_212 = tpu.vector_load_idx %arg9[%add3A_142, %broadcast_in_dim3A_211] : memref<1024x32xf32, #tpu.memory_space<vmem>>[vector<16xi32>, vector<16xi32>], vector<16xf32>,
      %mul3A_213 = arith.mulf %gather3A_212, %get3A_23 : vector<16xf32>
      %add3A_214 = arith.addf %add3A_194, %mul3A_213 : vector<16xf32>
      %broadcast_in_dim3A_215 = arith.constant 11 : i32
      %broadcast_in_dim3A_216 = vector.broadcast %broadcast_in_dim3A_215 : i32 to vector<16xi32>
      %gather3A_217 = tpu.vector_load_idx %arg9[%add3A_142, %broadcast_in_dim3A_216] : memref<1024x32xf32, #tpu.memory_space<vmem>>[vector<16xi32>, vector<16xi32>], vector<16xf32>,
      %mul3A_218 = arith.mulf %gather3A_217, %get3A_25 : vector<16xf32>
      %add3A_219 = arith.addf %add3A_199, %mul3A_218 : vector<16xf32>
      %broadcast_in_dim3A_220 = arith.constant 12 : i32
      %broadcast_in_dim3A_221 = vector.broadcast %broadcast_in_dim3A_220 : i32 to vector<16xi32>
      %gather3A_222 = tpu.vector_load_idx %arg9[%add3A_142, %broadcast_in_dim3A_221] : memref<1024x32xf32, #tpu.memory_space<vmem>>[vector<16xi32>, vector<16xi32>], vector<16xf32>,
      %mul3A_223 = arith.mulf %gather3A_222, %get3A_27 : vector<16xf32>
      %add3A_224 = arith.addf %add3A_204, %mul3A_223 : vector<16xf32>
      %broadcast_in_dim3A_225 = arith.constant 13 : i32
      %broadcast_in_dim3A_226 = vector.broadcast %broadcast_in_dim3A_225 : i32 to vector<16xi32>
      %gather3A_227 = tpu.vector_load_idx %arg9[%add3A_142, %broadcast_in_dim3A_226] : memref<1024x32xf32, #tpu.memory_space<vmem>>[vector<16xi32>, vector<16xi32>], vector<16xf32>,
      %mul3A_228 = arith.mulf %gather3A_227, %get3A_29 : vector<16xf32>
      %add3A_229 = arith.addf %add3A_209, %mul3A_228 : vector<16xf32>
      %broadcast_in_dim3A_230 = arith.constant 14 : i32
      %broadcast_in_dim3A_231 = vector.broadcast %broadcast_in_dim3A_230 : i32 to vector<16xi32>
      %gather3A_232 = tpu.vector_load_idx %arg9[%add3A_142, %broadcast_in_dim3A_231] : memref<1024x32xf32, #tpu.memory_space<vmem>>[vector<16xi32>, vector<16xi32>], vector<16xf32>,
      %mul3A_233 = arith.mulf %gather3A_232, %get3A_31 : vector<16xf32>
      %add3A_234 = arith.addf %add3A_214, %mul3A_233 : vector<16xf32>
      %broadcast_in_dim3A_235 = arith.constant 15 : i32
      %broadcast_in_dim3A_236 = vector.broadcast %broadcast_in_dim3A_235 : i32 to vector<16xi32>
      %gather3A_237 = tpu.vector_load_idx %arg9[%add3A_142, %broadcast_in_dim3A_236] : memref<1024x32xf32, #tpu.memory_space<vmem>>[vector<16xi32>, vector<16xi32>], vector<16xf32>,
      %mul3A_238 = arith.mulf %gather3A_237, %get3A_33 : vector<16xf32>
      %add3A_239 = arith.addf %add3A_219, %mul3A_238 : vector<16xf32>
      %broadcast_in_dim3A_240 = arith.constant 16 : i32
      %broadcast_in_dim3A_241 = vector.broadcast %broadcast_in_dim3A_240 : i32 to vector<16xi32>
      %gather3A_242 = tpu.vector_load_idx %arg9[%add3A_142, %broadcast_in_dim3A_241] : memref<1024x32xf32, #tpu.memory_space<vmem>>[vector<16xi32>, vector<16xi32>], vector<16xf32>,
      %mul3A_243 = arith.mulf %gather3A_242, %get3A_35 : vector<16xf32>
      %add3A_244 = arith.addf %add3A_224, %mul3A_243 : vector<16xf32>
      %broadcast_in_dim3A_245 = arith.constant 17 : i32
      %broadcast_in_dim3A_246 = vector.broadcast %broadcast_in_dim3A_245 : i32 to vector<16xi32>
      %gather3A_247 = tpu.vector_load_idx %arg9[%add3A_142, %broadcast_in_dim3A_246] : memref<1024x32xf32, #tpu.memory_space<vmem>>[vector<16xi32>, vector<16xi32>], vector<16xf32>,
      %mul3A_248 = arith.mulf %gather3A_247, %get3A_37 : vector<16xf32>
      %add3A_249 = arith.addf %add3A_229, %mul3A_248 : vector<16xf32>
      %broadcast_in_dim3A_250 = arith.constant 18 : i32
      %broadcast_in_dim3A_251 = vector.broadcast %broadcast_in_dim3A_250 : i32 to vector<16xi32>
      %gather3A_252 = tpu.vector_load_idx %arg9[%add3A_142, %broadcast_in_dim3A_251] : memref<1024x32xf32, #tpu.memory_space<vmem>>[vector<16xi32>, vector<16xi32>], vector<16xf32>,
      %mul3A_253 = arith.mulf %gather3A_252, %get3A_39 : vector<16xf32>
      %add3A_254 = arith.addf %add3A_234, %mul3A_253 : vector<16xf32>
      %broadcast_in_dim3A_255 = arith.constant 19 : i32
      %broadcast_in_dim3A_256 = vector.broadcast %broadcast_in_dim3A_255 : i32 to vector<16xi32>
      %gather3A_257 = tpu.vector_load_idx %arg9[%add3A_142, %broadcast_in_dim3A_256] : memref<1024x32xf32, #tpu.memory_space<vmem>>[vector<16xi32>, vector<16xi32>], vector<16xf32>,
      %mul3A_258 = arith.mulf %gather3A_257, %get3A_41 : vector<16xf32>
      %add3A_259 = arith.addf %add3A_239, %mul3A_258 : vector<16xf32>
      %broadcast_in_dim3A_260 = arith.constant 20 : i32
      %broadcast_in_dim3A_261 = vector.broadcast %broadcast_in_dim3A_260 : i32 to vector<16xi32>
      %gather3A_262 = tpu.vector_load_idx %arg9[%add3A_142, %broadcast_in_dim3A_261] : memref<1024x32xf32, #tpu.memory_space<vmem>>[vector<16xi32>, vector<16xi32>], vector<16xf32>,
      %mul3A_263 = arith.mulf %gather3A_262, %get3A_43 : vector<16xf32>
      %add3A_264 = arith.addf %add3A_244, %mul3A_263 : vector<16xf32>
      %broadcast_in_dim3A_265 = arith.constant 21 : i32
      %broadcast_in_dim3A_266 = vector.broadcast %broadcast_in_dim3A_265 : i32 to vector<16xi32>
      %gather3A_267 = tpu.vector_load_idx %arg9[%add3A_142, %broadcast_in_dim3A_266] : memref<1024x32xf32, #tpu.memory_space<vmem>>[vector<16xi32>, vector<16xi32>], vector<16xf32>,
      %mul3A_268 = arith.mulf %gather3A_267, %get3A_45 : vector<16xf32>
      %add3A_269 = arith.addf %add3A_249, %mul3A_268 : vector<16xf32>
      %broadcast_in_dim3A_270 = arith.constant 22 : i32
      %broadcast_in_dim3A_271 = vector.broadcast %broadcast_in_dim3A_270 : i32 to vector<16xi32>
      %gather3A_272 = tpu.vector_load_idx %arg9[%add3A_142, %broadcast_in_dim3A_271] : memref<1024x32xf32, #tpu.memory_space<vmem>>[vector<16xi32>, vector<16xi32>], vector<16xf32>,
      %mul3A_273 = arith.mulf %gather3A_272, %get3A_47 : vector<16xf32>
      %add3A_274 = arith.addf %add3A_254, %mul3A_273 : vector<16xf32>
      %broadcast_in_dim3A_275 = arith.constant 23 : i32
      %broadcast_in_dim3A_276 = vector.broadcast %broadcast_in_dim3A_275 : i32 to vector<16xi32>
      %gather3A_277 = tpu.vector_load_idx %arg9[%add3A_142, %broadcast_in_dim3A_276] : memref<1024x32xf32, #tpu.memory_space<vmem>>[vector<16xi32>, vector<16xi32>], vector<16xf32>,
      %mul3A_278 = arith.mulf %gather3A_277, %get3A_49 : vector<16xf32>
      %add3A_279 = arith.addf %add3A_259, %mul3A_278 : vector<16xf32>
      %broadcast_in_dim3A_280 = arith.constant 24 : i32
      %broadcast_in_dim3A_281 = vector.broadcast %broadcast_in_dim3A_280 : i32 to vector<16xi32>
      %gather3A_282 = tpu.vector_load_idx %arg9[%add3A_142, %broadcast_in_dim3A_281] : memref<1024x32xf32, #tpu.memory_space<vmem>>[vector<16xi32>, vector<16xi32>], vector<16xf32>,
      %mul3A_283 = arith.mulf %gather3A_282, %get3A_51 : vector<16xf32>
      %add3A_284 = arith.addf %add3A_264, %mul3A_283 : vector<16xf32>
      %broadcast_in_dim3A_285 = arith.constant 25 : i32
      %broadcast_in_dim3A_286 = vector.broadcast %broadcast_in_dim3A_285 : i32 to vector<16xi32>
      %gather3A_287 = tpu.vector_load_idx %arg9[%add3A_142, %broadcast_in_dim3A_286] : memref<1024x32xf32, #tpu.memory_space<vmem>>[vector<16xi32>, vector<16xi32>], vector<16xf32>,
      %mul3A_288 = arith.mulf %gather3A_287, %get3A_53 : vector<16xf32>
      %add3A_289 = arith.addf %add3A_269, %mul3A_288 : vector<16xf32>
      %broadcast_in_dim3A_290 = arith.constant 26 : i32
      %broadcast_in_dim3A_291 = vector.broadcast %broadcast_in_dim3A_290 : i32 to vector<16xi32>
      %gather3A_292 = tpu.vector_load_idx %arg9[%add3A_142, %broadcast_in_dim3A_291] : memref<1024x32xf32, #tpu.memory_space<vmem>>[vector<16xi32>, vector<16xi32>], vector<16xf32>,
      %mul3A_293 = arith.mulf %gather3A_292, %get3A_55 : vector<16xf32>
      %add3A_294 = arith.addf %add3A_274, %mul3A_293 : vector<16xf32>
      %broadcast_in_dim3A_295 = arith.constant 27 : i32
      %broadcast_in_dim3A_296 = vector.broadcast %broadcast_in_dim3A_295 : i32 to vector<16xi32>
      %gather3A_297 = tpu.vector_load_idx %arg9[%add3A_142, %broadcast_in_dim3A_296] : memref<1024x32xf32, #tpu.memory_space<vmem>>[vector<16xi32>, vector<16xi32>], vector<16xf32>,
      %mul3A_298 = arith.mulf %gather3A_297, %get3A_57 : vector<16xf32>
      %add3A_299 = arith.addf %add3A_279, %mul3A_298 : vector<16xf32>
      %broadcast_in_dim3A_300 = arith.constant 28 : i32
      %broadcast_in_dim3A_301 = vector.broadcast %broadcast_in_dim3A_300 : i32 to vector<16xi32>
      %gather3A_302 = tpu.vector_load_idx %arg9[%add3A_142, %broadcast_in_dim3A_301] : memref<1024x32xf32, #tpu.memory_space<vmem>>[vector<16xi32>, vector<16xi32>], vector<16xf32>,
      %mul3A_303 = arith.mulf %gather3A_302, %get3A_59 : vector<16xf32>
      %add3A_304 = arith.addf %add3A_284, %mul3A_303 : vector<16xf32>
      %broadcast_in_dim3A_305 = arith.constant 29 : i32
      %broadcast_in_dim3A_306 = vector.broadcast %broadcast_in_dim3A_305 : i32 to vector<16xi32>
      %gather3A_307 = tpu.vector_load_idx %arg9[%add3A_142, %broadcast_in_dim3A_306] : memref<1024x32xf32, #tpu.memory_space<vmem>>[vector<16xi32>, vector<16xi32>], vector<16xf32>,
      %mul3A_308 = arith.mulf %gather3A_307, %get3A_61 : vector<16xf32>
      %add3A_309 = arith.addf %add3A_289, %mul3A_308 : vector<16xf32>
      %broadcast_in_dim3A_310 = arith.constant 30 : i32
      %broadcast_in_dim3A_311 = vector.broadcast %broadcast_in_dim3A_310 : i32 to vector<16xi32>
      %gather3A_312 = tpu.vector_load_idx %arg9[%add3A_142, %broadcast_in_dim3A_311] : memref<1024x32xf32, #tpu.memory_space<vmem>>[vector<16xi32>, vector<16xi32>], vector<16xf32>,
      %mul3A_313 = arith.mulf %gather3A_312, %get3A_63 : vector<16xf32>
      %add3A_314 = arith.addf %add3A_294, %mul3A_313 : vector<16xf32>
      %broadcast_in_dim3A_315 = arith.constant 31 : i32
      %broadcast_in_dim3A_316 = vector.broadcast %broadcast_in_dim3A_315 : i32 to vector<16xi32>
      %gather3A_317 = tpu.vector_load_idx %arg9[%add3A_142, %broadcast_in_dim3A_316] : memref<1024x32xf32, #tpu.memory_space<vmem>>[vector<16xi32>, vector<16xi32>], vector<16xf32>,
      %mul3A_318 = arith.mulf %gather3A_317, %get3A_65 : vector<16xf32>
      %add3A_319 = arith.addf %add3A_299, %mul3A_318 : vector<16xf32>
      %add3A_320 = arith.addf %add3A_304, %add3A_309 : vector<16xf32>
      %add3A_321 = arith.addf %add3A_314, %add3A_319 : vector<16xf32>
      %add3A_322 = arith.addf %add3A_320, %add3A_321 : vector<16xf32>
      %neg3A = arith.constant 0.000000e+00 : f32
      %neg3A_323 = vector.broadcast %neg3A : f32 to vector<16xf32>
      %neg3A_324 = arith.subf %neg3A_323, %add3A_322 : vector<16xf32>
      %exp3A = math.exp %neg3A_324 : vector<16xf32>
      %add3A_325 = arith.constant 1.000000e+00 : f32
      %add3A_326 = vector.broadcast %add3A_325 : f32 to vector<16xf32>
      %add3A_327 = arith.addf %add3A_326, %exp3A : vector<16xf32>
      %div3A = arith.constant 1.000000e+00 : f32
      %div3A_328 = vector.broadcast %div3A : f32 to vector<16xf32>
      %div3A_329 = arith.divf %div3A_328, %add3A_327 : vector<16xf32>
      %mul3A_330 = arith.constant 16 : i32
      %mul3A_331 = arith.muli %scan3A_138, %mul3A_330 : i32
      %add3A_332 = arith.constant 2048 : i32
      %add3A_333 = arith.addi %add3A_332, %mul3A_331 : i32
      %swap3A = arith.index_cast %add3A_333 : i32 to index
      %swap3A_334 = tpu.vector_load %arg12[%swap3A] {strides = array<i32>} : memref<5120xf32, #tpu.memory_space<vmem>>, vector<16xf32>,
      tpu.vector_store %arg12[%swap3A], %div3A_329 {strides = array<i32>} : memref<5120xf32, #tpu.memory_space<vmem>>, vector<16xf32>,
    }
    %scan3A_112 = arith.constant 64 : i32
    %dma_start3A_113 = arith.constant 4096 : i32
    %dma_start3A_114 = tpu.memref_slice %arg8[%dma_start3A_113] : memref<5120xi32, #tpu.memory_space<vmem>> -> memref<1024xi32, #tpu.memory_space<vmem>>
    %dma_start3A_115 = arith.constant 0 : i32
    %dma_start3A_116 = arith.constant 0 : i32
    %dma_start3A_117 = tpu.memref_slice %arg2[%dma_start3A_115, %dma_start3A_116] : memref<1000000x32xf32, #tpu.memory_space<hbm>> -> memref<1000000x32xf32, #tpu.memory_space<hbm>>
    tpu.enqueue_indirect_dma source(%dma_start3A_117 : memref<1000000x32xf32, #tpu.memory_space<hbm>>) target(%arg9 : memref<1024x32xf32, #tpu.memory_space<vmem>>) offsets(%dma_start3A_114 : memref<1024xi32, #tpu.memory_space<vmem>>) semaphore(%arg15 : memref<!tpu.dma_semaphore, #tpu.memory_space<semaphore_mem>>)
    %dma_wait3A_118 = arith.constant 3072 : i32
    %dma_wait3A_119 = tpu.memref_slice %arg8[%dma_wait3A_118] : memref<5120xi32, #tpu.memory_space<vmem>> -> memref<1024xi32, #tpu.memory_space<vmem>>
    %dma_wait3A_120 = arith.constant 0 : i32
    %dma_wait3A_121 = arith.constant 0 : i32
    %dma_wait3A_122 = tpu.memref_slice %arg2[%dma_wait3A_120, %dma_wait3A_121] : memref<1000000x32xf32, #tpu.memory_space<hbm>> -> memref<1000000x32xf32, #tpu.memory_space<hbm>>
    tpu.wait_indirect_dma semaphore(%arg16 : memref<!tpu.dma_semaphore, #tpu.memory_space<semaphore_mem>>) src(%dma_wait3A_122 : memref<1000000x32xf32, #tpu.memory_space<hbm>>) dst(%arg10 : memref<1024x32xf32, #tpu.memory_space<vmem>>)
    %scan3A_123 = arith.constant 0 : i32
    %scan3A_124 = arith.constant 64 : i32
    %scan3A_125 = arith.addi %scan3A_123, %scan3A_124 : i32
    %scan3A_126 = arith.constant 1 : i32
    scf.for %scan3A_138 = %scan3A_123 to %scan3A_125 step %scan3A_126  : i32 {
      %mul3A_139 = arith.constant 16 : i32
      %mul3A_140 = arith.muli %scan3A_138, %mul3A_139 : i32
      %add3A_141 = vector.broadcast %mul3A_140 : i32 to vector<16xi32>
      %add3A_142 = arith.addi %add3A_141, %iota3A : vector<16xi32>
      %mul3A_143 = arith.constant 16 : i32
      %mul3A_144 = arith.muli %scan3A_138, %mul3A_143 : i32
      %add3A_145 = arith.constant 3072 : i32
      %add3A_146 = arith.addi %add3A_145, %mul3A_144 : i32
      %get3A_147 = arith.index_cast %add3A_146 : i32 to index
      %get3A_148 = tpu.vector_load %arg11[%get3A_147] {strides = array<i32>} : memref<5120xf32, #tpu.memory_space<vmem>>, vector<16xf32>,
      %mul3A_149 = arith.constant 4.096000e+03 : f32
      %mul3A_150 = vector.broadcast %mul3A_149 : f32 to vector<16xf32>
      %mul3A_151 = arith.mulf %get3A_148, %mul3A_150 : vector<16xf32>
      %convert_element_type3A = arith.fptosi %mul3A_151 : vector<16xf32> to vector<16xi32>
      %min3A = arith.constant 4095 : i32
      %min3A_152 = vector.broadcast %min3A : i32 to vector<16xi32>
      %min3A_153 = arith.minsi %convert_element_type3A, %min3A_152 : vector<16xi32>
      %max3A = arith.constant 0 : i32
      %max3A_154 = vector.broadcast %max3A : i32 to vector<16xi32>
      %max3A_155 = arith.maxsi %min3A_153, %max3A_154 : vector<16xi32>
      %convert_element_type3A_156 = arith.sitofp %max3A_155 : vector<16xi32> to vector<16xf32>
      %sub3A = arith.subf %mul3A_151, %convert_element_type3A_156 : vector<16xf32>
      %gather3A = tpu.vector_load_idx %arg13[%max3A_155] : memref<4224xf32, #tpu.memory_space<vmem>>[vector<16xi32>], vector<16xf32>,
      %add3A_157 = arith.constant 1 : i32
      %add3A_158 = vector.broadcast %add3A_157 : i32 to vector<16xi32>
      %add3A_159 = arith.addi %max3A_155, %add3A_158 : vector<16xi32>
      %gather3A_160 = tpu.vector_load_idx %arg13[%add3A_159] : memref<4224xf32, #tpu.memory_space<vmem>>[vector<16xi32>], vector<16xf32>,
      %sub3A_161 = arith.subf %gather3A_160, %gather3A : vector<16xf32>
      %mul3A_162 = arith.mulf %sub3A, %sub3A_161 : vector<16xf32>
      %add3A_163 = arith.addf %gather3A, %mul3A_162 : vector<16xf32>
      %broadcast_in_dim3A = arith.constant 0 : i32
      %broadcast_in_dim3A_164 = vector.broadcast %broadcast_in_dim3A : i32 to vector<16xi32>
      %gather3A_165 = tpu.vector_load_idx %arg10[%add3A_142, %broadcast_in_dim3A_164] : memref<1024x32xf32, #tpu.memory_space<vmem>>[vector<16xi32>, vector<16xi32>], vector<16xf32>,
      %mul3A_166 = arith.mulf %gather3A_165, %get3A_3 : vector<16xf32>
      %add3A_167 = arith.addf %add3A_163, %mul3A_166 : vector<16xf32>
      %broadcast_in_dim3A_168 = arith.constant 1 : i32
      %broadcast_in_dim3A_169 = vector.broadcast %broadcast_in_dim3A_168 : i32 to vector<16xi32>
      %gather3A_170 = tpu.vector_load_idx %arg10[%add3A_142, %broadcast_in_dim3A_169] : memref<1024x32xf32, #tpu.memory_space<vmem>>[vector<16xi32>, vector<16xi32>], vector<16xf32>,
      %mul3A_171 = arith.mulf %gather3A_170, %get3A_5 : vector<16xf32>
      %broadcast_in_dim3A_172 = arith.constant 2 : i32
      %broadcast_in_dim3A_173 = vector.broadcast %broadcast_in_dim3A_172 : i32 to vector<16xi32>
      %gather3A_174 = tpu.vector_load_idx %arg10[%add3A_142, %broadcast_in_dim3A_173] : memref<1024x32xf32, #tpu.memory_space<vmem>>[vector<16xi32>, vector<16xi32>], vector<16xf32>,
      %mul3A_175 = arith.mulf %gather3A_174, %get3A_7 : vector<16xf32>
      %broadcast_in_dim3A_176 = arith.constant 3 : i32
      %broadcast_in_dim3A_177 = vector.broadcast %broadcast_in_dim3A_176 : i32 to vector<16xi32>
      %gather3A_178 = tpu.vector_load_idx %arg10[%add3A_142, %broadcast_in_dim3A_177] : memref<1024x32xf32, #tpu.memory_space<vmem>>[vector<16xi32>, vector<16xi32>], vector<16xf32>,
      %mul3A_179 = arith.mulf %gather3A_178, %get3A_9 : vector<16xf32>
      %broadcast_in_dim3A_180 = arith.constant 4 : i32
      %broadcast_in_dim3A_181 = vector.broadcast %broadcast_in_dim3A_180 : i32 to vector<16xi32>
      %gather3A_182 = tpu.vector_load_idx %arg10[%add3A_142, %broadcast_in_dim3A_181] : memref<1024x32xf32, #tpu.memory_space<vmem>>[vector<16xi32>, vector<16xi32>], vector<16xf32>,
      %mul3A_183 = arith.mulf %gather3A_182, %get3A_11 : vector<16xf32>
      %add3A_184 = arith.addf %add3A_167, %mul3A_183 : vector<16xf32>
      %broadcast_in_dim3A_185 = arith.constant 5 : i32
      %broadcast_in_dim3A_186 = vector.broadcast %broadcast_in_dim3A_185 : i32 to vector<16xi32>
      %gather3A_187 = tpu.vector_load_idx %arg10[%add3A_142, %broadcast_in_dim3A_186] : memref<1024x32xf32, #tpu.memory_space<vmem>>[vector<16xi32>, vector<16xi32>], vector<16xf32>,
      %mul3A_188 = arith.mulf %gather3A_187, %get3A_13 : vector<16xf32>
      %add3A_189 = arith.addf %mul3A_171, %mul3A_188 : vector<16xf32>
      %broadcast_in_dim3A_190 = arith.constant 6 : i32
      %broadcast_in_dim3A_191 = vector.broadcast %broadcast_in_dim3A_190 : i32 to vector<16xi32>
      %gather3A_192 = tpu.vector_load_idx %arg10[%add3A_142, %broadcast_in_dim3A_191] : memref<1024x32xf32, #tpu.memory_space<vmem>>[vector<16xi32>, vector<16xi32>], vector<16xf32>,
      %mul3A_193 = arith.mulf %gather3A_192, %get3A_15 : vector<16xf32>
      %add3A_194 = arith.addf %mul3A_175, %mul3A_193 : vector<16xf32>
      %broadcast_in_dim3A_195 = arith.constant 7 : i32
      %broadcast_in_dim3A_196 = vector.broadcast %broadcast_in_dim3A_195 : i32 to vector<16xi32>
      %gather3A_197 = tpu.vector_load_idx %arg10[%add3A_142, %broadcast_in_dim3A_196] : memref<1024x32xf32, #tpu.memory_space<vmem>>[vector<16xi32>, vector<16xi32>], vector<16xf32>,
      %mul3A_198 = arith.mulf %gather3A_197, %get3A_17 : vector<16xf32>
      %add3A_199 = arith.addf %mul3A_179, %mul3A_198 : vector<16xf32>
      %broadcast_in_dim3A_200 = arith.constant 8 : i32
      %broadcast_in_dim3A_201 = vector.broadcast %broadcast_in_dim3A_200 : i32 to vector<16xi32>
      %gather3A_202 = tpu.vector_load_idx %arg10[%add3A_142, %broadcast_in_dim3A_201] : memref<1024x32xf32, #tpu.memory_space<vmem>>[vector<16xi32>, vector<16xi32>], vector<16xf32>,
      %mul3A_203 = arith.mulf %gather3A_202, %get3A_19 : vector<16xf32>
      %add3A_204 = arith.addf %add3A_184, %mul3A_203 : vector<16xf32>
      %broadcast_in_dim3A_205 = arith.constant 9 : i32
      %broadcast_in_dim3A_206 = vector.broadcast %broadcast_in_dim3A_205 : i32 to vector<16xi32>
      %gather3A_207 = tpu.vector_load_idx %arg10[%add3A_142, %broadcast_in_dim3A_206] : memref<1024x32xf32, #tpu.memory_space<vmem>>[vector<16xi32>, vector<16xi32>], vector<16xf32>,
      %mul3A_208 = arith.mulf %gather3A_207, %get3A_21 : vector<16xf32>
      %add3A_209 = arith.addf %add3A_189, %mul3A_208 : vector<16xf32>
      %broadcast_in_dim3A_210 = arith.constant 10 : i32
      %broadcast_in_dim3A_211 = vector.broadcast %broadcast_in_dim3A_210 : i32 to vector<16xi32>
      %gather3A_212 = tpu.vector_load_idx %arg10[%add3A_142, %broadcast_in_dim3A_211] : memref<1024x32xf32, #tpu.memory_space<vmem>>[vector<16xi32>, vector<16xi32>], vector<16xf32>,
      %mul3A_213 = arith.mulf %gather3A_212, %get3A_23 : vector<16xf32>
      %add3A_214 = arith.addf %add3A_194, %mul3A_213 : vector<16xf32>
      %broadcast_in_dim3A_215 = arith.constant 11 : i32
      %broadcast_in_dim3A_216 = vector.broadcast %broadcast_in_dim3A_215 : i32 to vector<16xi32>
      %gather3A_217 = tpu.vector_load_idx %arg10[%add3A_142, %broadcast_in_dim3A_216] : memref<1024x32xf32, #tpu.memory_space<vmem>>[vector<16xi32>, vector<16xi32>], vector<16xf32>,
      %mul3A_218 = arith.mulf %gather3A_217, %get3A_25 : vector<16xf32>
      %add3A_219 = arith.addf %add3A_199, %mul3A_218 : vector<16xf32>
      %broadcast_in_dim3A_220 = arith.constant 12 : i32
      %broadcast_in_dim3A_221 = vector.broadcast %broadcast_in_dim3A_220 : i32 to vector<16xi32>
      %gather3A_222 = tpu.vector_load_idx %arg10[%add3A_142, %broadcast_in_dim3A_221] : memref<1024x32xf32, #tpu.memory_space<vmem>>[vector<16xi32>, vector<16xi32>], vector<16xf32>,
      %mul3A_223 = arith.mulf %gather3A_222, %get3A_27 : vector<16xf32>
      %add3A_224 = arith.addf %add3A_204, %mul3A_223 : vector<16xf32>
      %broadcast_in_dim3A_225 = arith.constant 13 : i32
      %broadcast_in_dim3A_226 = vector.broadcast %broadcast_in_dim3A_225 : i32 to vector<16xi32>
      %gather3A_227 = tpu.vector_load_idx %arg10[%add3A_142, %broadcast_in_dim3A_226] : memref<1024x32xf32, #tpu.memory_space<vmem>>[vector<16xi32>, vector<16xi32>], vector<16xf32>,
      %mul3A_228 = arith.mulf %gather3A_227, %get3A_29 : vector<16xf32>
      %add3A_229 = arith.addf %add3A_209, %mul3A_228 : vector<16xf32>
      %broadcast_in_dim3A_230 = arith.constant 14 : i32
      %broadcast_in_dim3A_231 = vector.broadcast %broadcast_in_dim3A_230 : i32 to vector<16xi32>
      %gather3A_232 = tpu.vector_load_idx %arg10[%add3A_142, %broadcast_in_dim3A_231] : memref<1024x32xf32, #tpu.memory_space<vmem>>[vector<16xi32>, vector<16xi32>], vector<16xf32>,
      %mul3A_233 = arith.mulf %gather3A_232, %get3A_31 : vector<16xf32>
      %add3A_234 = arith.addf %add3A_214, %mul3A_233 : vector<16xf32>
      %broadcast_in_dim3A_235 = arith.constant 15 : i32
      %broadcast_in_dim3A_236 = vector.broadcast %broadcast_in_dim3A_235 : i32 to vector<16xi32>
      %gather3A_237 = tpu.vector_load_idx %arg10[%add3A_142, %broadcast_in_dim3A_236] : memref<1024x32xf32, #tpu.memory_space<vmem>>[vector<16xi32>, vector<16xi32>], vector<16xf32>,
      %mul3A_238 = arith.mulf %gather3A_237, %get3A_33 : vector<16xf32>
      %add3A_239 = arith.addf %add3A_219, %mul3A_238 : vector<16xf32>
      %broadcast_in_dim3A_240 = arith.constant 16 : i32
      %broadcast_in_dim3A_241 = vector.broadcast %broadcast_in_dim3A_240 : i32 to vector<16xi32>
      %gather3A_242 = tpu.vector_load_idx %arg10[%add3A_142, %broadcast_in_dim3A_241] : memref<1024x32xf32, #tpu.memory_space<vmem>>[vector<16xi32>, vector<16xi32>], vector<16xf32>,
      %mul3A_243 = arith.mulf %gather3A_242, %get3A_35 : vector<16xf32>
      %add3A_244 = arith.addf %add3A_224, %mul3A_243 : vector<16xf32>
      %broadcast_in_dim3A_245 = arith.constant 17 : i32
      %broadcast_in_dim3A_246 = vector.broadcast %broadcast_in_dim3A_245 : i32 to vector<16xi32>
      %gather3A_247 = tpu.vector_load_idx %arg10[%add3A_142, %broadcast_in_dim3A_246] : memref<1024x32xf32, #tpu.memory_space<vmem>>[vector<16xi32>, vector<16xi32>], vector<16xf32>,
      %mul3A_248 = arith.mulf %gather3A_247, %get3A_37 : vector<16xf32>
      %add3A_249 = arith.addf %add3A_229, %mul3A_248 : vector<16xf32>
      %broadcast_in_dim3A_250 = arith.constant 18 : i32
      %broadcast_in_dim3A_251 = vector.broadcast %broadcast_in_dim3A_250 : i32 to vector<16xi32>
      %gather3A_252 = tpu.vector_load_idx %arg10[%add3A_142, %broadcast_in_dim3A_251] : memref<1024x32xf32, #tpu.memory_space<vmem>>[vector<16xi32>, vector<16xi32>], vector<16xf32>,
      %mul3A_253 = arith.mulf %gather3A_252, %get3A_39 : vector<16xf32>
      %add3A_254 = arith.addf %add3A_234, %mul3A_253 : vector<16xf32>
      %broadcast_in_dim3A_255 = arith.constant 19 : i32
      %broadcast_in_dim3A_256 = vector.broadcast %broadcast_in_dim3A_255 : i32 to vector<16xi32>
      %gather3A_257 = tpu.vector_load_idx %arg10[%add3A_142, %broadcast_in_dim3A_256] : memref<1024x32xf32, #tpu.memory_space<vmem>>[vector<16xi32>, vector<16xi32>], vector<16xf32>,
      %mul3A_258 = arith.mulf %gather3A_257, %get3A_41 : vector<16xf32>
      %add3A_259 = arith.addf %add3A_239, %mul3A_258 : vector<16xf32>
      %broadcast_in_dim3A_260 = arith.constant 20 : i32
      %broadcast_in_dim3A_261 = vector.broadcast %broadcast_in_dim3A_260 : i32 to vector<16xi32>
      %gather3A_262 = tpu.vector_load_idx %arg10[%add3A_142, %broadcast_in_dim3A_261] : memref<1024x32xf32, #tpu.memory_space<vmem>>[vector<16xi32>, vector<16xi32>], vector<16xf32>,
      %mul3A_263 = arith.mulf %gather3A_262, %get3A_43 : vector<16xf32>
      %add3A_264 = arith.addf %add3A_244, %mul3A_263 : vector<16xf32>
      %broadcast_in_dim3A_265 = arith.constant 21 : i32
      %broadcast_in_dim3A_266 = vector.broadcast %broadcast_in_dim3A_265 : i32 to vector<16xi32>
      %gather3A_267 = tpu.vector_load_idx %arg10[%add3A_142, %broadcast_in_dim3A_266] : memref<1024x32xf32, #tpu.memory_space<vmem>>[vector<16xi32>, vector<16xi32>], vector<16xf32>,
      %mul3A_268 = arith.mulf %gather3A_267, %get3A_45 : vector<16xf32>
      %add3A_269 = arith.addf %add3A_249, %mul3A_268 : vector<16xf32>
      %broadcast_in_dim3A_270 = arith.constant 22 : i32
      %broadcast_in_dim3A_271 = vector.broadcast %broadcast_in_dim3A_270 : i32 to vector<16xi32>
      %gather3A_272 = tpu.vector_load_idx %arg10[%add3A_142, %broadcast_in_dim3A_271] : memref<1024x32xf32, #tpu.memory_space<vmem>>[vector<16xi32>, vector<16xi32>], vector<16xf32>,
      %mul3A_273 = arith.mulf %gather3A_272, %get3A_47 : vector<16xf32>
      %add3A_274 = arith.addf %add3A_254, %mul3A_273 : vector<16xf32>
      %broadcast_in_dim3A_275 = arith.constant 23 : i32
      %broadcast_in_dim3A_276 = vector.broadcast %broadcast_in_dim3A_275 : i32 to vector<16xi32>
      %gather3A_277 = tpu.vector_load_idx %arg10[%add3A_142, %broadcast_in_dim3A_276] : memref<1024x32xf32, #tpu.memory_space<vmem>>[vector<16xi32>, vector<16xi32>], vector<16xf32>,
      %mul3A_278 = arith.mulf %gather3A_277, %get3A_49 : vector<16xf32>
      %add3A_279 = arith.addf %add3A_259, %mul3A_278 : vector<16xf32>
      %broadcast_in_dim3A_280 = arith.constant 24 : i32
      %broadcast_in_dim3A_281 = vector.broadcast %broadcast_in_dim3A_280 : i32 to vector<16xi32>
      %gather3A_282 = tpu.vector_load_idx %arg10[%add3A_142, %broadcast_in_dim3A_281] : memref<1024x32xf32, #tpu.memory_space<vmem>>[vector<16xi32>, vector<16xi32>], vector<16xf32>,
      %mul3A_283 = arith.mulf %gather3A_282, %get3A_51 : vector<16xf32>
      %add3A_284 = arith.addf %add3A_264, %mul3A_283 : vector<16xf32>
      %broadcast_in_dim3A_285 = arith.constant 25 : i32
      %broadcast_in_dim3A_286 = vector.broadcast %broadcast_in_dim3A_285 : i32 to vector<16xi32>
      %gather3A_287 = tpu.vector_load_idx %arg10[%add3A_142, %broadcast_in_dim3A_286] : memref<1024x32xf32, #tpu.memory_space<vmem>>[vector<16xi32>, vector<16xi32>], vector<16xf32>,
      %mul3A_288 = arith.mulf %gather3A_287, %get3A_53 : vector<16xf32>
      %add3A_289 = arith.addf %add3A_269, %mul3A_288 : vector<16xf32>
      %broadcast_in_dim3A_290 = arith.constant 26 : i32
      %broadcast_in_dim3A_291 = vector.broadcast %broadcast_in_dim3A_290 : i32 to vector<16xi32>
      %gather3A_292 = tpu.vector_load_idx %arg10[%add3A_142, %broadcast_in_dim3A_291] : memref<1024x32xf32, #tpu.memory_space<vmem>>[vector<16xi32>, vector<16xi32>], vector<16xf32>,
      %mul3A_293 = arith.mulf %gather3A_292, %get3A_55 : vector<16xf32>
      %add3A_294 = arith.addf %add3A_274, %mul3A_293 : vector<16xf32>
      %broadcast_in_dim3A_295 = arith.constant 27 : i32
      %broadcast_in_dim3A_296 = vector.broadcast %broadcast_in_dim3A_295 : i32 to vector<16xi32>
      %gather3A_297 = tpu.vector_load_idx %arg10[%add3A_142, %broadcast_in_dim3A_296] : memref<1024x32xf32, #tpu.memory_space<vmem>>[vector<16xi32>, vector<16xi32>], vector<16xf32>,
      %mul3A_298 = arith.mulf %gather3A_297, %get3A_57 : vector<16xf32>
      %add3A_299 = arith.addf %add3A_279, %mul3A_298 : vector<16xf32>
      %broadcast_in_dim3A_300 = arith.constant 28 : i32
      %broadcast_in_dim3A_301 = vector.broadcast %broadcast_in_dim3A_300 : i32 to vector<16xi32>
      %gather3A_302 = tpu.vector_load_idx %arg10[%add3A_142, %broadcast_in_dim3A_301] : memref<1024x32xf32, #tpu.memory_space<vmem>>[vector<16xi32>, vector<16xi32>], vector<16xf32>,
      %mul3A_303 = arith.mulf %gather3A_302, %get3A_59 : vector<16xf32>
      %add3A_304 = arith.addf %add3A_284, %mul3A_303 : vector<16xf32>
      %broadcast_in_dim3A_305 = arith.constant 29 : i32
      %broadcast_in_dim3A_306 = vector.broadcast %broadcast_in_dim3A_305 : i32 to vector<16xi32>
      %gather3A_307 = tpu.vector_load_idx %arg10[%add3A_142, %broadcast_in_dim3A_306] : memref<1024x32xf32, #tpu.memory_space<vmem>>[vector<16xi32>, vector<16xi32>], vector<16xf32>,
      %mul3A_308 = arith.mulf %gather3A_307, %get3A_61 : vector<16xf32>
      %add3A_309 = arith.addf %add3A_289, %mul3A_308 : vector<16xf32>
      %broadcast_in_dim3A_310 = arith.constant 30 : i32
      %broadcast_in_dim3A_311 = vector.broadcast %broadcast_in_dim3A_310 : i32 to vector<16xi32>
      %gather3A_312 = tpu.vector_load_idx %arg10[%add3A_142, %broadcast_in_dim3A_311] : memref<1024x32xf32, #tpu.memory_space<vmem>>[vector<16xi32>, vector<16xi32>], vector<16xf32>,
      %mul3A_313 = arith.mulf %gather3A_312, %get3A_63 : vector<16xf32>
      %add3A_314 = arith.addf %add3A_294, %mul3A_313 : vector<16xf32>
      %broadcast_in_dim3A_315 = arith.constant 31 : i32
      %broadcast_in_dim3A_316 = vector.broadcast %broadcast_in_dim3A_315 : i32 to vector<16xi32>
      %gather3A_317 = tpu.vector_load_idx %arg10[%add3A_142, %broadcast_in_dim3A_316] : memref<1024x32xf32, #tpu.memory_space<vmem>>[vector<16xi32>, vector<16xi32>], vector<16xf32>,
      %mul3A_318 = arith.mulf %gather3A_317, %get3A_65 : vector<16xf32>
      %add3A_319 = arith.addf %add3A_299, %mul3A_318 : vector<16xf32>
      %add3A_320 = arith.addf %add3A_304, %add3A_309 : vector<16xf32>
      %add3A_321 = arith.addf %add3A_314, %add3A_319 : vector<16xf32>
      %add3A_322 = arith.addf %add3A_320, %add3A_321 : vector<16xf32>
      %neg3A = arith.constant 0.000000e+00 : f32
      %neg3A_323 = vector.broadcast %neg3A : f32 to vector<16xf32>
      %neg3A_324 = arith.subf %neg3A_323, %add3A_322 : vector<16xf32>
      %exp3A = math.exp %neg3A_324 : vector<16xf32>
      %add3A_325 = arith.constant 1.000000e+00 : f32
      %add3A_326 = vector.broadcast %add3A_325 : f32 to vector<16xf32>
      %add3A_327 = arith.addf %add3A_326, %exp3A : vector<16xf32>
      %div3A = arith.constant 1.000000e+00 : f32
      %div3A_328 = vector.broadcast %div3A : f32 to vector<16xf32>
      %div3A_329 = arith.divf %div3A_328, %add3A_327 : vector<16xf32>
      %mul3A_330 = arith.constant 16 : i32
      %mul3A_331 = arith.muli %scan3A_138, %mul3A_330 : i32
      %add3A_332 = arith.constant 3072 : i32
      %add3A_333 = arith.addi %add3A_332, %mul3A_331 : i32
      %swap3A = arith.index_cast %add3A_333 : i32 to index
      %swap3A_334 = tpu.vector_load %arg12[%swap3A] {strides = array<i32>} : memref<5120xf32, #tpu.memory_space<vmem>>, vector<16xf32>,
      tpu.vector_store %arg12[%swap3A], %div3A_329 {strides = array<i32>} : memref<5120xf32, #tpu.memory_space<vmem>>, vector<16xf32>,
    }
    %scan3A_127 = arith.constant 64 : i32
    %dma_wait3A_128 = arith.constant 4096 : i32
    %dma_wait3A_129 = tpu.memref_slice %arg8[%dma_wait3A_128] : memref<5120xi32, #tpu.memory_space<vmem>> -> memref<1024xi32, #tpu.memory_space<vmem>>
    %dma_wait3A_130 = arith.constant 0 : i32
    %dma_wait3A_131 = arith.constant 0 : i32
    %dma_wait3A_132 = tpu.memref_slice %arg2[%dma_wait3A_130, %dma_wait3A_131] : memref<1000000x32xf32, #tpu.memory_space<hbm>> -> memref<1000000x32xf32, #tpu.memory_space<hbm>>
    tpu.wait_indirect_dma semaphore(%arg15 : memref<!tpu.dma_semaphore, #tpu.memory_space<semaphore_mem>>) src(%dma_wait3A_132 : memref<1000000x32xf32, #tpu.memory_space<hbm>>) dst(%arg9 : memref<1024x32xf32, #tpu.memory_space<vmem>>)
    %scan3A_133 = arith.constant 0 : i32
    %scan3A_134 = arith.constant 64 : i32
    %scan3A_135 = arith.addi %scan3A_133, %scan3A_134 : i32
    %scan3A_136 = arith.constant 1 : i32
    scf.for %scan3A_138 = %scan3A_133 to %scan3A_135 step %scan3A_136  : i32 {
      %mul3A_139 = arith.constant 16 : i32
      %mul3A_140 = arith.muli %scan3A_138, %mul3A_139 : i32
      %add3A_141 = vector.broadcast %mul3A_140 : i32 to vector<16xi32>
      %add3A_142 = arith.addi %add3A_141, %iota3A : vector<16xi32>
      %mul3A_143 = arith.constant 16 : i32
      %mul3A_144 = arith.muli %scan3A_138, %mul3A_143 : i32
      %add3A_145 = arith.constant 4096 : i32
      %add3A_146 = arith.addi %add3A_145, %mul3A_144 : i32
      %get3A_147 = arith.index_cast %add3A_146 : i32 to index
      %get3A_148 = tpu.vector_load %arg11[%get3A_147] {strides = array<i32>} : memref<5120xf32, #tpu.memory_space<vmem>>, vector<16xf32>,
      %mul3A_149 = arith.constant 4.096000e+03 : f32
      %mul3A_150 = vector.broadcast %mul3A_149 : f32 to vector<16xf32>
      %mul3A_151 = arith.mulf %get3A_148, %mul3A_150 : vector<16xf32>
      %convert_element_type3A = arith.fptosi %mul3A_151 : vector<16xf32> to vector<16xi32>
      %min3A = arith.constant 4095 : i32
      %min3A_152 = vector.broadcast %min3A : i32 to vector<16xi32>
      %min3A_153 = arith.minsi %convert_element_type3A, %min3A_152 : vector<16xi32>
      %max3A = arith.constant 0 : i32
      %max3A_154 = vector.broadcast %max3A : i32 to vector<16xi32>
      %max3A_155 = arith.maxsi %min3A_153, %max3A_154 : vector<16xi32>
      %convert_element_type3A_156 = arith.sitofp %max3A_155 : vector<16xi32> to vector<16xf32>
      %sub3A = arith.subf %mul3A_151, %convert_element_type3A_156 : vector<16xf32>
      %gather3A = tpu.vector_load_idx %arg13[%max3A_155] : memref<4224xf32, #tpu.memory_space<vmem>>[vector<16xi32>], vector<16xf32>,
      %add3A_157 = arith.constant 1 : i32
      %add3A_158 = vector.broadcast %add3A_157 : i32 to vector<16xi32>
      %add3A_159 = arith.addi %max3A_155, %add3A_158 : vector<16xi32>
      %gather3A_160 = tpu.vector_load_idx %arg13[%add3A_159] : memref<4224xf32, #tpu.memory_space<vmem>>[vector<16xi32>], vector<16xf32>,
      %sub3A_161 = arith.subf %gather3A_160, %gather3A : vector<16xf32>
      %mul3A_162 = arith.mulf %sub3A, %sub3A_161 : vector<16xf32>
      %add3A_163 = arith.addf %gather3A, %mul3A_162 : vector<16xf32>
      %broadcast_in_dim3A = arith.constant 0 : i32
      %broadcast_in_dim3A_164 = vector.broadcast %broadcast_in_dim3A : i32 to vector<16xi32>
      %gather3A_165 = tpu.vector_load_idx %arg9[%add3A_142, %broadcast_in_dim3A_164] : memref<1024x32xf32, #tpu.memory_space<vmem>>[vector<16xi32>, vector<16xi32>], vector<16xf32>,
      %mul3A_166 = arith.mulf %gather3A_165, %get3A_3 : vector<16xf32>
      %add3A_167 = arith.addf %add3A_163, %mul3A_166 : vector<16xf32>
      %broadcast_in_dim3A_168 = arith.constant 1 : i32
      %broadcast_in_dim3A_169 = vector.broadcast %broadcast_in_dim3A_168 : i32 to vector<16xi32>
      %gather3A_170 = tpu.vector_load_idx %arg9[%add3A_142, %broadcast_in_dim3A_169] : memref<1024x32xf32, #tpu.memory_space<vmem>>[vector<16xi32>, vector<16xi32>], vector<16xf32>,
      %mul3A_171 = arith.mulf %gather3A_170, %get3A_5 : vector<16xf32>
      %broadcast_in_dim3A_172 = arith.constant 2 : i32
      %broadcast_in_dim3A_173 = vector.broadcast %broadcast_in_dim3A_172 : i32 to vector<16xi32>
      %gather3A_174 = tpu.vector_load_idx %arg9[%add3A_142, %broadcast_in_dim3A_173] : memref<1024x32xf32, #tpu.memory_space<vmem>>[vector<16xi32>, vector<16xi32>], vector<16xf32>,
      %mul3A_175 = arith.mulf %gather3A_174, %get3A_7 : vector<16xf32>
      %broadcast_in_dim3A_176 = arith.constant 3 : i32
      %broadcast_in_dim3A_177 = vector.broadcast %broadcast_in_dim3A_176 : i32 to vector<16xi32>
      %gather3A_178 = tpu.vector_load_idx %arg9[%add3A_142, %broadcast_in_dim3A_177] : memref<1024x32xf32, #tpu.memory_space<vmem>>[vector<16xi32>, vector<16xi32>], vector<16xf32>,
      %mul3A_179 = arith.mulf %gather3A_178, %get3A_9 : vector<16xf32>
      %broadcast_in_dim3A_180 = arith.constant 4 : i32
      %broadcast_in_dim3A_181 = vector.broadcast %broadcast_in_dim3A_180 : i32 to vector<16xi32>
      %gather3A_182 = tpu.vector_load_idx %arg9[%add3A_142, %broadcast_in_dim3A_181] : memref<1024x32xf32, #tpu.memory_space<vmem>>[vector<16xi32>, vector<16xi32>], vector<16xf32>,
      %mul3A_183 = arith.mulf %gather3A_182, %get3A_11 : vector<16xf32>
      %add3A_184 = arith.addf %add3A_167, %mul3A_183 : vector<16xf32>
      %broadcast_in_dim3A_185 = arith.constant 5 : i32
      %broadcast_in_dim3A_186 = vector.broadcast %broadcast_in_dim3A_185 : i32 to vector<16xi32>
      %gather3A_187 = tpu.vector_load_idx %arg9[%add3A_142, %broadcast_in_dim3A_186] : memref<1024x32xf32, #tpu.memory_space<vmem>>[vector<16xi32>, vector<16xi32>], vector<16xf32>,
      %mul3A_188 = arith.mulf %gather3A_187, %get3A_13 : vector<16xf32>
      %add3A_189 = arith.addf %mul3A_171, %mul3A_188 : vector<16xf32>
      %broadcast_in_dim3A_190 = arith.constant 6 : i32
      %broadcast_in_dim3A_191 = vector.broadcast %broadcast_in_dim3A_190 : i32 to vector<16xi32>
      %gather3A_192 = tpu.vector_load_idx %arg9[%add3A_142, %broadcast_in_dim3A_191] : memref<1024x32xf32, #tpu.memory_space<vmem>>[vector<16xi32>, vector<16xi32>], vector<16xf32>,
      %mul3A_193 = arith.mulf %gather3A_192, %get3A_15 : vector<16xf32>
      %add3A_194 = arith.addf %mul3A_175, %mul3A_193 : vector<16xf32>
      %broadcast_in_dim3A_195 = arith.constant 7 : i32
      %broadcast_in_dim3A_196 = vector.broadcast %broadcast_in_dim3A_195 : i32 to vector<16xi32>
      %gather3A_197 = tpu.vector_load_idx %arg9[%add3A_142, %broadcast_in_dim3A_196] : memref<1024x32xf32, #tpu.memory_space<vmem>>[vector<16xi32>, vector<16xi32>], vector<16xf32>,
      %mul3A_198 = arith.mulf %gather3A_197, %get3A_17 : vector<16xf32>
      %add3A_199 = arith.addf %mul3A_179, %mul3A_198 : vector<16xf32>
      %broadcast_in_dim3A_200 = arith.constant 8 : i32
      %broadcast_in_dim3A_201 = vector.broadcast %broadcast_in_dim3A_200 : i32 to vector<16xi32>
      %gather3A_202 = tpu.vector_load_idx %arg9[%add3A_142, %broadcast_in_dim3A_201] : memref<1024x32xf32, #tpu.memory_space<vmem>>[vector<16xi32>, vector<16xi32>], vector<16xf32>,
      %mul3A_203 = arith.mulf %gather3A_202, %get3A_19 : vector<16xf32>
      %add3A_204 = arith.addf %add3A_184, %mul3A_203 : vector<16xf32>
      %broadcast_in_dim3A_205 = arith.constant 9 : i32
      %broadcast_in_dim3A_206 = vector.broadcast %broadcast_in_dim3A_205 : i32 to vector<16xi32>
      %gather3A_207 = tpu.vector_load_idx %arg9[%add3A_142, %broadcast_in_dim3A_206] : memref<1024x32xf32, #tpu.memory_space<vmem>>[vector<16xi32>, vector<16xi32>], vector<16xf32>,
      %mul3A_208 = arith.mulf %gather3A_207, %get3A_21 : vector<16xf32>
      %add3A_209 = arith.addf %add3A_189, %mul3A_208 : vector<16xf32>
      %broadcast_in_dim3A_210 = arith.constant 10 : i32
      %broadcast_in_dim3A_211 = vector.broadcast %broadcast_in_dim3A_210 : i32 to vector<16xi32>
      %gather3A_212 = tpu.vector_load_idx %arg9[%add3A_142, %broadcast_in_dim3A_211] : memref<1024x32xf32, #tpu.memory_space<vmem>>[vector<16xi32>, vector<16xi32>], vector<16xf32>,
      %mul3A_213 = arith.mulf %gather3A_212, %get3A_23 : vector<16xf32>
      %add3A_214 = arith.addf %add3A_194, %mul3A_213 : vector<16xf32>
      %broadcast_in_dim3A_215 = arith.constant 11 : i32
      %broadcast_in_dim3A_216 = vector.broadcast %broadcast_in_dim3A_215 : i32 to vector<16xi32>
      %gather3A_217 = tpu.vector_load_idx %arg9[%add3A_142, %broadcast_in_dim3A_216] : memref<1024x32xf32, #tpu.memory_space<vmem>>[vector<16xi32>, vector<16xi32>], vector<16xf32>,
      %mul3A_218 = arith.mulf %gather3A_217, %get3A_25 : vector<16xf32>
      %add3A_219 = arith.addf %add3A_199, %mul3A_218 : vector<16xf32>
      %broadcast_in_dim3A_220 = arith.constant 12 : i32
      %broadcast_in_dim3A_221 = vector.broadcast %broadcast_in_dim3A_220 : i32 to vector<16xi32>
      %gather3A_222 = tpu.vector_load_idx %arg9[%add3A_142, %broadcast_in_dim3A_221] : memref<1024x32xf32, #tpu.memory_space<vmem>>[vector<16xi32>, vector<16xi32>], vector<16xf32>,
      %mul3A_223 = arith.mulf %gather3A_222, %get3A_27 : vector<16xf32>
      %add3A_224 = arith.addf %add3A_204, %mul3A_223 : vector<16xf32>
      %broadcast_in_dim3A_225 = arith.constant 13 : i32
      %broadcast_in_dim3A_226 = vector.broadcast %broadcast_in_dim3A_225 : i32 to vector<16xi32>
      %gather3A_227 = tpu.vector_load_idx %arg9[%add3A_142, %broadcast_in_dim3A_226] : memref<1024x32xf32, #tpu.memory_space<vmem>>[vector<16xi32>, vector<16xi32>], vector<16xf32>,
      %mul3A_228 = arith.mulf %gather3A_227, %get3A_29 : vector<16xf32>
      %add3A_229 = arith.addf %add3A_209, %mul3A_228 : vector<16xf32>
      %broadcast_in_dim3A_230 = arith.constant 14 : i32
      %broadcast_in_dim3A_231 = vector.broadcast %broadcast_in_dim3A_230 : i32 to vector<16xi32>
      %gather3A_232 = tpu.vector_load_idx %arg9[%add3A_142, %broadcast_in_dim3A_231] : memref<1024x32xf32, #tpu.memory_space<vmem>>[vector<16xi32>, vector<16xi32>], vector<16xf32>,
      %mul3A_233 = arith.mulf %gather3A_232, %get3A_31 : vector<16xf32>
      %add3A_234 = arith.addf %add3A_214, %mul3A_233 : vector<16xf32>
      %broadcast_in_dim3A_235 = arith.constant 15 : i32
      %broadcast_in_dim3A_236 = vector.broadcast %broadcast_in_dim3A_235 : i32 to vector<16xi32>
      %gather3A_237 = tpu.vector_load_idx %arg9[%add3A_142, %broadcast_in_dim3A_236] : memref<1024x32xf32, #tpu.memory_space<vmem>>[vector<16xi32>, vector<16xi32>], vector<16xf32>,
      %mul3A_238 = arith.mulf %gather3A_237, %get3A_33 : vector<16xf32>
      %add3A_239 = arith.addf %add3A_219, %mul3A_238 : vector<16xf32>
      %broadcast_in_dim3A_240 = arith.constant 16 : i32
      %broadcast_in_dim3A_241 = vector.broadcast %broadcast_in_dim3A_240 : i32 to vector<16xi32>
      %gather3A_242 = tpu.vector_load_idx %arg9[%add3A_142, %broadcast_in_dim3A_241] : memref<1024x32xf32, #tpu.memory_space<vmem>>[vector<16xi32>, vector<16xi32>], vector<16xf32>,
      %mul3A_243 = arith.mulf %gather3A_242, %get3A_35 : vector<16xf32>
      %add3A_244 = arith.addf %add3A_224, %mul3A_243 : vector<16xf32>
      %broadcast_in_dim3A_245 = arith.constant 17 : i32
      %broadcast_in_dim3A_246 = vector.broadcast %broadcast_in_dim3A_245 : i32 to vector<16xi32>
      %gather3A_247 = tpu.vector_load_idx %arg9[%add3A_142, %broadcast_in_dim3A_246] : memref<1024x32xf32, #tpu.memory_space<vmem>>[vector<16xi32>, vector<16xi32>], vector<16xf32>,
      %mul3A_248 = arith.mulf %gather3A_247, %get3A_37 : vector<16xf32>
      %add3A_249 = arith.addf %add3A_229, %mul3A_248 : vector<16xf32>
      %broadcast_in_dim3A_250 = arith.constant 18 : i32
      %broadcast_in_dim3A_251 = vector.broadcast %broadcast_in_dim3A_250 : i32 to vector<16xi32>
      %gather3A_252 = tpu.vector_load_idx %arg9[%add3A_142, %broadcast_in_dim3A_251] : memref<1024x32xf32, #tpu.memory_space<vmem>>[vector<16xi32>, vector<16xi32>], vector<16xf32>,
      %mul3A_253 = arith.mulf %gather3A_252, %get3A_39 : vector<16xf32>
      %add3A_254 = arith.addf %add3A_234, %mul3A_253 : vector<16xf32>
      %broadcast_in_dim3A_255 = arith.constant 19 : i32
      %broadcast_in_dim3A_256 = vector.broadcast %broadcast_in_dim3A_255 : i32 to vector<16xi32>
      %gather3A_257 = tpu.vector_load_idx %arg9[%add3A_142, %broadcast_in_dim3A_256] : memref<1024x32xf32, #tpu.memory_space<vmem>>[vector<16xi32>, vector<16xi32>], vector<16xf32>,
      %mul3A_258 = arith.mulf %gather3A_257, %get3A_41 : vector<16xf32>
      %add3A_259 = arith.addf %add3A_239, %mul3A_258 : vector<16xf32>
      %broadcast_in_dim3A_260 = arith.constant 20 : i32
      %broadcast_in_dim3A_261 = vector.broadcast %broadcast_in_dim3A_260 : i32 to vector<16xi32>
      %gather3A_262 = tpu.vector_load_idx %arg9[%add3A_142, %broadcast_in_dim3A_261] : memref<1024x32xf32, #tpu.memory_space<vmem>>[vector<16xi32>, vector<16xi32>], vector<16xf32>,
      %mul3A_263 = arith.mulf %gather3A_262, %get3A_43 : vector<16xf32>
      %add3A_264 = arith.addf %add3A_244, %mul3A_263 : vector<16xf32>
      %broadcast_in_dim3A_265 = arith.constant 21 : i32
      %broadcast_in_dim3A_266 = vector.broadcast %broadcast_in_dim3A_265 : i32 to vector<16xi32>
      %gather3A_267 = tpu.vector_load_idx %arg9[%add3A_142, %broadcast_in_dim3A_266] : memref<1024x32xf32, #tpu.memory_space<vmem>>[vector<16xi32>, vector<16xi32>], vector<16xf32>,
      %mul3A_268 = arith.mulf %gather3A_267, %get3A_45 : vector<16xf32>
      %add3A_269 = arith.addf %add3A_249, %mul3A_268 : vector<16xf32>
      %broadcast_in_dim3A_270 = arith.constant 22 : i32
      %broadcast_in_dim3A_271 = vector.broadcast %broadcast_in_dim3A_270 : i32 to vector<16xi32>
      %gather3A_272 = tpu.vector_load_idx %arg9[%add3A_142, %broadcast_in_dim3A_271] : memref<1024x32xf32, #tpu.memory_space<vmem>>[vector<16xi32>, vector<16xi32>], vector<16xf32>,
      %mul3A_273 = arith.mulf %gather3A_272, %get3A_47 : vector<16xf32>
      %add3A_274 = arith.addf %add3A_254, %mul3A_273 : vector<16xf32>
      %broadcast_in_dim3A_275 = arith.constant 23 : i32
      %broadcast_in_dim3A_276 = vector.broadcast %broadcast_in_dim3A_275 : i32 to vector<16xi32>
      %gather3A_277 = tpu.vector_load_idx %arg9[%add3A_142, %broadcast_in_dim3A_276] : memref<1024x32xf32, #tpu.memory_space<vmem>>[vector<16xi32>, vector<16xi32>], vector<16xf32>,
      %mul3A_278 = arith.mulf %gather3A_277, %get3A_49 : vector<16xf32>
      %add3A_279 = arith.addf %add3A_259, %mul3A_278 : vector<16xf32>
      %broadcast_in_dim3A_280 = arith.constant 24 : i32
      %broadcast_in_dim3A_281 = vector.broadcast %broadcast_in_dim3A_280 : i32 to vector<16xi32>
      %gather3A_282 = tpu.vector_load_idx %arg9[%add3A_142, %broadcast_in_dim3A_281] : memref<1024x32xf32, #tpu.memory_space<vmem>>[vector<16xi32>, vector<16xi32>], vector<16xf32>,
      %mul3A_283 = arith.mulf %gather3A_282, %get3A_51 : vector<16xf32>
      %add3A_284 = arith.addf %add3A_264, %mul3A_283 : vector<16xf32>
      %broadcast_in_dim3A_285 = arith.constant 25 : i32
      %broadcast_in_dim3A_286 = vector.broadcast %broadcast_in_dim3A_285 : i32 to vector<16xi32>
      %gather3A_287 = tpu.vector_load_idx %arg9[%add3A_142, %broadcast_in_dim3A_286] : memref<1024x32xf32, #tpu.memory_space<vmem>>[vector<16xi32>, vector<16xi32>], vector<16xf32>,
      %mul3A_288 = arith.mulf %gather3A_287, %get3A_53 : vector<16xf32>
      %add3A_289 = arith.addf %add3A_269, %mul3A_288 : vector<16xf32>
      %broadcast_in_dim3A_290 = arith.constant 26 : i32
      %broadcast_in_dim3A_291 = vector.broadcast %broadcast_in_dim3A_290 : i32 to vector<16xi32>
      %gather3A_292 = tpu.vector_load_idx %arg9[%add3A_142, %broadcast_in_dim3A_291] : memref<1024x32xf32, #tpu.memory_space<vmem>>[vector<16xi32>, vector<16xi32>], vector<16xf32>,
      %mul3A_293 = arith.mulf %gather3A_292, %get3A_55 : vector<16xf32>
      %add3A_294 = arith.addf %add3A_274, %mul3A_293 : vector<16xf32>
      %broadcast_in_dim3A_295 = arith.constant 27 : i32
      %broadcast_in_dim3A_296 = vector.broadcast %broadcast_in_dim3A_295 : i32 to vector<16xi32>
      %gather3A_297 = tpu.vector_load_idx %arg9[%add3A_142, %broadcast_in_dim3A_296] : memref<1024x32xf32, #tpu.memory_space<vmem>>[vector<16xi32>, vector<16xi32>], vector<16xf32>,
      %mul3A_298 = arith.mulf %gather3A_297, %get3A_57 : vector<16xf32>
      %add3A_299 = arith.addf %add3A_279, %mul3A_298 : vector<16xf32>
      %broadcast_in_dim3A_300 = arith.constant 28 : i32
      %broadcast_in_dim3A_301 = vector.broadcast %broadcast_in_dim3A_300 : i32 to vector<16xi32>
      %gather3A_302 = tpu.vector_load_idx %arg9[%add3A_142, %broadcast_in_dim3A_301] : memref<1024x32xf32, #tpu.memory_space<vmem>>[vector<16xi32>, vector<16xi32>], vector<16xf32>,
      %mul3A_303 = arith.mulf %gather3A_302, %get3A_59 : vector<16xf32>
      %add3A_304 = arith.addf %add3A_284, %mul3A_303 : vector<16xf32>
      %broadcast_in_dim3A_305 = arith.constant 29 : i32
      %broadcast_in_dim3A_306 = vector.broadcast %broadcast_in_dim3A_305 : i32 to vector<16xi32>
      %gather3A_307 = tpu.vector_load_idx %arg9[%add3A_142, %broadcast_in_dim3A_306] : memref<1024x32xf32, #tpu.memory_space<vmem>>[vector<16xi32>, vector<16xi32>], vector<16xf32>,
      %mul3A_308 = arith.mulf %gather3A_307, %get3A_61 : vector<16xf32>
      %add3A_309 = arith.addf %add3A_289, %mul3A_308 : vector<16xf32>
      %broadcast_in_dim3A_310 = arith.constant 30 : i32
      %broadcast_in_dim3A_311 = vector.broadcast %broadcast_in_dim3A_310 : i32 to vector<16xi32>
      %gather3A_312 = tpu.vector_load_idx %arg9[%add3A_142, %broadcast_in_dim3A_311] : memref<1024x32xf32, #tpu.memory_space<vmem>>[vector<16xi32>, vector<16xi32>], vector<16xf32>,
      %mul3A_313 = arith.mulf %gather3A_312, %get3A_63 : vector<16xf32>
      %add3A_314 = arith.addf %add3A_294, %mul3A_313 : vector<16xf32>
      %broadcast_in_dim3A_315 = arith.constant 31 : i32
      %broadcast_in_dim3A_316 = vector.broadcast %broadcast_in_dim3A_315 : i32 to vector<16xi32>
      %gather3A_317 = tpu.vector_load_idx %arg9[%add3A_142, %broadcast_in_dim3A_316] : memref<1024x32xf32, #tpu.memory_space<vmem>>[vector<16xi32>, vector<16xi32>], vector<16xf32>,
      %mul3A_318 = arith.mulf %gather3A_317, %get3A_65 : vector<16xf32>
      %add3A_319 = arith.addf %add3A_299, %mul3A_318 : vector<16xf32>
      %add3A_320 = arith.addf %add3A_304, %add3A_309 : vector<16xf32>
      %add3A_321 = arith.addf %add3A_314, %add3A_319 : vector<16xf32>
      %add3A_322 = arith.addf %add3A_320, %add3A_321 : vector<16xf32>
      %neg3A = arith.constant 0.000000e+00 : f32
      %neg3A_323 = vector.broadcast %neg3A : f32 to vector<16xf32>
      %neg3A_324 = arith.subf %neg3A_323, %add3A_322 : vector<16xf32>
      %exp3A = math.exp %neg3A_324 : vector<16xf32>
      %add3A_325 = arith.constant 1.000000e+00 : f32
      %add3A_326 = vector.broadcast %add3A_325 : f32 to vector<16xf32>
      %add3A_327 = arith.addf %add3A_326, %exp3A : vector<16xf32>
      %div3A = arith.constant 1.000000e+00 : f32
      %div3A_328 = vector.broadcast %div3A : f32 to vector<16xf32>
      %div3A_329 = arith.divf %div3A_328, %add3A_327 : vector<16xf32>
      %mul3A_330 = arith.constant 16 : i32
      %mul3A_331 = arith.muli %scan3A_138, %mul3A_330 : i32
      %add3A_332 = arith.constant 4096 : i32
      %add3A_333 = arith.addi %add3A_332, %mul3A_331 : i32
      %swap3A = arith.index_cast %add3A_333 : i32 to index
      %swap3A_334 = tpu.vector_load %arg12[%swap3A] {strides = array<i32>} : memref<5120xf32, #tpu.memory_space<vmem>>, vector<16xf32>,
      tpu.vector_store %arg12[%swap3A], %div3A_329 {strides = array<i32>} : memref<5120xf32, #tpu.memory_space<vmem>>, vector<16xf32>,
    }
    %scan3A_137 = arith.constant 64 : i32
    "tpu.region"() ({
      %run_scoped3A = tpu.sem_alloc : memref<!tpu.dma_semaphore, #tpu.memory_space<semaphore_mem>>
      %dma_start3A_138 = tpu.memref_slice %arg7[%mul3A_2] : memref<163840xf32, #tpu.memory_space<hbm>> -> memref<5120xf32, #tpu.memory_space<hbm>>
      %dma_start3A_139 = tpu.memref_slice %arg7[%mul3A_2] : memref<163840xf32, #tpu.memory_space<hbm>> -> memref<5120xf32, #tpu.memory_space<hbm>>
      tpu.enqueue_dma source(%arg12 : memref<5120xf32, #tpu.memory_space<vmem>>) target(%dma_start3A_139 : memref<5120xf32, #tpu.memory_space<hbm>>) target_semaphore(%run_scoped3A : memref<!tpu.dma_semaphore, #tpu.memory_space<semaphore_mem>>)
      %dma_wait3A_140 = tpu.memref_slice %arg7[%mul3A_2] : memref<163840xf32, #tpu.memory_space<hbm>> -> memref<5120xf32, #tpu.memory_space<hbm>>
      %dma_wait3A_141 = tpu.memref_slice %arg7[%mul3A_2] : memref<163840xf32, #tpu.memory_space<hbm>> -> memref<5120xf32, #tpu.memory_space<hbm>>
      tpu.wait_dma2 semaphore(%run_scoped3A : memref<!tpu.dma_semaphore, #tpu.memory_space<semaphore_mem>>) src(%arg12 : memref<5120xf32, #tpu.memory_space<vmem>>) dst(%dma_wait3A_141 : memref<5120xf32, #tpu.memory_space<hbm>>)
      tpu.yield
    }) : () -> ()
    return
  }
}

module attributes {stable_mosaic.version = 14 : i64} {
  func.func @_tc_tab_body(%arg0: memref<64xf32, #tpu.memory_space<smem>>, %arg1: memref<64xf32, #tpu.memory_space<smem>>, %arg2: memref<64xf32, #tpu.memory_space<smem>>, %arg3: memref<1xf32, #tpu.memory_space<smem>>, %arg4: memref<33x128xf32, #tpu.memory_space<vmem>>) attributes {dimension_semantics = [], scalar_prefetch = 0 : i64, scratch_operands = 0 : i64, tpu.core_type = #tpu.core_type<tc>} {
    %iota3A = tpu.iota {dimensions = array<i32: 0>} : vector<33x128xi32>
    %iota3A_0 = tpu.iota {dimensions = array<i32: 1>} : vector<33x128xi32>
    %mul3A = arith.constant 128 : i32
    %mul3A_1 = vector.broadcast %mul3A : i32 to vector<33x128xi32>
    %mul3A_2 = arith.muli %iota3A, %mul3A_1 : vector<33x128xi32>
    %add3A = arith.addi %mul3A_2, %iota3A_0 : vector<33x128xi32>
    %convert_element_type3A = arith.sitofp %add3A : vector<33x128xi32> to vector<33x128xf32>
    %mul3A_3 = arith.constant 2.44140625E-4 : f32
    %mul3A_4 = vector.broadcast %mul3A_3 : f32 to vector<33x128xf32>
    %mul3A_5 = arith.mulf %convert_element_type3A, %mul3A_4 : vector<33x128xf32>
    %get3A = arith.constant 0 : index
    %get3A_6 = memref.load %arg3[%get3A] : memref<1xf32, #tpu.memory_space<smem>>
    %broadcast_in_dim3A = vector.broadcast %get3A_6 : f32 to vector<33x128xf32>
    %get3A_7 = arith.constant 0 : index
    %get3A_8 = memref.load %arg2[%get3A_7] : memref<64xf32, #tpu.memory_space<smem>>
    %get3A_9 = arith.constant 0 : index
    %get3A_10 = memref.load %arg0[%get3A_9] : memref<64xf32, #tpu.memory_space<smem>>
    %mul3A_11 = vector.broadcast %get3A_10 : f32 to vector<33x128xf32>
    %mul3A_12 = arith.mulf %mul3A_5, %mul3A_11 : vector<33x128xf32>
    %get3A_13 = arith.constant 0 : index
    %get3A_14 = memref.load %arg1[%get3A_13] : memref<64xf32, #tpu.memory_space<smem>>
    %add3A_15 = vector.broadcast %get3A_14 : f32 to vector<33x128xf32>
    %add3A_16 = arith.addf %mul3A_12, %add3A_15 : vector<33x128xf32>
    %cos3A = math.cos %add3A_16 : vector<33x128xf32>
    %mul3A_17 = vector.broadcast %get3A_8 : f32 to vector<33x128xf32>
    %mul3A_18 = arith.mulf %mul3A_17, %cos3A : vector<33x128xf32>
    %add3A_19 = arith.addf %broadcast_in_dim3A, %mul3A_18 : vector<33x128xf32>
    %get3A_20 = arith.constant 1 : index
    %get3A_21 = memref.load %arg2[%get3A_20] : memref<64xf32, #tpu.memory_space<smem>>
    %get3A_22 = arith.constant 1 : index
    %get3A_23 = memref.load %arg0[%get3A_22] : memref<64xf32, #tpu.memory_space<smem>>
    %mul3A_24 = vector.broadcast %get3A_23 : f32 to vector<33x128xf32>
    %mul3A_25 = arith.mulf %mul3A_5, %mul3A_24 : vector<33x128xf32>
    %get3A_26 = arith.constant 1 : index
    %get3A_27 = memref.load %arg1[%get3A_26] : memref<64xf32, #tpu.memory_space<smem>>
    %add3A_28 = vector.broadcast %get3A_27 : f32 to vector<33x128xf32>
    %add3A_29 = arith.addf %mul3A_25, %add3A_28 : vector<33x128xf32>
    %cos3A_30 = math.cos %add3A_29 : vector<33x128xf32>
    %mul3A_31 = vector.broadcast %get3A_21 : f32 to vector<33x128xf32>
    %mul3A_32 = arith.mulf %mul3A_31, %cos3A_30 : vector<33x128xf32>
    %add3A_33 = arith.addf %add3A_19, %mul3A_32 : vector<33x128xf32>
    %get3A_34 = arith.constant 2 : index
    %get3A_35 = memref.load %arg2[%get3A_34] : memref<64xf32, #tpu.memory_space<smem>>
    %get3A_36 = arith.constant 2 : index
    %get3A_37 = memref.load %arg0[%get3A_36] : memref<64xf32, #tpu.memory_space<smem>>
    %mul3A_38 = vector.broadcast %get3A_37 : f32 to vector<33x128xf32>
    %mul3A_39 = arith.mulf %mul3A_5, %mul3A_38 : vector<33x128xf32>
    %get3A_40 = arith.constant 2 : index
    %get3A_41 = memref.load %arg1[%get3A_40] : memref<64xf32, #tpu.memory_space<smem>>
    %add3A_42 = vector.broadcast %get3A_41 : f32 to vector<33x128xf32>
    %add3A_43 = arith.addf %mul3A_39, %add3A_42 : vector<33x128xf32>
    %cos3A_44 = math.cos %add3A_43 : vector<33x128xf32>
    %mul3A_45 = vector.broadcast %get3A_35 : f32 to vector<33x128xf32>
    %mul3A_46 = arith.mulf %mul3A_45, %cos3A_44 : vector<33x128xf32>
    %add3A_47 = arith.addf %add3A_33, %mul3A_46 : vector<33x128xf32>
    %get3A_48 = arith.constant 3 : index
    %get3A_49 = memref.load %arg2[%get3A_48] : memref<64xf32, #tpu.memory_space<smem>>
    %get3A_50 = arith.constant 3 : index
    %get3A_51 = memref.load %arg0[%get3A_50] : memref<64xf32, #tpu.memory_space<smem>>
    %mul3A_52 = vector.broadcast %get3A_51 : f32 to vector<33x128xf32>
    %mul3A_53 = arith.mulf %mul3A_5, %mul3A_52 : vector<33x128xf32>
    %get3A_54 = arith.constant 3 : index
    %get3A_55 = memref.load %arg1[%get3A_54] : memref<64xf32, #tpu.memory_space<smem>>
    %add3A_56 = vector.broadcast %get3A_55 : f32 to vector<33x128xf32>
    %add3A_57 = arith.addf %mul3A_53, %add3A_56 : vector<33x128xf32>
    %cos3A_58 = math.cos %add3A_57 : vector<33x128xf32>
    %mul3A_59 = vector.broadcast %get3A_49 : f32 to vector<33x128xf32>
    %mul3A_60 = arith.mulf %mul3A_59, %cos3A_58 : vector<33x128xf32>
    %add3A_61 = arith.addf %add3A_47, %mul3A_60 : vector<33x128xf32>
    %get3A_62 = arith.constant 4 : index
    %get3A_63 = memref.load %arg2[%get3A_62] : memref<64xf32, #tpu.memory_space<smem>>
    %get3A_64 = arith.constant 4 : index
    %get3A_65 = memref.load %arg0[%get3A_64] : memref<64xf32, #tpu.memory_space<smem>>
    %mul3A_66 = vector.broadcast %get3A_65 : f32 to vector<33x128xf32>
    %mul3A_67 = arith.mulf %mul3A_5, %mul3A_66 : vector<33x128xf32>
    %get3A_68 = arith.constant 4 : index
    %get3A_69 = memref.load %arg1[%get3A_68] : memref<64xf32, #tpu.memory_space<smem>>
    %add3A_70 = vector.broadcast %get3A_69 : f32 to vector<33x128xf32>
    %add3A_71 = arith.addf %mul3A_67, %add3A_70 : vector<33x128xf32>
    %cos3A_72 = math.cos %add3A_71 : vector<33x128xf32>
    %mul3A_73 = vector.broadcast %get3A_63 : f32 to vector<33x128xf32>
    %mul3A_74 = arith.mulf %mul3A_73, %cos3A_72 : vector<33x128xf32>
    %add3A_75 = arith.addf %add3A_61, %mul3A_74 : vector<33x128xf32>
    %get3A_76 = arith.constant 5 : index
    %get3A_77 = memref.load %arg2[%get3A_76] : memref<64xf32, #tpu.memory_space<smem>>
    %get3A_78 = arith.constant 5 : index
    %get3A_79 = memref.load %arg0[%get3A_78] : memref<64xf32, #tpu.memory_space<smem>>
    %mul3A_80 = vector.broadcast %get3A_79 : f32 to vector<33x128xf32>
    %mul3A_81 = arith.mulf %mul3A_5, %mul3A_80 : vector<33x128xf32>
    %get3A_82 = arith.constant 5 : index
    %get3A_83 = memref.load %arg1[%get3A_82] : memref<64xf32, #tpu.memory_space<smem>>
    %add3A_84 = vector.broadcast %get3A_83 : f32 to vector<33x128xf32>
    %add3A_85 = arith.addf %mul3A_81, %add3A_84 : vector<33x128xf32>
    %cos3A_86 = math.cos %add3A_85 : vector<33x128xf32>
    %mul3A_87 = vector.broadcast %get3A_77 : f32 to vector<33x128xf32>
    %mul3A_88 = arith.mulf %mul3A_87, %cos3A_86 : vector<33x128xf32>
    %add3A_89 = arith.addf %add3A_75, %mul3A_88 : vector<33x128xf32>
    %get3A_90 = arith.constant 6 : index
    %get3A_91 = memref.load %arg2[%get3A_90] : memref<64xf32, #tpu.memory_space<smem>>
    %get3A_92 = arith.constant 6 : index
    %get3A_93 = memref.load %arg0[%get3A_92] : memref<64xf32, #tpu.memory_space<smem>>
    %mul3A_94 = vector.broadcast %get3A_93 : f32 to vector<33x128xf32>
    %mul3A_95 = arith.mulf %mul3A_5, %mul3A_94 : vector<33x128xf32>
    %get3A_96 = arith.constant 6 : index
    %get3A_97 = memref.load %arg1[%get3A_96] : memref<64xf32, #tpu.memory_space<smem>>
    %add3A_98 = vector.broadcast %get3A_97 : f32 to vector<33x128xf32>
    %add3A_99 = arith.addf %mul3A_95, %add3A_98 : vector<33x128xf32>
    %cos3A_100 = math.cos %add3A_99 : vector<33x128xf32>
    %mul3A_101 = vector.broadcast %get3A_91 : f32 to vector<33x128xf32>
    %mul3A_102 = arith.mulf %mul3A_101, %cos3A_100 : vector<33x128xf32>
    %add3A_103 = arith.addf %add3A_89, %mul3A_102 : vector<33x128xf32>
    %get3A_104 = arith.constant 7 : index
    %get3A_105 = memref.load %arg2[%get3A_104] : memref<64xf32, #tpu.memory_space<smem>>
    %get3A_106 = arith.constant 7 : index
    %get3A_107 = memref.load %arg0[%get3A_106] : memref<64xf32, #tpu.memory_space<smem>>
    %mul3A_108 = vector.broadcast %get3A_107 : f32 to vector<33x128xf32>
    %mul3A_109 = arith.mulf %mul3A_5, %mul3A_108 : vector<33x128xf32>
    %get3A_110 = arith.constant 7 : index
    %get3A_111 = memref.load %arg1[%get3A_110] : memref<64xf32, #tpu.memory_space<smem>>
    %add3A_112 = vector.broadcast %get3A_111 : f32 to vector<33x128xf32>
    %add3A_113 = arith.addf %mul3A_109, %add3A_112 : vector<33x128xf32>
    %cos3A_114 = math.cos %add3A_113 : vector<33x128xf32>
    %mul3A_115 = vector.broadcast %get3A_105 : f32 to vector<33x128xf32>
    %mul3A_116 = arith.mulf %mul3A_115, %cos3A_114 : vector<33x128xf32>
    %add3A_117 = arith.addf %add3A_103, %mul3A_116 : vector<33x128xf32>
    %get3A_118 = arith.constant 8 : index
    %get3A_119 = memref.load %arg2[%get3A_118] : memref<64xf32, #tpu.memory_space<smem>>
    %get3A_120 = arith.constant 8 : index
    %get3A_121 = memref.load %arg0[%get3A_120] : memref<64xf32, #tpu.memory_space<smem>>
    %mul3A_122 = vector.broadcast %get3A_121 : f32 to vector<33x128xf32>
    %mul3A_123 = arith.mulf %mul3A_5, %mul3A_122 : vector<33x128xf32>
    %get3A_124 = arith.constant 8 : index
    %get3A_125 = memref.load %arg1[%get3A_124] : memref<64xf32, #tpu.memory_space<smem>>
    %add3A_126 = vector.broadcast %get3A_125 : f32 to vector<33x128xf32>
    %add3A_127 = arith.addf %mul3A_123, %add3A_126 : vector<33x128xf32>
    %cos3A_128 = math.cos %add3A_127 : vector<33x128xf32>
    %mul3A_129 = vector.broadcast %get3A_119 : f32 to vector<33x128xf32>
    %mul3A_130 = arith.mulf %mul3A_129, %cos3A_128 : vector<33x128xf32>
    %add3A_131 = arith.addf %add3A_117, %mul3A_130 : vector<33x128xf32>
    %get3A_132 = arith.constant 9 : index
    %get3A_133 = memref.load %arg2[%get3A_132] : memref<64xf32, #tpu.memory_space<smem>>
    %get3A_134 = arith.constant 9 : index
    %get3A_135 = memref.load %arg0[%get3A_134] : memref<64xf32, #tpu.memory_space<smem>>
    %mul3A_136 = vector.broadcast %get3A_135 : f32 to vector<33x128xf32>
    %mul3A_137 = arith.mulf %mul3A_5, %mul3A_136 : vector<33x128xf32>
    %get3A_138 = arith.constant 9 : index
    %get3A_139 = memref.load %arg1[%get3A_138] : memref<64xf32, #tpu.memory_space<smem>>
    %add3A_140 = vector.broadcast %get3A_139 : f32 to vector<33x128xf32>
    %add3A_141 = arith.addf %mul3A_137, %add3A_140 : vector<33x128xf32>
    %cos3A_142 = math.cos %add3A_141 : vector<33x128xf32>
    %mul3A_143 = vector.broadcast %get3A_133 : f32 to vector<33x128xf32>
    %mul3A_144 = arith.mulf %mul3A_143, %cos3A_142 : vector<33x128xf32>
    %add3A_145 = arith.addf %add3A_131, %mul3A_144 : vector<33x128xf32>
    %get3A_146 = arith.constant 10 : index
    %get3A_147 = memref.load %arg2[%get3A_146] : memref<64xf32, #tpu.memory_space<smem>>
    %get3A_148 = arith.constant 10 : index
    %get3A_149 = memref.load %arg0[%get3A_148] : memref<64xf32, #tpu.memory_space<smem>>
    %mul3A_150 = vector.broadcast %get3A_149 : f32 to vector<33x128xf32>
    %mul3A_151 = arith.mulf %mul3A_5, %mul3A_150 : vector<33x128xf32>
    %get3A_152 = arith.constant 10 : index
    %get3A_153 = memref.load %arg1[%get3A_152] : memref<64xf32, #tpu.memory_space<smem>>
    %add3A_154 = vector.broadcast %get3A_153 : f32 to vector<33x128xf32>
    %add3A_155 = arith.addf %mul3A_151, %add3A_154 : vector<33x128xf32>
    %cos3A_156 = math.cos %add3A_155 : vector<33x128xf32>
    %mul3A_157 = vector.broadcast %get3A_147 : f32 to vector<33x128xf32>
    %mul3A_158 = arith.mulf %mul3A_157, %cos3A_156 : vector<33x128xf32>
    %add3A_159 = arith.addf %add3A_145, %mul3A_158 : vector<33x128xf32>
    %get3A_160 = arith.constant 11 : index
    %get3A_161 = memref.load %arg2[%get3A_160] : memref<64xf32, #tpu.memory_space<smem>>
    %get3A_162 = arith.constant 11 : index
    %get3A_163 = memref.load %arg0[%get3A_162] : memref<64xf32, #tpu.memory_space<smem>>
    %mul3A_164 = vector.broadcast %get3A_163 : f32 to vector<33x128xf32>
    %mul3A_165 = arith.mulf %mul3A_5, %mul3A_164 : vector<33x128xf32>
    %get3A_166 = arith.constant 11 : index
    %get3A_167 = memref.load %arg1[%get3A_166] : memref<64xf32, #tpu.memory_space<smem>>
    %add3A_168 = vector.broadcast %get3A_167 : f32 to vector<33x128xf32>
    %add3A_169 = arith.addf %mul3A_165, %add3A_168 : vector<33x128xf32>
    %cos3A_170 = math.cos %add3A_169 : vector<33x128xf32>
    %mul3A_171 = vector.broadcast %get3A_161 : f32 to vector<33x128xf32>
    %mul3A_172 = arith.mulf %mul3A_171, %cos3A_170 : vector<33x128xf32>
    %add3A_173 = arith.addf %add3A_159, %mul3A_172 : vector<33x128xf32>
    %get3A_174 = arith.constant 12 : index
    %get3A_175 = memref.load %arg2[%get3A_174] : memref<64xf32, #tpu.memory_space<smem>>
    %get3A_176 = arith.constant 12 : index
    %get3A_177 = memref.load %arg0[%get3A_176] : memref<64xf32, #tpu.memory_space<smem>>
    %mul3A_178 = vector.broadcast %get3A_177 : f32 to vector<33x128xf32>
    %mul3A_179 = arith.mulf %mul3A_5, %mul3A_178 : vector<33x128xf32>
    %get3A_180 = arith.constant 12 : index
    %get3A_181 = memref.load %arg1[%get3A_180] : memref<64xf32, #tpu.memory_space<smem>>
    %add3A_182 = vector.broadcast %get3A_181 : f32 to vector<33x128xf32>
    %add3A_183 = arith.addf %mul3A_179, %add3A_182 : vector<33x128xf32>
    %cos3A_184 = math.cos %add3A_183 : vector<33x128xf32>
    %mul3A_185 = vector.broadcast %get3A_175 : f32 to vector<33x128xf32>
    %mul3A_186 = arith.mulf %mul3A_185, %cos3A_184 : vector<33x128xf32>
    %add3A_187 = arith.addf %add3A_173, %mul3A_186 : vector<33x128xf32>
    %get3A_188 = arith.constant 13 : index
    %get3A_189 = memref.load %arg2[%get3A_188] : memref<64xf32, #tpu.memory_space<smem>>
    %get3A_190 = arith.constant 13 : index
    %get3A_191 = memref.load %arg0[%get3A_190] : memref<64xf32, #tpu.memory_space<smem>>
    %mul3A_192 = vector.broadcast %get3A_191 : f32 to vector<33x128xf32>
    %mul3A_193 = arith.mulf %mul3A_5, %mul3A_192 : vector<33x128xf32>
    %get3A_194 = arith.constant 13 : index
    %get3A_195 = memref.load %arg1[%get3A_194] : memref<64xf32, #tpu.memory_space<smem>>
    %add3A_196 = vector.broadcast %get3A_195 : f32 to vector<33x128xf32>
    %add3A_197 = arith.addf %mul3A_193, %add3A_196 : vector<33x128xf32>
    %cos3A_198 = math.cos %add3A_197 : vector<33x128xf32>
    %mul3A_199 = vector.broadcast %get3A_189 : f32 to vector<33x128xf32>
    %mul3A_200 = arith.mulf %mul3A_199, %cos3A_198 : vector<33x128xf32>
    %add3A_201 = arith.addf %add3A_187, %mul3A_200 : vector<33x128xf32>
    %get3A_202 = arith.constant 14 : index
    %get3A_203 = memref.load %arg2[%get3A_202] : memref<64xf32, #tpu.memory_space<smem>>
    %get3A_204 = arith.constant 14 : index
    %get3A_205 = memref.load %arg0[%get3A_204] : memref<64xf32, #tpu.memory_space<smem>>
    %mul3A_206 = vector.broadcast %get3A_205 : f32 to vector<33x128xf32>
    %mul3A_207 = arith.mulf %mul3A_5, %mul3A_206 : vector<33x128xf32>
    %get3A_208 = arith.constant 14 : index
    %get3A_209 = memref.load %arg1[%get3A_208] : memref<64xf32, #tpu.memory_space<smem>>
    %add3A_210 = vector.broadcast %get3A_209 : f32 to vector<33x128xf32>
    %add3A_211 = arith.addf %mul3A_207, %add3A_210 : vector<33x128xf32>
    %cos3A_212 = math.cos %add3A_211 : vector<33x128xf32>
    %mul3A_213 = vector.broadcast %get3A_203 : f32 to vector<33x128xf32>
    %mul3A_214 = arith.mulf %mul3A_213, %cos3A_212 : vector<33x128xf32>
    %add3A_215 = arith.addf %add3A_201, %mul3A_214 : vector<33x128xf32>
    %get3A_216 = arith.constant 15 : index
    %get3A_217 = memref.load %arg2[%get3A_216] : memref<64xf32, #tpu.memory_space<smem>>
    %get3A_218 = arith.constant 15 : index
    %get3A_219 = memref.load %arg0[%get3A_218] : memref<64xf32, #tpu.memory_space<smem>>
    %mul3A_220 = vector.broadcast %get3A_219 : f32 to vector<33x128xf32>
    %mul3A_221 = arith.mulf %mul3A_5, %mul3A_220 : vector<33x128xf32>
    %get3A_222 = arith.constant 15 : index
    %get3A_223 = memref.load %arg1[%get3A_222] : memref<64xf32, #tpu.memory_space<smem>>
    %add3A_224 = vector.broadcast %get3A_223 : f32 to vector<33x128xf32>
    %add3A_225 = arith.addf %mul3A_221, %add3A_224 : vector<33x128xf32>
    %cos3A_226 = math.cos %add3A_225 : vector<33x128xf32>
    %mul3A_227 = vector.broadcast %get3A_217 : f32 to vector<33x128xf32>
    %mul3A_228 = arith.mulf %mul3A_227, %cos3A_226 : vector<33x128xf32>
    %add3A_229 = arith.addf %add3A_215, %mul3A_228 : vector<33x128xf32>
    %get3A_230 = arith.constant 16 : index
    %get3A_231 = memref.load %arg2[%get3A_230] : memref<64xf32, #tpu.memory_space<smem>>
    %get3A_232 = arith.constant 16 : index
    %get3A_233 = memref.load %arg0[%get3A_232] : memref<64xf32, #tpu.memory_space<smem>>
    %mul3A_234 = vector.broadcast %get3A_233 : f32 to vector<33x128xf32>
    %mul3A_235 = arith.mulf %mul3A_5, %mul3A_234 : vector<33x128xf32>
    %get3A_236 = arith.constant 16 : index
    %get3A_237 = memref.load %arg1[%get3A_236] : memref<64xf32, #tpu.memory_space<smem>>
    %add3A_238 = vector.broadcast %get3A_237 : f32 to vector<33x128xf32>
    %add3A_239 = arith.addf %mul3A_235, %add3A_238 : vector<33x128xf32>
    %cos3A_240 = math.cos %add3A_239 : vector<33x128xf32>
    %mul3A_241 = vector.broadcast %get3A_231 : f32 to vector<33x128xf32>
    %mul3A_242 = arith.mulf %mul3A_241, %cos3A_240 : vector<33x128xf32>
    %add3A_243 = arith.addf %add3A_229, %mul3A_242 : vector<33x128xf32>
    %get3A_244 = arith.constant 17 : index
    %get3A_245 = memref.load %arg2[%get3A_244] : memref<64xf32, #tpu.memory_space<smem>>
    %get3A_246 = arith.constant 17 : index
    %get3A_247 = memref.load %arg0[%get3A_246] : memref<64xf32, #tpu.memory_space<smem>>
    %mul3A_248 = vector.broadcast %get3A_247 : f32 to vector<33x128xf32>
    %mul3A_249 = arith.mulf %mul3A_5, %mul3A_248 : vector<33x128xf32>
    %get3A_250 = arith.constant 17 : index
    %get3A_251 = memref.load %arg1[%get3A_250] : memref<64xf32, #tpu.memory_space<smem>>
    %add3A_252 = vector.broadcast %get3A_251 : f32 to vector<33x128xf32>
    %add3A_253 = arith.addf %mul3A_249, %add3A_252 : vector<33x128xf32>
    %cos3A_254 = math.cos %add3A_253 : vector<33x128xf32>
    %mul3A_255 = vector.broadcast %get3A_245 : f32 to vector<33x128xf32>
    %mul3A_256 = arith.mulf %mul3A_255, %cos3A_254 : vector<33x128xf32>
    %add3A_257 = arith.addf %add3A_243, %mul3A_256 : vector<33x128xf32>
    %get3A_258 = arith.constant 18 : index
    %get3A_259 = memref.load %arg2[%get3A_258] : memref<64xf32, #tpu.memory_space<smem>>
    %get3A_260 = arith.constant 18 : index
    %get3A_261 = memref.load %arg0[%get3A_260] : memref<64xf32, #tpu.memory_space<smem>>
    %mul3A_262 = vector.broadcast %get3A_261 : f32 to vector<33x128xf32>
    %mul3A_263 = arith.mulf %mul3A_5, %mul3A_262 : vector<33x128xf32>
    %get3A_264 = arith.constant 18 : index
    %get3A_265 = memref.load %arg1[%get3A_264] : memref<64xf32, #tpu.memory_space<smem>>
    %add3A_266 = vector.broadcast %get3A_265 : f32 to vector<33x128xf32>
    %add3A_267 = arith.addf %mul3A_263, %add3A_266 : vector<33x128xf32>
    %cos3A_268 = math.cos %add3A_267 : vector<33x128xf32>
    %mul3A_269 = vector.broadcast %get3A_259 : f32 to vector<33x128xf32>
    %mul3A_270 = arith.mulf %mul3A_269, %cos3A_268 : vector<33x128xf32>
    %add3A_271 = arith.addf %add3A_257, %mul3A_270 : vector<33x128xf32>
    %get3A_272 = arith.constant 19 : index
    %get3A_273 = memref.load %arg2[%get3A_272] : memref<64xf32, #tpu.memory_space<smem>>
    %get3A_274 = arith.constant 19 : index
    %get3A_275 = memref.load %arg0[%get3A_274] : memref<64xf32, #tpu.memory_space<smem>>
    %mul3A_276 = vector.broadcast %get3A_275 : f32 to vector<33x128xf32>
    %mul3A_277 = arith.mulf %mul3A_5, %mul3A_276 : vector<33x128xf32>
    %get3A_278 = arith.constant 19 : index
    %get3A_279 = memref.load %arg1[%get3A_278] : memref<64xf32, #tpu.memory_space<smem>>
    %add3A_280 = vector.broadcast %get3A_279 : f32 to vector<33x128xf32>
    %add3A_281 = arith.addf %mul3A_277, %add3A_280 : vector<33x128xf32>
    %cos3A_282 = math.cos %add3A_281 : vector<33x128xf32>
    %mul3A_283 = vector.broadcast %get3A_273 : f32 to vector<33x128xf32>
    %mul3A_284 = arith.mulf %mul3A_283, %cos3A_282 : vector<33x128xf32>
    %add3A_285 = arith.addf %add3A_271, %mul3A_284 : vector<33x128xf32>
    %get3A_286 = arith.constant 20 : index
    %get3A_287 = memref.load %arg2[%get3A_286] : memref<64xf32, #tpu.memory_space<smem>>
    %get3A_288 = arith.constant 20 : index
    %get3A_289 = memref.load %arg0[%get3A_288] : memref<64xf32, #tpu.memory_space<smem>>
    %mul3A_290 = vector.broadcast %get3A_289 : f32 to vector<33x128xf32>
    %mul3A_291 = arith.mulf %mul3A_5, %mul3A_290 : vector<33x128xf32>
    %get3A_292 = arith.constant 20 : index
    %get3A_293 = memref.load %arg1[%get3A_292] : memref<64xf32, #tpu.memory_space<smem>>
    %add3A_294 = vector.broadcast %get3A_293 : f32 to vector<33x128xf32>
    %add3A_295 = arith.addf %mul3A_291, %add3A_294 : vector<33x128xf32>
    %cos3A_296 = math.cos %add3A_295 : vector<33x128xf32>
    %mul3A_297 = vector.broadcast %get3A_287 : f32 to vector<33x128xf32>
    %mul3A_298 = arith.mulf %mul3A_297, %cos3A_296 : vector<33x128xf32>
    %add3A_299 = arith.addf %add3A_285, %mul3A_298 : vector<33x128xf32>
    %get3A_300 = arith.constant 21 : index
    %get3A_301 = memref.load %arg2[%get3A_300] : memref<64xf32, #tpu.memory_space<smem>>
    %get3A_302 = arith.constant 21 : index
    %get3A_303 = memref.load %arg0[%get3A_302] : memref<64xf32, #tpu.memory_space<smem>>
    %mul3A_304 = vector.broadcast %get3A_303 : f32 to vector<33x128xf32>
    %mul3A_305 = arith.mulf %mul3A_5, %mul3A_304 : vector<33x128xf32>
    %get3A_306 = arith.constant 21 : index
    %get3A_307 = memref.load %arg1[%get3A_306] : memref<64xf32, #tpu.memory_space<smem>>
    %add3A_308 = vector.broadcast %get3A_307 : f32 to vector<33x128xf32>
    %add3A_309 = arith.addf %mul3A_305, %add3A_308 : vector<33x128xf32>
    %cos3A_310 = math.cos %add3A_309 : vector<33x128xf32>
    %mul3A_311 = vector.broadcast %get3A_301 : f32 to vector<33x128xf32>
    %mul3A_312 = arith.mulf %mul3A_311, %cos3A_310 : vector<33x128xf32>
    %add3A_313 = arith.addf %add3A_299, %mul3A_312 : vector<33x128xf32>
    %get3A_314 = arith.constant 22 : index
    %get3A_315 = memref.load %arg2[%get3A_314] : memref<64xf32, #tpu.memory_space<smem>>
    %get3A_316 = arith.constant 22 : index
    %get3A_317 = memref.load %arg0[%get3A_316] : memref<64xf32, #tpu.memory_space<smem>>
    %mul3A_318 = vector.broadcast %get3A_317 : f32 to vector<33x128xf32>
    %mul3A_319 = arith.mulf %mul3A_5, %mul3A_318 : vector<33x128xf32>
    %get3A_320 = arith.constant 22 : index
    %get3A_321 = memref.load %arg1[%get3A_320] : memref<64xf32, #tpu.memory_space<smem>>
    %add3A_322 = vector.broadcast %get3A_321 : f32 to vector<33x128xf32>
    %add3A_323 = arith.addf %mul3A_319, %add3A_322 : vector<33x128xf32>
    %cos3A_324 = math.cos %add3A_323 : vector<33x128xf32>
    %mul3A_325 = vector.broadcast %get3A_315 : f32 to vector<33x128xf32>
    %mul3A_326 = arith.mulf %mul3A_325, %cos3A_324 : vector<33x128xf32>
    %add3A_327 = arith.addf %add3A_313, %mul3A_326 : vector<33x128xf32>
    %get3A_328 = arith.constant 23 : index
    %get3A_329 = memref.load %arg2[%get3A_328] : memref<64xf32, #tpu.memory_space<smem>>
    %get3A_330 = arith.constant 23 : index
    %get3A_331 = memref.load %arg0[%get3A_330] : memref<64xf32, #tpu.memory_space<smem>>
    %mul3A_332 = vector.broadcast %get3A_331 : f32 to vector<33x128xf32>
    %mul3A_333 = arith.mulf %mul3A_5, %mul3A_332 : vector<33x128xf32>
    %get3A_334 = arith.constant 23 : index
    %get3A_335 = memref.load %arg1[%get3A_334] : memref<64xf32, #tpu.memory_space<smem>>
    %add3A_336 = vector.broadcast %get3A_335 : f32 to vector<33x128xf32>
    %add3A_337 = arith.addf %mul3A_333, %add3A_336 : vector<33x128xf32>
    %cos3A_338 = math.cos %add3A_337 : vector<33x128xf32>
    %mul3A_339 = vector.broadcast %get3A_329 : f32 to vector<33x128xf32>
    %mul3A_340 = arith.mulf %mul3A_339, %cos3A_338 : vector<33x128xf32>
    %add3A_341 = arith.addf %add3A_327, %mul3A_340 : vector<33x128xf32>
    %get3A_342 = arith.constant 24 : index
    %get3A_343 = memref.load %arg2[%get3A_342] : memref<64xf32, #tpu.memory_space<smem>>
    %get3A_344 = arith.constant 24 : index
    %get3A_345 = memref.load %arg0[%get3A_344] : memref<64xf32, #tpu.memory_space<smem>>
    %mul3A_346 = vector.broadcast %get3A_345 : f32 to vector<33x128xf32>
    %mul3A_347 = arith.mulf %mul3A_5, %mul3A_346 : vector<33x128xf32>
    %get3A_348 = arith.constant 24 : index
    %get3A_349 = memref.load %arg1[%get3A_348] : memref<64xf32, #tpu.memory_space<smem>>
    %add3A_350 = vector.broadcast %get3A_349 : f32 to vector<33x128xf32>
    %add3A_351 = arith.addf %mul3A_347, %add3A_350 : vector<33x128xf32>
    %cos3A_352 = math.cos %add3A_351 : vector<33x128xf32>
    %mul3A_353 = vector.broadcast %get3A_343 : f32 to vector<33x128xf32>
    %mul3A_354 = arith.mulf %mul3A_353, %cos3A_352 : vector<33x128xf32>
    %add3A_355 = arith.addf %add3A_341, %mul3A_354 : vector<33x128xf32>
    %get3A_356 = arith.constant 25 : index
    %get3A_357 = memref.load %arg2[%get3A_356] : memref<64xf32, #tpu.memory_space<smem>>
    %get3A_358 = arith.constant 25 : index
    %get3A_359 = memref.load %arg0[%get3A_358] : memref<64xf32, #tpu.memory_space<smem>>
    %mul3A_360 = vector.broadcast %get3A_359 : f32 to vector<33x128xf32>
    %mul3A_361 = arith.mulf %mul3A_5, %mul3A_360 : vector<33x128xf32>
    %get3A_362 = arith.constant 25 : index
    %get3A_363 = memref.load %arg1[%get3A_362] : memref<64xf32, #tpu.memory_space<smem>>
    %add3A_364 = vector.broadcast %get3A_363 : f32 to vector<33x128xf32>
    %add3A_365 = arith.addf %mul3A_361, %add3A_364 : vector<33x128xf32>
    %cos3A_366 = math.cos %add3A_365 : vector<33x128xf32>
    %mul3A_367 = vector.broadcast %get3A_357 : f32 to vector<33x128xf32>
    %mul3A_368 = arith.mulf %mul3A_367, %cos3A_366 : vector<33x128xf32>
    %add3A_369 = arith.addf %add3A_355, %mul3A_368 : vector<33x128xf32>
    %get3A_370 = arith.constant 26 : index
    %get3A_371 = memref.load %arg2[%get3A_370] : memref<64xf32, #tpu.memory_space<smem>>
    %get3A_372 = arith.constant 26 : index
    %get3A_373 = memref.load %arg0[%get3A_372] : memref<64xf32, #tpu.memory_space<smem>>
    %mul3A_374 = vector.broadcast %get3A_373 : f32 to vector<33x128xf32>
    %mul3A_375 = arith.mulf %mul3A_5, %mul3A_374 : vector<33x128xf32>
    %get3A_376 = arith.constant 26 : index
    %get3A_377 = memref.load %arg1[%get3A_376] : memref<64xf32, #tpu.memory_space<smem>>
    %add3A_378 = vector.broadcast %get3A_377 : f32 to vector<33x128xf32>
    %add3A_379 = arith.addf %mul3A_375, %add3A_378 : vector<33x128xf32>
    %cos3A_380 = math.cos %add3A_379 : vector<33x128xf32>
    %mul3A_381 = vector.broadcast %get3A_371 : f32 to vector<33x128xf32>
    %mul3A_382 = arith.mulf %mul3A_381, %cos3A_380 : vector<33x128xf32>
    %add3A_383 = arith.addf %add3A_369, %mul3A_382 : vector<33x128xf32>
    %get3A_384 = arith.constant 27 : index
    %get3A_385 = memref.load %arg2[%get3A_384] : memref<64xf32, #tpu.memory_space<smem>>
    %get3A_386 = arith.constant 27 : index
    %get3A_387 = memref.load %arg0[%get3A_386] : memref<64xf32, #tpu.memory_space<smem>>
    %mul3A_388 = vector.broadcast %get3A_387 : f32 to vector<33x128xf32>
    %mul3A_389 = arith.mulf %mul3A_5, %mul3A_388 : vector<33x128xf32>
    %get3A_390 = arith.constant 27 : index
    %get3A_391 = memref.load %arg1[%get3A_390] : memref<64xf32, #tpu.memory_space<smem>>
    %add3A_392 = vector.broadcast %get3A_391 : f32 to vector<33x128xf32>
    %add3A_393 = arith.addf %mul3A_389, %add3A_392 : vector<33x128xf32>
    %cos3A_394 = math.cos %add3A_393 : vector<33x128xf32>
    %mul3A_395 = vector.broadcast %get3A_385 : f32 to vector<33x128xf32>
    %mul3A_396 = arith.mulf %mul3A_395, %cos3A_394 : vector<33x128xf32>
    %add3A_397 = arith.addf %add3A_383, %mul3A_396 : vector<33x128xf32>
    %get3A_398 = arith.constant 28 : index
    %get3A_399 = memref.load %arg2[%get3A_398] : memref<64xf32, #tpu.memory_space<smem>>
    %get3A_400 = arith.constant 28 : index
    %get3A_401 = memref.load %arg0[%get3A_400] : memref<64xf32, #tpu.memory_space<smem>>
    %mul3A_402 = vector.broadcast %get3A_401 : f32 to vector<33x128xf32>
    %mul3A_403 = arith.mulf %mul3A_5, %mul3A_402 : vector<33x128xf32>
    %get3A_404 = arith.constant 28 : index
    %get3A_405 = memref.load %arg1[%get3A_404] : memref<64xf32, #tpu.memory_space<smem>>
    %add3A_406 = vector.broadcast %get3A_405 : f32 to vector<33x128xf32>
    %add3A_407 = arith.addf %mul3A_403, %add3A_406 : vector<33x128xf32>
    %cos3A_408 = math.cos %add3A_407 : vector<33x128xf32>
    %mul3A_409 = vector.broadcast %get3A_399 : f32 to vector<33x128xf32>
    %mul3A_410 = arith.mulf %mul3A_409, %cos3A_408 : vector<33x128xf32>
    %add3A_411 = arith.addf %add3A_397, %mul3A_410 : vector<33x128xf32>
    %get3A_412 = arith.constant 29 : index
    %get3A_413 = memref.load %arg2[%get3A_412] : memref<64xf32, #tpu.memory_space<smem>>
    %get3A_414 = arith.constant 29 : index
    %get3A_415 = memref.load %arg0[%get3A_414] : memref<64xf32, #tpu.memory_space<smem>>
    %mul3A_416 = vector.broadcast %get3A_415 : f32 to vector<33x128xf32>
    %mul3A_417 = arith.mulf %mul3A_5, %mul3A_416 : vector<33x128xf32>
    %get3A_418 = arith.constant 29 : index
    %get3A_419 = memref.load %arg1[%get3A_418] : memref<64xf32, #tpu.memory_space<smem>>
    %add3A_420 = vector.broadcast %get3A_419 : f32 to vector<33x128xf32>
    %add3A_421 = arith.addf %mul3A_417, %add3A_420 : vector<33x128xf32>
    %cos3A_422 = math.cos %add3A_421 : vector<33x128xf32>
    %mul3A_423 = vector.broadcast %get3A_413 : f32 to vector<33x128xf32>
    %mul3A_424 = arith.mulf %mul3A_423, %cos3A_422 : vector<33x128xf32>
    %add3A_425 = arith.addf %add3A_411, %mul3A_424 : vector<33x128xf32>
    %get3A_426 = arith.constant 30 : index
    %get3A_427 = memref.load %arg2[%get3A_426] : memref<64xf32, #tpu.memory_space<smem>>
    %get3A_428 = arith.constant 30 : index
    %get3A_429 = memref.load %arg0[%get3A_428] : memref<64xf32, #tpu.memory_space<smem>>
    %mul3A_430 = vector.broadcast %get3A_429 : f32 to vector<33x128xf32>
    %mul3A_431 = arith.mulf %mul3A_5, %mul3A_430 : vector<33x128xf32>
    %get3A_432 = arith.constant 30 : index
    %get3A_433 = memref.load %arg1[%get3A_432] : memref<64xf32, #tpu.memory_space<smem>>
    %add3A_434 = vector.broadcast %get3A_433 : f32 to vector<33x128xf32>
    %add3A_435 = arith.addf %mul3A_431, %add3A_434 : vector<33x128xf32>
    %cos3A_436 = math.cos %add3A_435 : vector<33x128xf32>
    %mul3A_437 = vector.broadcast %get3A_427 : f32 to vector<33x128xf32>
    %mul3A_438 = arith.mulf %mul3A_437, %cos3A_436 : vector<33x128xf32>
    %add3A_439 = arith.addf %add3A_425, %mul3A_438 : vector<33x128xf32>
    %get3A_440 = arith.constant 31 : index
    %get3A_441 = memref.load %arg2[%get3A_440] : memref<64xf32, #tpu.memory_space<smem>>
    %get3A_442 = arith.constant 31 : index
    %get3A_443 = memref.load %arg0[%get3A_442] : memref<64xf32, #tpu.memory_space<smem>>
    %mul3A_444 = vector.broadcast %get3A_443 : f32 to vector<33x128xf32>
    %mul3A_445 = arith.mulf %mul3A_5, %mul3A_444 : vector<33x128xf32>
    %get3A_446 = arith.constant 31 : index
    %get3A_447 = memref.load %arg1[%get3A_446] : memref<64xf32, #tpu.memory_space<smem>>
    %add3A_448 = vector.broadcast %get3A_447 : f32 to vector<33x128xf32>
    %add3A_449 = arith.addf %mul3A_445, %add3A_448 : vector<33x128xf32>
    %cos3A_450 = math.cos %add3A_449 : vector<33x128xf32>
    %mul3A_451 = vector.broadcast %get3A_441 : f32 to vector<33x128xf32>
    %mul3A_452 = arith.mulf %mul3A_451, %cos3A_450 : vector<33x128xf32>
    %add3A_453 = arith.addf %add3A_439, %mul3A_452 : vector<33x128xf32>
    %get3A_454 = arith.constant 32 : index
    %get3A_455 = memref.load %arg2[%get3A_454] : memref<64xf32, #tpu.memory_space<smem>>
    %get3A_456 = arith.constant 32 : index
    %get3A_457 = memref.load %arg0[%get3A_456] : memref<64xf32, #tpu.memory_space<smem>>
    %mul3A_458 = vector.broadcast %get3A_457 : f32 to vector<33x128xf32>
    %mul3A_459 = arith.mulf %mul3A_5, %mul3A_458 : vector<33x128xf32>
    %get3A_460 = arith.constant 32 : index
    %get3A_461 = memref.load %arg1[%get3A_460] : memref<64xf32, #tpu.memory_space<smem>>
    %add3A_462 = vector.broadcast %get3A_461 : f32 to vector<33x128xf32>
    %add3A_463 = arith.addf %mul3A_459, %add3A_462 : vector<33x128xf32>
    %cos3A_464 = math.cos %add3A_463 : vector<33x128xf32>
    %mul3A_465 = vector.broadcast %get3A_455 : f32 to vector<33x128xf32>
    %mul3A_466 = arith.mulf %mul3A_465, %cos3A_464 : vector<33x128xf32>
    %add3A_467 = arith.addf %add3A_453, %mul3A_466 : vector<33x128xf32>
    %get3A_468 = arith.constant 33 : index
    %get3A_469 = memref.load %arg2[%get3A_468] : memref<64xf32, #tpu.memory_space<smem>>
    %get3A_470 = arith.constant 33 : index
    %get3A_471 = memref.load %arg0[%get3A_470] : memref<64xf32, #tpu.memory_space<smem>>
    %mul3A_472 = vector.broadcast %get3A_471 : f32 to vector<33x128xf32>
    %mul3A_473 = arith.mulf %mul3A_5, %mul3A_472 : vector<33x128xf32>
    %get3A_474 = arith.constant 33 : index
    %get3A_475 = memref.load %arg1[%get3A_474] : memref<64xf32, #tpu.memory_space<smem>>
    %add3A_476 = vector.broadcast %get3A_475 : f32 to vector<33x128xf32>
    %add3A_477 = arith.addf %mul3A_473, %add3A_476 : vector<33x128xf32>
    %cos3A_478 = math.cos %add3A_477 : vector<33x128xf32>
    %mul3A_479 = vector.broadcast %get3A_469 : f32 to vector<33x128xf32>
    %mul3A_480 = arith.mulf %mul3A_479, %cos3A_478 : vector<33x128xf32>
    %add3A_481 = arith.addf %add3A_467, %mul3A_480 : vector<33x128xf32>
    %get3A_482 = arith.constant 34 : index
    %get3A_483 = memref.load %arg2[%get3A_482] : memref<64xf32, #tpu.memory_space<smem>>
    %get3A_484 = arith.constant 34 : index
    %get3A_485 = memref.load %arg0[%get3A_484] : memref<64xf32, #tpu.memory_space<smem>>
    %mul3A_486 = vector.broadcast %get3A_485 : f32 to vector<33x128xf32>
    %mul3A_487 = arith.mulf %mul3A_5, %mul3A_486 : vector<33x128xf32>
    %get3A_488 = arith.constant 34 : index
    %get3A_489 = memref.load %arg1[%get3A_488] : memref<64xf32, #tpu.memory_space<smem>>
    %add3A_490 = vector.broadcast %get3A_489 : f32 to vector<33x128xf32>
    %add3A_491 = arith.addf %mul3A_487, %add3A_490 : vector<33x128xf32>
    %cos3A_492 = math.cos %add3A_491 : vector<33x128xf32>
    %mul3A_493 = vector.broadcast %get3A_483 : f32 to vector<33x128xf32>
    %mul3A_494 = arith.mulf %mul3A_493, %cos3A_492 : vector<33x128xf32>
    %add3A_495 = arith.addf %add3A_481, %mul3A_494 : vector<33x128xf32>
    %get3A_496 = arith.constant 35 : index
    %get3A_497 = memref.load %arg2[%get3A_496] : memref<64xf32, #tpu.memory_space<smem>>
    %get3A_498 = arith.constant 35 : index
    %get3A_499 = memref.load %arg0[%get3A_498] : memref<64xf32, #tpu.memory_space<smem>>
    %mul3A_500 = vector.broadcast %get3A_499 : f32 to vector<33x128xf32>
    %mul3A_501 = arith.mulf %mul3A_5, %mul3A_500 : vector<33x128xf32>
    %get3A_502 = arith.constant 35 : index
    %get3A_503 = memref.load %arg1[%get3A_502] : memref<64xf32, #tpu.memory_space<smem>>
    %add3A_504 = vector.broadcast %get3A_503 : f32 to vector<33x128xf32>
    %add3A_505 = arith.addf %mul3A_501, %add3A_504 : vector<33x128xf32>
    %cos3A_506 = math.cos %add3A_505 : vector<33x128xf32>
    %mul3A_507 = vector.broadcast %get3A_497 : f32 to vector<33x128xf32>
    %mul3A_508 = arith.mulf %mul3A_507, %cos3A_506 : vector<33x128xf32>
    %add3A_509 = arith.addf %add3A_495, %mul3A_508 : vector<33x128xf32>
    %get3A_510 = arith.constant 36 : index
    %get3A_511 = memref.load %arg2[%get3A_510] : memref<64xf32, #tpu.memory_space<smem>>
    %get3A_512 = arith.constant 36 : index
    %get3A_513 = memref.load %arg0[%get3A_512] : memref<64xf32, #tpu.memory_space<smem>>
    %mul3A_514 = vector.broadcast %get3A_513 : f32 to vector<33x128xf32>
    %mul3A_515 = arith.mulf %mul3A_5, %mul3A_514 : vector<33x128xf32>
    %get3A_516 = arith.constant 36 : index
    %get3A_517 = memref.load %arg1[%get3A_516] : memref<64xf32, #tpu.memory_space<smem>>
    %add3A_518 = vector.broadcast %get3A_517 : f32 to vector<33x128xf32>
    %add3A_519 = arith.addf %mul3A_515, %add3A_518 : vector<33x128xf32>
    %cos3A_520 = math.cos %add3A_519 : vector<33x128xf32>
    %mul3A_521 = vector.broadcast %get3A_511 : f32 to vector<33x128xf32>
    %mul3A_522 = arith.mulf %mul3A_521, %cos3A_520 : vector<33x128xf32>
    %add3A_523 = arith.addf %add3A_509, %mul3A_522 : vector<33x128xf32>
    %get3A_524 = arith.constant 37 : index
    %get3A_525 = memref.load %arg2[%get3A_524] : memref<64xf32, #tpu.memory_space<smem>>
    %get3A_526 = arith.constant 37 : index
    %get3A_527 = memref.load %arg0[%get3A_526] : memref<64xf32, #tpu.memory_space<smem>>
    %mul3A_528 = vector.broadcast %get3A_527 : f32 to vector<33x128xf32>
    %mul3A_529 = arith.mulf %mul3A_5, %mul3A_528 : vector<33x128xf32>
    %get3A_530 = arith.constant 37 : index
    %get3A_531 = memref.load %arg1[%get3A_530] : memref<64xf32, #tpu.memory_space<smem>>
    %add3A_532 = vector.broadcast %get3A_531 : f32 to vector<33x128xf32>
    %add3A_533 = arith.addf %mul3A_529, %add3A_532 : vector<33x128xf32>
    %cos3A_534 = math.cos %add3A_533 : vector<33x128xf32>
    %mul3A_535 = vector.broadcast %get3A_525 : f32 to vector<33x128xf32>
    %mul3A_536 = arith.mulf %mul3A_535, %cos3A_534 : vector<33x128xf32>
    %add3A_537 = arith.addf %add3A_523, %mul3A_536 : vector<33x128xf32>
    %get3A_538 = arith.constant 38 : index
    %get3A_539 = memref.load %arg2[%get3A_538] : memref<64xf32, #tpu.memory_space<smem>>
    %get3A_540 = arith.constant 38 : index
    %get3A_541 = memref.load %arg0[%get3A_540] : memref<64xf32, #tpu.memory_space<smem>>
    %mul3A_542 = vector.broadcast %get3A_541 : f32 to vector<33x128xf32>
    %mul3A_543 = arith.mulf %mul3A_5, %mul3A_542 : vector<33x128xf32>
    %get3A_544 = arith.constant 38 : index
    %get3A_545 = memref.load %arg1[%get3A_544] : memref<64xf32, #tpu.memory_space<smem>>
    %add3A_546 = vector.broadcast %get3A_545 : f32 to vector<33x128xf32>
    %add3A_547 = arith.addf %mul3A_543, %add3A_546 : vector<33x128xf32>
    %cos3A_548 = math.cos %add3A_547 : vector<33x128xf32>
    %mul3A_549 = vector.broadcast %get3A_539 : f32 to vector<33x128xf32>
    %mul3A_550 = arith.mulf %mul3A_549, %cos3A_548 : vector<33x128xf32>
    %add3A_551 = arith.addf %add3A_537, %mul3A_550 : vector<33x128xf32>
    %get3A_552 = arith.constant 39 : index
    %get3A_553 = memref.load %arg2[%get3A_552] : memref<64xf32, #tpu.memory_space<smem>>
    %get3A_554 = arith.constant 39 : index
    %get3A_555 = memref.load %arg0[%get3A_554] : memref<64xf32, #tpu.memory_space<smem>>
    %mul3A_556 = vector.broadcast %get3A_555 : f32 to vector<33x128xf32>
    %mul3A_557 = arith.mulf %mul3A_5, %mul3A_556 : vector<33x128xf32>
    %get3A_558 = arith.constant 39 : index
    %get3A_559 = memref.load %arg1[%get3A_558] : memref<64xf32, #tpu.memory_space<smem>>
    %add3A_560 = vector.broadcast %get3A_559 : f32 to vector<33x128xf32>
    %add3A_561 = arith.addf %mul3A_557, %add3A_560 : vector<33x128xf32>
    %cos3A_562 = math.cos %add3A_561 : vector<33x128xf32>
    %mul3A_563 = vector.broadcast %get3A_553 : f32 to vector<33x128xf32>
    %mul3A_564 = arith.mulf %mul3A_563, %cos3A_562 : vector<33x128xf32>
    %add3A_565 = arith.addf %add3A_551, %mul3A_564 : vector<33x128xf32>
    %get3A_566 = arith.constant 40 : index
    %get3A_567 = memref.load %arg2[%get3A_566] : memref<64xf32, #tpu.memory_space<smem>>
    %get3A_568 = arith.constant 40 : index
    %get3A_569 = memref.load %arg0[%get3A_568] : memref<64xf32, #tpu.memory_space<smem>>
    %mul3A_570 = vector.broadcast %get3A_569 : f32 to vector<33x128xf32>
    %mul3A_571 = arith.mulf %mul3A_5, %mul3A_570 : vector<33x128xf32>
    %get3A_572 = arith.constant 40 : index
    %get3A_573 = memref.load %arg1[%get3A_572] : memref<64xf32, #tpu.memory_space<smem>>
    %add3A_574 = vector.broadcast %get3A_573 : f32 to vector<33x128xf32>
    %add3A_575 = arith.addf %mul3A_571, %add3A_574 : vector<33x128xf32>
    %cos3A_576 = math.cos %add3A_575 : vector<33x128xf32>
    %mul3A_577 = vector.broadcast %get3A_567 : f32 to vector<33x128xf32>
    %mul3A_578 = arith.mulf %mul3A_577, %cos3A_576 : vector<33x128xf32>
    %add3A_579 = arith.addf %add3A_565, %mul3A_578 : vector<33x128xf32>
    %get3A_580 = arith.constant 41 : index
    %get3A_581 = memref.load %arg2[%get3A_580] : memref<64xf32, #tpu.memory_space<smem>>
    %get3A_582 = arith.constant 41 : index
    %get3A_583 = memref.load %arg0[%get3A_582] : memref<64xf32, #tpu.memory_space<smem>>
    %mul3A_584 = vector.broadcast %get3A_583 : f32 to vector<33x128xf32>
    %mul3A_585 = arith.mulf %mul3A_5, %mul3A_584 : vector<33x128xf32>
    %get3A_586 = arith.constant 41 : index
    %get3A_587 = memref.load %arg1[%get3A_586] : memref<64xf32, #tpu.memory_space<smem>>
    %add3A_588 = vector.broadcast %get3A_587 : f32 to vector<33x128xf32>
    %add3A_589 = arith.addf %mul3A_585, %add3A_588 : vector<33x128xf32>
    %cos3A_590 = math.cos %add3A_589 : vector<33x128xf32>
    %mul3A_591 = vector.broadcast %get3A_581 : f32 to vector<33x128xf32>
    %mul3A_592 = arith.mulf %mul3A_591, %cos3A_590 : vector<33x128xf32>
    %add3A_593 = arith.addf %add3A_579, %mul3A_592 : vector<33x128xf32>
    %get3A_594 = arith.constant 42 : index
    %get3A_595 = memref.load %arg2[%get3A_594] : memref<64xf32, #tpu.memory_space<smem>>
    %get3A_596 = arith.constant 42 : index
    %get3A_597 = memref.load %arg0[%get3A_596] : memref<64xf32, #tpu.memory_space<smem>>
    %mul3A_598 = vector.broadcast %get3A_597 : f32 to vector<33x128xf32>
    %mul3A_599 = arith.mulf %mul3A_5, %mul3A_598 : vector<33x128xf32>
    %get3A_600 = arith.constant 42 : index
    %get3A_601 = memref.load %arg1[%get3A_600] : memref<64xf32, #tpu.memory_space<smem>>
    %add3A_602 = vector.broadcast %get3A_601 : f32 to vector<33x128xf32>
    %add3A_603 = arith.addf %mul3A_599, %add3A_602 : vector<33x128xf32>
    %cos3A_604 = math.cos %add3A_603 : vector<33x128xf32>
    %mul3A_605 = vector.broadcast %get3A_595 : f32 to vector<33x128xf32>
    %mul3A_606 = arith.mulf %mul3A_605, %cos3A_604 : vector<33x128xf32>
    %add3A_607 = arith.addf %add3A_593, %mul3A_606 : vector<33x128xf32>
    %get3A_608 = arith.constant 43 : index
    %get3A_609 = memref.load %arg2[%get3A_608] : memref<64xf32, #tpu.memory_space<smem>>
    %get3A_610 = arith.constant 43 : index
    %get3A_611 = memref.load %arg0[%get3A_610] : memref<64xf32, #tpu.memory_space<smem>>
    %mul3A_612 = vector.broadcast %get3A_611 : f32 to vector<33x128xf32>
    %mul3A_613 = arith.mulf %mul3A_5, %mul3A_612 : vector<33x128xf32>
    %get3A_614 = arith.constant 43 : index
    %get3A_615 = memref.load %arg1[%get3A_614] : memref<64xf32, #tpu.memory_space<smem>>
    %add3A_616 = vector.broadcast %get3A_615 : f32 to vector<33x128xf32>
    %add3A_617 = arith.addf %mul3A_613, %add3A_616 : vector<33x128xf32>
    %cos3A_618 = math.cos %add3A_617 : vector<33x128xf32>
    %mul3A_619 = vector.broadcast %get3A_609 : f32 to vector<33x128xf32>
    %mul3A_620 = arith.mulf %mul3A_619, %cos3A_618 : vector<33x128xf32>
    %add3A_621 = arith.addf %add3A_607, %mul3A_620 : vector<33x128xf32>
    %get3A_622 = arith.constant 44 : index
    %get3A_623 = memref.load %arg2[%get3A_622] : memref<64xf32, #tpu.memory_space<smem>>
    %get3A_624 = arith.constant 44 : index
    %get3A_625 = memref.load %arg0[%get3A_624] : memref<64xf32, #tpu.memory_space<smem>>
    %mul3A_626 = vector.broadcast %get3A_625 : f32 to vector<33x128xf32>
    %mul3A_627 = arith.mulf %mul3A_5, %mul3A_626 : vector<33x128xf32>
    %get3A_628 = arith.constant 44 : index
    %get3A_629 = memref.load %arg1[%get3A_628] : memref<64xf32, #tpu.memory_space<smem>>
    %add3A_630 = vector.broadcast %get3A_629 : f32 to vector<33x128xf32>
    %add3A_631 = arith.addf %mul3A_627, %add3A_630 : vector<33x128xf32>
    %cos3A_632 = math.cos %add3A_631 : vector<33x128xf32>
    %mul3A_633 = vector.broadcast %get3A_623 : f32 to vector<33x128xf32>
    %mul3A_634 = arith.mulf %mul3A_633, %cos3A_632 : vector<33x128xf32>
    %add3A_635 = arith.addf %add3A_621, %mul3A_634 : vector<33x128xf32>
    %get3A_636 = arith.constant 45 : index
    %get3A_637 = memref.load %arg2[%get3A_636] : memref<64xf32, #tpu.memory_space<smem>>
    %get3A_638 = arith.constant 45 : index
    %get3A_639 = memref.load %arg0[%get3A_638] : memref<64xf32, #tpu.memory_space<smem>>
    %mul3A_640 = vector.broadcast %get3A_639 : f32 to vector<33x128xf32>
    %mul3A_641 = arith.mulf %mul3A_5, %mul3A_640 : vector<33x128xf32>
    %get3A_642 = arith.constant 45 : index
    %get3A_643 = memref.load %arg1[%get3A_642] : memref<64xf32, #tpu.memory_space<smem>>
    %add3A_644 = vector.broadcast %get3A_643 : f32 to vector<33x128xf32>
    %add3A_645 = arith.addf %mul3A_641, %add3A_644 : vector<33x128xf32>
    %cos3A_646 = math.cos %add3A_645 : vector<33x128xf32>
    %mul3A_647 = vector.broadcast %get3A_637 : f32 to vector<33x128xf32>
    %mul3A_648 = arith.mulf %mul3A_647, %cos3A_646 : vector<33x128xf32>
    %add3A_649 = arith.addf %add3A_635, %mul3A_648 : vector<33x128xf32>
    %get3A_650 = arith.constant 46 : index
    %get3A_651 = memref.load %arg2[%get3A_650] : memref<64xf32, #tpu.memory_space<smem>>
    %get3A_652 = arith.constant 46 : index
    %get3A_653 = memref.load %arg0[%get3A_652] : memref<64xf32, #tpu.memory_space<smem>>
    %mul3A_654 = vector.broadcast %get3A_653 : f32 to vector<33x128xf32>
    %mul3A_655 = arith.mulf %mul3A_5, %mul3A_654 : vector<33x128xf32>
    %get3A_656 = arith.constant 46 : index
    %get3A_657 = memref.load %arg1[%get3A_656] : memref<64xf32, #tpu.memory_space<smem>>
    %add3A_658 = vector.broadcast %get3A_657 : f32 to vector<33x128xf32>
    %add3A_659 = arith.addf %mul3A_655, %add3A_658 : vector<33x128xf32>
    %cos3A_660 = math.cos %add3A_659 : vector<33x128xf32>
    %mul3A_661 = vector.broadcast %get3A_651 : f32 to vector<33x128xf32>
    %mul3A_662 = arith.mulf %mul3A_661, %cos3A_660 : vector<33x128xf32>
    %add3A_663 = arith.addf %add3A_649, %mul3A_662 : vector<33x128xf32>
    %get3A_664 = arith.constant 47 : index
    %get3A_665 = memref.load %arg2[%get3A_664] : memref<64xf32, #tpu.memory_space<smem>>
    %get3A_666 = arith.constant 47 : index
    %get3A_667 = memref.load %arg0[%get3A_666] : memref<64xf32, #tpu.memory_space<smem>>
    %mul3A_668 = vector.broadcast %get3A_667 : f32 to vector<33x128xf32>
    %mul3A_669 = arith.mulf %mul3A_5, %mul3A_668 : vector<33x128xf32>
    %get3A_670 = arith.constant 47 : index
    %get3A_671 = memref.load %arg1[%get3A_670] : memref<64xf32, #tpu.memory_space<smem>>
    %add3A_672 = vector.broadcast %get3A_671 : f32 to vector<33x128xf32>
    %add3A_673 = arith.addf %mul3A_669, %add3A_672 : vector<33x128xf32>
    %cos3A_674 = math.cos %add3A_673 : vector<33x128xf32>
    %mul3A_675 = vector.broadcast %get3A_665 : f32 to vector<33x128xf32>
    %mul3A_676 = arith.mulf %mul3A_675, %cos3A_674 : vector<33x128xf32>
    %add3A_677 = arith.addf %add3A_663, %mul3A_676 : vector<33x128xf32>
    %get3A_678 = arith.constant 48 : index
    %get3A_679 = memref.load %arg2[%get3A_678] : memref<64xf32, #tpu.memory_space<smem>>
    %get3A_680 = arith.constant 48 : index
    %get3A_681 = memref.load %arg0[%get3A_680] : memref<64xf32, #tpu.memory_space<smem>>
    %mul3A_682 = vector.broadcast %get3A_681 : f32 to vector<33x128xf32>
    %mul3A_683 = arith.mulf %mul3A_5, %mul3A_682 : vector<33x128xf32>
    %get3A_684 = arith.constant 48 : index
    %get3A_685 = memref.load %arg1[%get3A_684] : memref<64xf32, #tpu.memory_space<smem>>
    %add3A_686 = vector.broadcast %get3A_685 : f32 to vector<33x128xf32>
    %add3A_687 = arith.addf %mul3A_683, %add3A_686 : vector<33x128xf32>
    %cos3A_688 = math.cos %add3A_687 : vector<33x128xf32>
    %mul3A_689 = vector.broadcast %get3A_679 : f32 to vector<33x128xf32>
    %mul3A_690 = arith.mulf %mul3A_689, %cos3A_688 : vector<33x128xf32>
    %add3A_691 = arith.addf %add3A_677, %mul3A_690 : vector<33x128xf32>
    %get3A_692 = arith.constant 49 : index
    %get3A_693 = memref.load %arg2[%get3A_692] : memref<64xf32, #tpu.memory_space<smem>>
    %get3A_694 = arith.constant 49 : index
    %get3A_695 = memref.load %arg0[%get3A_694] : memref<64xf32, #tpu.memory_space<smem>>
    %mul3A_696 = vector.broadcast %get3A_695 : f32 to vector<33x128xf32>
    %mul3A_697 = arith.mulf %mul3A_5, %mul3A_696 : vector<33x128xf32>
    %get3A_698 = arith.constant 49 : index
    %get3A_699 = memref.load %arg1[%get3A_698] : memref<64xf32, #tpu.memory_space<smem>>
    %add3A_700 = vector.broadcast %get3A_699 : f32 to vector<33x128xf32>
    %add3A_701 = arith.addf %mul3A_697, %add3A_700 : vector<33x128xf32>
    %cos3A_702 = math.cos %add3A_701 : vector<33x128xf32>
    %mul3A_703 = vector.broadcast %get3A_693 : f32 to vector<33x128xf32>
    %mul3A_704 = arith.mulf %mul3A_703, %cos3A_702 : vector<33x128xf32>
    %add3A_705 = arith.addf %add3A_691, %mul3A_704 : vector<33x128xf32>
    %get3A_706 = arith.constant 50 : index
    %get3A_707 = memref.load %arg2[%get3A_706] : memref<64xf32, #tpu.memory_space<smem>>
    %get3A_708 = arith.constant 50 : index
    %get3A_709 = memref.load %arg0[%get3A_708] : memref<64xf32, #tpu.memory_space<smem>>
    %mul3A_710 = vector.broadcast %get3A_709 : f32 to vector<33x128xf32>
    %mul3A_711 = arith.mulf %mul3A_5, %mul3A_710 : vector<33x128xf32>
    %get3A_712 = arith.constant 50 : index
    %get3A_713 = memref.load %arg1[%get3A_712] : memref<64xf32, #tpu.memory_space<smem>>
    %add3A_714 = vector.broadcast %get3A_713 : f32 to vector<33x128xf32>
    %add3A_715 = arith.addf %mul3A_711, %add3A_714 : vector<33x128xf32>
    %cos3A_716 = math.cos %add3A_715 : vector<33x128xf32>
    %mul3A_717 = vector.broadcast %get3A_707 : f32 to vector<33x128xf32>
    %mul3A_718 = arith.mulf %mul3A_717, %cos3A_716 : vector<33x128xf32>
    %add3A_719 = arith.addf %add3A_705, %mul3A_718 : vector<33x128xf32>
    %get3A_720 = arith.constant 51 : index
    %get3A_721 = memref.load %arg2[%get3A_720] : memref<64xf32, #tpu.memory_space<smem>>
    %get3A_722 = arith.constant 51 : index
    %get3A_723 = memref.load %arg0[%get3A_722] : memref<64xf32, #tpu.memory_space<smem>>
    %mul3A_724 = vector.broadcast %get3A_723 : f32 to vector<33x128xf32>
    %mul3A_725 = arith.mulf %mul3A_5, %mul3A_724 : vector<33x128xf32>
    %get3A_726 = arith.constant 51 : index
    %get3A_727 = memref.load %arg1[%get3A_726] : memref<64xf32, #tpu.memory_space<smem>>
    %add3A_728 = vector.broadcast %get3A_727 : f32 to vector<33x128xf32>
    %add3A_729 = arith.addf %mul3A_725, %add3A_728 : vector<33x128xf32>
    %cos3A_730 = math.cos %add3A_729 : vector<33x128xf32>
    %mul3A_731 = vector.broadcast %get3A_721 : f32 to vector<33x128xf32>
    %mul3A_732 = arith.mulf %mul3A_731, %cos3A_730 : vector<33x128xf32>
    %add3A_733 = arith.addf %add3A_719, %mul3A_732 : vector<33x128xf32>
    %get3A_734 = arith.constant 52 : index
    %get3A_735 = memref.load %arg2[%get3A_734] : memref<64xf32, #tpu.memory_space<smem>>
    %get3A_736 = arith.constant 52 : index
    %get3A_737 = memref.load %arg0[%get3A_736] : memref<64xf32, #tpu.memory_space<smem>>
    %mul3A_738 = vector.broadcast %get3A_737 : f32 to vector<33x128xf32>
    %mul3A_739 = arith.mulf %mul3A_5, %mul3A_738 : vector<33x128xf32>
    %get3A_740 = arith.constant 52 : index
    %get3A_741 = memref.load %arg1[%get3A_740] : memref<64xf32, #tpu.memory_space<smem>>
    %add3A_742 = vector.broadcast %get3A_741 : f32 to vector<33x128xf32>
    %add3A_743 = arith.addf %mul3A_739, %add3A_742 : vector<33x128xf32>
    %cos3A_744 = math.cos %add3A_743 : vector<33x128xf32>
    %mul3A_745 = vector.broadcast %get3A_735 : f32 to vector<33x128xf32>
    %mul3A_746 = arith.mulf %mul3A_745, %cos3A_744 : vector<33x128xf32>
    %add3A_747 = arith.addf %add3A_733, %mul3A_746 : vector<33x128xf32>
    %get3A_748 = arith.constant 53 : index
    %get3A_749 = memref.load %arg2[%get3A_748] : memref<64xf32, #tpu.memory_space<smem>>
    %get3A_750 = arith.constant 53 : index
    %get3A_751 = memref.load %arg0[%get3A_750] : memref<64xf32, #tpu.memory_space<smem>>
    %mul3A_752 = vector.broadcast %get3A_751 : f32 to vector<33x128xf32>
    %mul3A_753 = arith.mulf %mul3A_5, %mul3A_752 : vector<33x128xf32>
    %get3A_754 = arith.constant 53 : index
    %get3A_755 = memref.load %arg1[%get3A_754] : memref<64xf32, #tpu.memory_space<smem>>
    %add3A_756 = vector.broadcast %get3A_755 : f32 to vector<33x128xf32>
    %add3A_757 = arith.addf %mul3A_753, %add3A_756 : vector<33x128xf32>
    %cos3A_758 = math.cos %add3A_757 : vector<33x128xf32>
    %mul3A_759 = vector.broadcast %get3A_749 : f32 to vector<33x128xf32>
    %mul3A_760 = arith.mulf %mul3A_759, %cos3A_758 : vector<33x128xf32>
    %add3A_761 = arith.addf %add3A_747, %mul3A_760 : vector<33x128xf32>
    %get3A_762 = arith.constant 54 : index
    %get3A_763 = memref.load %arg2[%get3A_762] : memref<64xf32, #tpu.memory_space<smem>>
    %get3A_764 = arith.constant 54 : index
    %get3A_765 = memref.load %arg0[%get3A_764] : memref<64xf32, #tpu.memory_space<smem>>
    %mul3A_766 = vector.broadcast %get3A_765 : f32 to vector<33x128xf32>
    %mul3A_767 = arith.mulf %mul3A_5, %mul3A_766 : vector<33x128xf32>
    %get3A_768 = arith.constant 54 : index
    %get3A_769 = memref.load %arg1[%get3A_768] : memref<64xf32, #tpu.memory_space<smem>>
    %add3A_770 = vector.broadcast %get3A_769 : f32 to vector<33x128xf32>
    %add3A_771 = arith.addf %mul3A_767, %add3A_770 : vector<33x128xf32>
    %cos3A_772 = math.cos %add3A_771 : vector<33x128xf32>
    %mul3A_773 = vector.broadcast %get3A_763 : f32 to vector<33x128xf32>
    %mul3A_774 = arith.mulf %mul3A_773, %cos3A_772 : vector<33x128xf32>
    %add3A_775 = arith.addf %add3A_761, %mul3A_774 : vector<33x128xf32>
    %get3A_776 = arith.constant 55 : index
    %get3A_777 = memref.load %arg2[%get3A_776] : memref<64xf32, #tpu.memory_space<smem>>
    %get3A_778 = arith.constant 55 : index
    %get3A_779 = memref.load %arg0[%get3A_778] : memref<64xf32, #tpu.memory_space<smem>>
    %mul3A_780 = vector.broadcast %get3A_779 : f32 to vector<33x128xf32>
    %mul3A_781 = arith.mulf %mul3A_5, %mul3A_780 : vector<33x128xf32>
    %get3A_782 = arith.constant 55 : index
    %get3A_783 = memref.load %arg1[%get3A_782] : memref<64xf32, #tpu.memory_space<smem>>
    %add3A_784 = vector.broadcast %get3A_783 : f32 to vector<33x128xf32>
    %add3A_785 = arith.addf %mul3A_781, %add3A_784 : vector<33x128xf32>
    %cos3A_786 = math.cos %add3A_785 : vector<33x128xf32>
    %mul3A_787 = vector.broadcast %get3A_777 : f32 to vector<33x128xf32>
    %mul3A_788 = arith.mulf %mul3A_787, %cos3A_786 : vector<33x128xf32>
    %add3A_789 = arith.addf %add3A_775, %mul3A_788 : vector<33x128xf32>
    %get3A_790 = arith.constant 56 : index
    %get3A_791 = memref.load %arg2[%get3A_790] : memref<64xf32, #tpu.memory_space<smem>>
    %get3A_792 = arith.constant 56 : index
    %get3A_793 = memref.load %arg0[%get3A_792] : memref<64xf32, #tpu.memory_space<smem>>
    %mul3A_794 = vector.broadcast %get3A_793 : f32 to vector<33x128xf32>
    %mul3A_795 = arith.mulf %mul3A_5, %mul3A_794 : vector<33x128xf32>
    %get3A_796 = arith.constant 56 : index
    %get3A_797 = memref.load %arg1[%get3A_796] : memref<64xf32, #tpu.memory_space<smem>>
    %add3A_798 = vector.broadcast %get3A_797 : f32 to vector<33x128xf32>
    %add3A_799 = arith.addf %mul3A_795, %add3A_798 : vector<33x128xf32>
    %cos3A_800 = math.cos %add3A_799 : vector<33x128xf32>
    %mul3A_801 = vector.broadcast %get3A_791 : f32 to vector<33x128xf32>
    %mul3A_802 = arith.mulf %mul3A_801, %cos3A_800 : vector<33x128xf32>
    %add3A_803 = arith.addf %add3A_789, %mul3A_802 : vector<33x128xf32>
    %get3A_804 = arith.constant 57 : index
    %get3A_805 = memref.load %arg2[%get3A_804] : memref<64xf32, #tpu.memory_space<smem>>
    %get3A_806 = arith.constant 57 : index
    %get3A_807 = memref.load %arg0[%get3A_806] : memref<64xf32, #tpu.memory_space<smem>>
    %mul3A_808 = vector.broadcast %get3A_807 : f32 to vector<33x128xf32>
    %mul3A_809 = arith.mulf %mul3A_5, %mul3A_808 : vector<33x128xf32>
    %get3A_810 = arith.constant 57 : index
    %get3A_811 = memref.load %arg1[%get3A_810] : memref<64xf32, #tpu.memory_space<smem>>
    %add3A_812 = vector.broadcast %get3A_811 : f32 to vector<33x128xf32>
    %add3A_813 = arith.addf %mul3A_809, %add3A_812 : vector<33x128xf32>
    %cos3A_814 = math.cos %add3A_813 : vector<33x128xf32>
    %mul3A_815 = vector.broadcast %get3A_805 : f32 to vector<33x128xf32>
    %mul3A_816 = arith.mulf %mul3A_815, %cos3A_814 : vector<33x128xf32>
    %add3A_817 = arith.addf %add3A_803, %mul3A_816 : vector<33x128xf32>
    %get3A_818 = arith.constant 58 : index
    %get3A_819 = memref.load %arg2[%get3A_818] : memref<64xf32, #tpu.memory_space<smem>>
    %get3A_820 = arith.constant 58 : index
    %get3A_821 = memref.load %arg0[%get3A_820] : memref<64xf32, #tpu.memory_space<smem>>
    %mul3A_822 = vector.broadcast %get3A_821 : f32 to vector<33x128xf32>
    %mul3A_823 = arith.mulf %mul3A_5, %mul3A_822 : vector<33x128xf32>
    %get3A_824 = arith.constant 58 : index
    %get3A_825 = memref.load %arg1[%get3A_824] : memref<64xf32, #tpu.memory_space<smem>>
    %add3A_826 = vector.broadcast %get3A_825 : f32 to vector<33x128xf32>
    %add3A_827 = arith.addf %mul3A_823, %add3A_826 : vector<33x128xf32>
    %cos3A_828 = math.cos %add3A_827 : vector<33x128xf32>
    %mul3A_829 = vector.broadcast %get3A_819 : f32 to vector<33x128xf32>
    %mul3A_830 = arith.mulf %mul3A_829, %cos3A_828 : vector<33x128xf32>
    %add3A_831 = arith.addf %add3A_817, %mul3A_830 : vector<33x128xf32>
    %get3A_832 = arith.constant 59 : index
    %get3A_833 = memref.load %arg2[%get3A_832] : memref<64xf32, #tpu.memory_space<smem>>
    %get3A_834 = arith.constant 59 : index
    %get3A_835 = memref.load %arg0[%get3A_834] : memref<64xf32, #tpu.memory_space<smem>>
    %mul3A_836 = vector.broadcast %get3A_835 : f32 to vector<33x128xf32>
    %mul3A_837 = arith.mulf %mul3A_5, %mul3A_836 : vector<33x128xf32>
    %get3A_838 = arith.constant 59 : index
    %get3A_839 = memref.load %arg1[%get3A_838] : memref<64xf32, #tpu.memory_space<smem>>
    %add3A_840 = vector.broadcast %get3A_839 : f32 to vector<33x128xf32>
    %add3A_841 = arith.addf %mul3A_837, %add3A_840 : vector<33x128xf32>
    %cos3A_842 = math.cos %add3A_841 : vector<33x128xf32>
    %mul3A_843 = vector.broadcast %get3A_833 : f32 to vector<33x128xf32>
    %mul3A_844 = arith.mulf %mul3A_843, %cos3A_842 : vector<33x128xf32>
    %add3A_845 = arith.addf %add3A_831, %mul3A_844 : vector<33x128xf32>
    %get3A_846 = arith.constant 60 : index
    %get3A_847 = memref.load %arg2[%get3A_846] : memref<64xf32, #tpu.memory_space<smem>>
    %get3A_848 = arith.constant 60 : index
    %get3A_849 = memref.load %arg0[%get3A_848] : memref<64xf32, #tpu.memory_space<smem>>
    %mul3A_850 = vector.broadcast %get3A_849 : f32 to vector<33x128xf32>
    %mul3A_851 = arith.mulf %mul3A_5, %mul3A_850 : vector<33x128xf32>
    %get3A_852 = arith.constant 60 : index
    %get3A_853 = memref.load %arg1[%get3A_852] : memref<64xf32, #tpu.memory_space<smem>>
    %add3A_854 = vector.broadcast %get3A_853 : f32 to vector<33x128xf32>
    %add3A_855 = arith.addf %mul3A_851, %add3A_854 : vector<33x128xf32>
    %cos3A_856 = math.cos %add3A_855 : vector<33x128xf32>
    %mul3A_857 = vector.broadcast %get3A_847 : f32 to vector<33x128xf32>
    %mul3A_858 = arith.mulf %mul3A_857, %cos3A_856 : vector<33x128xf32>
    %add3A_859 = arith.addf %add3A_845, %mul3A_858 : vector<33x128xf32>
    %get3A_860 = arith.constant 61 : index
    %get3A_861 = memref.load %arg2[%get3A_860] : memref<64xf32, #tpu.memory_space<smem>>
    %get3A_862 = arith.constant 61 : index
    %get3A_863 = memref.load %arg0[%get3A_862] : memref<64xf32, #tpu.memory_space<smem>>
    %mul3A_864 = vector.broadcast %get3A_863 : f32 to vector<33x128xf32>
    %mul3A_865 = arith.mulf %mul3A_5, %mul3A_864 : vector<33x128xf32>
    %get3A_866 = arith.constant 61 : index
    %get3A_867 = memref.load %arg1[%get3A_866] : memref<64xf32, #tpu.memory_space<smem>>
    %add3A_868 = vector.broadcast %get3A_867 : f32 to vector<33x128xf32>
    %add3A_869 = arith.addf %mul3A_865, %add3A_868 : vector<33x128xf32>
    %cos3A_870 = math.cos %add3A_869 : vector<33x128xf32>
    %mul3A_871 = vector.broadcast %get3A_861 : f32 to vector<33x128xf32>
    %mul3A_872 = arith.mulf %mul3A_871, %cos3A_870 : vector<33x128xf32>
    %add3A_873 = arith.addf %add3A_859, %mul3A_872 : vector<33x128xf32>
    %get3A_874 = arith.constant 62 : index
    %get3A_875 = memref.load %arg2[%get3A_874] : memref<64xf32, #tpu.memory_space<smem>>
    %get3A_876 = arith.constant 62 : index
    %get3A_877 = memref.load %arg0[%get3A_876] : memref<64xf32, #tpu.memory_space<smem>>
    %mul3A_878 = vector.broadcast %get3A_877 : f32 to vector<33x128xf32>
    %mul3A_879 = arith.mulf %mul3A_5, %mul3A_878 : vector<33x128xf32>
    %get3A_880 = arith.constant 62 : index
    %get3A_881 = memref.load %arg1[%get3A_880] : memref<64xf32, #tpu.memory_space<smem>>
    %add3A_882 = vector.broadcast %get3A_881 : f32 to vector<33x128xf32>
    %add3A_883 = arith.addf %mul3A_879, %add3A_882 : vector<33x128xf32>
    %cos3A_884 = math.cos %add3A_883 : vector<33x128xf32>
    %mul3A_885 = vector.broadcast %get3A_875 : f32 to vector<33x128xf32>
    %mul3A_886 = arith.mulf %mul3A_885, %cos3A_884 : vector<33x128xf32>
    %add3A_887 = arith.addf %add3A_873, %mul3A_886 : vector<33x128xf32>
    %get3A_888 = arith.constant 63 : index
    %get3A_889 = memref.load %arg2[%get3A_888] : memref<64xf32, #tpu.memory_space<smem>>
    %get3A_890 = arith.constant 63 : index
    %get3A_891 = memref.load %arg0[%get3A_890] : memref<64xf32, #tpu.memory_space<smem>>
    %mul3A_892 = vector.broadcast %get3A_891 : f32 to vector<33x128xf32>
    %mul3A_893 = arith.mulf %mul3A_5, %mul3A_892 : vector<33x128xf32>
    %get3A_894 = arith.constant 63 : index
    %get3A_895 = memref.load %arg1[%get3A_894] : memref<64xf32, #tpu.memory_space<smem>>
    %add3A_896 = vector.broadcast %get3A_895 : f32 to vector<33x128xf32>
    %add3A_897 = arith.addf %mul3A_893, %add3A_896 : vector<33x128xf32>
    %cos3A_898 = math.cos %add3A_897 : vector<33x128xf32>
    %mul3A_899 = vector.broadcast %get3A_889 : f32 to vector<33x128xf32>
    %mul3A_900 = arith.mulf %mul3A_899, %cos3A_898 : vector<33x128xf32>
    %add3A_901 = arith.addf %add3A_887, %mul3A_900 : vector<33x128xf32>
    %swap3A = arith.constant 0 : index
    %swap3A_902 = arith.constant 0 : index
    %swap3A_903 = vector.load %arg4[%swap3A, %swap3A_902] : memref<33x128xf32, #tpu.memory_space<vmem>>, vector<33x128xf32>
    tpu.vector_store %arg4[%swap3A, %swap3A_902], %add3A_901 {strides = array<i32>} : memref<33x128xf32, #tpu.memory_space<vmem>>, vector<33x128xf32>,
    return
  }
}

</mosaic_0001>

<sc_bundles>
// kernel: kernel.4.cloned.1.call-start
scs
__scs_entry_jumppad:
0x0: {  	(pc) =	sbr.rel $0x88, $3  }
0x1: {  	(tag) =	ssettag $0x0;
	lr =	simm.s32 $0x1  }
0x2: {  	[smem:$0x3F9A] =	sst lr;
	_ =	strace $0xD0000000  }
0x3: {  	_ = 	snop  }
0x4: {  	_ = 	snop  }
0x5: {  	_ = 	snop  }
0x6: {  	_ = 	snop  }
0x7: {  	_ = 	snop  }
__scs_overlays_trampoline_lowered:
0x8: {  	[smem:$0x3FA9] =	sst s0  }
0x9: {  	[smem:$0x3FAA] =	sst s1  }
0xa: {  	[smem:$0x3FAB] =	sst s2  }
0xb: {  	[smem:$0x3FAC] =	sst s3  }
0xc: {  	[smem:$0x3FAD] =	sst s4  }
0xd: {  	[smem:$0x3FAE] =	sst s5  }
0xe: {  	[smem:$0x3FAF] =	sst s6  }
0xf: {  	[smem:$0x3FB0] =	sst s7  }
0x10: {  	[smem:$0x3FB1] =	sst s8  }
0x11: {  	[smem:$0x3FB2] =	sst s9;
	s0 =	simm.s32 @!p0 $0x0  }
0x12: {  	s1 =	sld [smem:$0x3F98];
	s0 =	simm.s32 @p0 $0x1  }
0x13: {  	[smem:$0x3FB3] =	sst s0;
	s0 =	simm.s32 @!p1 $0x0  }
0x14: {  	s2 =	sld [smem:$0x3F97];
	s0 =	simm.s32 @p1 $0x1  }
0x15: {  	[smem:$0x3FB4] =	sst s0;
	s0 =	simm.s32 @!p2 $0x0  }
0x16: {  	s3 =	sld [smem:$0x3FDB];
	s0 =	simm.s32 @p2 $0x1  }
0x17: {  	s4 =	simm.s32 $0x1BF5;
	[smem:$0x3FB6] =	sst s0  }
0x18: {  	s0 =	sld [smem:$0x3F99];
	_ =	swait.ge [sflag:s4], $0x0  }
0x19: {  	s7 =	sld [smem:$0x3F9A]  }
0x1a: {  	s8 =	sadd.s32 $0xFFFFE003, lr  }
0x1b: {  	s9 =	sadd.s32 $0xFFFFFEF7, lr;
	s5 =	simm.s32 $0xFFFFFFFF;
	p2 =	slt.u32 s8, $0xFFFFF086  }
0x1c: {  	p1 =	slt.u32 s9, $0xF7A;
	s5 =	simm.s32 @!p2 $0x0  }
0x1d: {  	s5 =	simm.s32 @p1 $0x1;
	p0 =	seq.s32 s7, s2  }
0x1e: {  	s7 =	smul.u32 @!p0 $0xF7A, s2;
	p2 =	seq.s32 @!p0 s5, $0x0  }
0x1f: {  	s9 =	smul.u32 $0xF7A, s1;
	s8 =	simm.s32 @!p0 $0x1BF5;
	p2 =	por !p2, p0  }
0x20: {  	[sflag:s8] =	ssyncset.s32 @!p0 $0xFFFFF086;
	s6 =	sadd.s32 @!p0 s3, s7;
	s7 =	simm.s32 @!p0 $0x108  }
0x21: {  	s3 =	sadd.s32 s3, s9;
	s6 =	sadd.s32 @!p0 $0x88, s6;
	s7 =	simm.s32 @p2 $0x1082  }
0x22: {  	[simem:s7], [sflag:s8] =	dma.local @!p0 [hbm:s6], $0xF7A  }
0x23: {  	s9 =	sor.u32 $0xD0000000, s2;
	s6 =	simm.s32 $0x108;
	_ =	swait.ge @!p0 [sflag:s8], $0x0  }
0x24: {  	s3 =	sadd.s32 $0x88, s3;
	s6 =	simm.s32 @!p1 $0x1082;
	[sflag:s4] =	ssyncset.s32 $0xFFFFF086  }
0x25: {  	[simem:s6], [sflag:s4] =	dma.local [hbm:s3], $0xF7A  }
0x26: {  	[smem:$0x3F9A] =	sst s1;
	(tag) =	ssettag s2;
	_ =	strace s9  }
0x27: {  	s1 =	sld [smem:$0x3FAA]  }
0x28: {  	s2 =	sld [smem:$0x3FAB]  }
0x29: {  	s4 =	sld [smem:$0x3FAD]  }
0x2a: {  	p0 =	seq.s32 s5, $0x0;
	s5 =	sld [smem:$0x3FAE]  }
0x2b: {  	s6 =	sld [smem:$0x3FAF]  }
0x2c: {  	s7 =	sld [smem:$0x3FB0]  }
0x2d: {  	s3 =	simm.s32 $0x108;
	s8 =	sld [smem:$0x3FB1]  }
0x2e: {  	s3 =	simm.s32 @!p0 $0x1082;
	s9 =	sld [smem:$0x3FB2]  }
0x2f: {  	lr =	sadd.s32 s0, s3;
	s0 =	sld [smem:$0x3FA9]  }
0x30: {  	s3 =	sld [smem:$0x3FAC]  }
0x31: {  	[smem:$0x3FB5] =	sst s10  }
0x32: {  	s10 =	sld [smem:$0x3FB3];
	_ =	sdelay $0x3  }
0x33: {  	p0 =	seq.s32 s10, $0x1;
	s10 =	sld [smem:$0x3FB5];
	_ =	sdelay $0x3  }
0x34: {  	[smem:$0x3FB5] =	sst s10  }
0x35: {  	s10 =	sld [smem:$0x3FB4];
	_ =	sdelay $0x3  }
0x36: {  	p1 =	seq.s32 s10, $0x1;
	s10 =	sld [smem:$0x3FB5];
	_ =	sdelay $0x3  }
0x37: {  	[smem:$0x3FB5] =	sst s10  }
0x38: {  	s10 =	sld [smem:$0x3FB6]  }
0x39: {  	_ = 	snop;
	(pc) =	sbr.ind lr, $3  }
0x3a: {  	_ = 	snop  }
0x3b: {  	_ = 	snop  }
0x3c: {  	p2 =	seq.s32 s10, $0x1;
	s10 =	sld [smem:$0x3FB5]  }
0x3d: {  	_ =	shalt  }
0x3e: {  	_ =	shalt  }
0x3f: {  	_ =	shalt  }
0x40: {  	_ =	shalt  }
0x41: {  	_ =	shalt  }
0x42: {  	_ =	shalt  }
0x43: {  	_ =	shalt  }
0x44: {  	_ =	shalt  }
0x45: {  	_ =	shalt  }
0x46: {  	_ =	shalt  }
0x47: {  	_ =	shalt  }
0x48: {  	_ =	shalt  }
0x49: {  	_ =	shalt  }
0x4a: {  	_ =	shalt  }
0x4b: {  	_ =	shalt  }
0x4c: {  	_ =	shalt  }
0x4d: {  	_ =	shalt  }
0x4e: {  	_ =	shalt  }
0x4f: {  	_ =	shalt  }
0x50: {  	_ =	shalt  }
0x51: {  	_ =	shalt  }
0x52: {  	_ =	shalt  }
0x53: {  	_ =	shalt  }
0x54: {  	_ =	shalt  }
0x55: {  	_ =	shalt  }
0x56: {  	_ =	shalt  }
0x57: {  	_ =	shalt  }
0x58: {  	_ =	shalt  }
0x59: {  	_ =	shalt  }
0x5a: {  	_ =	shalt  }
0x5b: {  	_ =	shalt  }
0x5c: {  	_ =	shalt  }
0x5d: {  	_ =	shalt  }
0x5e: {  	_ =	shalt  }
0x5f: {  	_ =	shalt  }
0x60: {  	_ =	shalt  }
0x61: {  	_ =	shalt  }
0x62: {  	_ =	shalt  }
0x63: {  	_ =	shalt  }
0x64: {  	_ =	shalt  }
0x65: {  	_ =	shalt  }
0x66: {  	_ =	shalt  }
0x67: {  	_ =	shalt  }
0x68: {  	_ =	shalt  }
0x69: {  	_ =	shalt  }
0x6a: {  	_ =	shalt  }
0x6b: {  	_ =	shalt  }
0x6c: {  	_ =	shalt  }
0x6d: {  	_ =	shalt  }
0x6e: {  	_ =	shalt  }
0x6f: {  	_ =	shalt  }
0x70: {  	_ =	shalt  }
0x71: {  	_ =	shalt  }
0x72: {  	_ =	shalt  }
0x73: {  	_ =	shalt  }
0x74: {  	_ =	shalt  }
0x75: {  	_ =	shalt  }
0x76: {  	_ =	shalt  }
0x77: {  	_ =	shalt  }
0x78: {  	_ =	shalt  }
0x79: {  	_ =	shalt  }
0x7a: {  	_ =	shalt  }
0x7b: {  	_ =	shalt  }
0x7c: {  	_ =	shalt  }
0x7d: {  	_ =	shalt  }
0x7e: {  	_ =	shalt  }
0x7f: {  	_ =	shalt  }
0x80: {  	_ =	shalt  }
0x81: {  	_ =	shalt  }
0x82: {  	_ =	shalt  }
0x83: {  	_ =	shalt  }
0x84: {  	_ =	shalt  }
0x85: {  	_ =	shalt  }
0x86: {  	_ =	shalt  }
0x87: {  	_ =	shalt  }
.Lfunc_end0:
.L_simem_size_0:
called_computation_lowered:
.L_overlay_start_0:
0x88: {  	s2 =	sld [smem:$0x3FD9]  }
0x89: {  	s3 =	sld [smem:$0x3FFE];
	_ =	sdelay $0x1  }
0x8a: {  	s1 =	srdreg.scid  }
0x8b: {  	s0 =	sand.u32 $0x1, s1  }
0x8c: {  	s17 =	sshll.u32 s0, $0xA;
	s2 =	sadd.s32 s3, s2  }
0x8d: {  	s2 =	sadd.s32 s2, s17  }
0x8e: {  	[smem:$0x3FC1] =	sst s2  }
0x8f: {  	_ = 	snop  }
0x90: {  	s2 =	sld [smem:$0x3FD0];
	(tm) =	ssettm $0x1  }
0x91: {  	s18 =	sld [smem:$0x3FFB];
	_ =	sdelay $0x3  }
0x92: {  	_ =	strace s18  }
0x93: {  	s3 =	sld [smem:$0x3FFC];
	_ =	sdelay $0x3  }
0x94: {  	_ =	strace s3  }
0x95: {  	s3 =	sld [smem:$0x3FFD];
	_ =	sdelay $0x3  }
0x96: {  	_ =	strace s3  }
0x97: {  	_ =	strace $0x8FFFFFFF  }
0x98: {  	s19 =	sld [smem:$0x3FDB];
	_ =	sdelay $0x1  }
0x99: {  	s4 =	simm.s32 $_scs_section_size  }
0x9a: {  	s5 =	simm.s32 $_size__tile_overlayer_lowered;
	s6 =	simm.s32 $_tile_overlayer_lowered  }
0x9b: {  	s22 =	simm.s32 $0x1BFF;
	s21 =	sshll.u32 s6, $0x1;
	s3 =	sadd.s32 s4, s19  }
0x9c: {  	s7 =	simm.s32 $0x0;
	s20 =	sshll.u32 s5, $0x1;
	s5 =	sadd.s32 s21, s3  }
0x9d: {  	[timem:s7], [sflag:s22] =	dma.local [hbm:s5], s20  }
0x9e: {  	_ =	swait.ge [sflag:s22], s20  }
0x9f: {  	s4 =	ssub.s32 $0x0, s20;
	[sflag:s22] =	ssyncset.done $0x0  }
0xa0: {  	[sflag:s22] =	ssyncadd.s32 s4;
	_ =	sdelay $0x1  }
0xa1: {  	s23 =	simm.s32 $0x1B8B  }
0xa2: {  	_ =	swait.ge [sflag:s23], $0x1  }
0xa3: {  	[sflag:s23] =	ssyncset.done $0x0  }
0xa4: {  	s25 =	simm.s32 $0x1B8E;
	s24 =	sld [smem:$0x3FFE];
	[sflag:s23] =	ssyncadd.s32 $0xFFFFFFFF  }
0xa5: {  	s26 =	simm.s32 $execute0_lowered;
	[smem:$0x3FD2] =	sst s25  }
0xa6: {  	s5 =	sshll.u32 s26, $0x1;
	_ =	strace $0x80000046;
	[dreg:$0x1] =	wrdreg $0xFFFFFFFF  }
0xa7: {  	s28 =	simm.s32 $_size_execute0_lowered;
	s3 =	sadd.s32 s3, s5;
	[dreg:$0x0] =	wrdreg $0x0  }
0xa8: {  	s5 =	sshll.u32 s28, $0x1;
	[dreg:$0x2] =	wrdreg s3  }
0xa9: {  	[dreg:$0x3] =	wrdreg s5  }
0xaa: {  	[dreg:$0x4] =	wrdreg $0xC0  }
0xab: {  	_ =	task [dreg:s7], $0x5FFFF  }
0xac: {  	[dreg:$0x1] =	wrdreg $0xFFFFFFFF  }
0xad: {  	[dreg:$0x0] =	wrdreg $0x60  }
0xae: {  	[dreg:$0x2] =	wrdreg s24  }
0xaf: {  	[dreg:$0x3] =	wrdreg s2  }
0xb0: {  	[dreg:$0x4] =	wrdreg $0x9  }
0xb1: {  	_ =	task.clear_ibuf [dreg:s7], $0x5FFFF;
	_ =	strace $0x90000046  }
0xb2: {  	s29 =	simm.s32 $0x9;
	_ =	strace $0x80000048  }
0xb3: {  	_ =	swait.ge [sflag:s29], $0x1  }
0xb4: {  	[sflag:s29] =	ssyncadd.s32 $0xFFFFFFFF  }
0xb5: {  	_ =	strace $0x90000048  }
0xb6: {  	_ =	sfence  }
0xb7: {  	s30 =	sld [smem:$0x0];
	_ =	sdelay $0x2  }
0xb8: {  	s31 =	sshll.u32 s1, $0xD;
	s1 =	sshrl.u32 s1, $0x2  }
0xb9: {  	s3 =	sand.u32 $0x4000, s31;
	s1 =	sadd.s32 s1, s30  }
0xba: {  	s0 =	sor.u32 s3, s0;
	s1 =	sshll.u32 s1, $0x11  }
0xbb: {  	s0 =	sor.u32 s1, s0  }
0xbc: {  	s0 =	sadd.s32 $0x8F2B, s0  }
0xbd: {  	[sflag:s0] =	ssyncadd.remote.s32 $0x1  }
0xbe: {  	_ =	sfence.sel $0xFFFF  }
0xbf: {  	[dreg:$0x0] =	wrdreg $0xFFFFFFFF;
	(pc) =	sbr.abs _section_cstart, $3  }
0xc0: {  	[dreg:$0x1] =	wrdreg $0xFFFFFFFF  }
0xc1: {  	_ =	task.clear_ibuf [dreg:s7], $0x2FFFF;
	_ =	strace $0x9FFFFFFF  }
0xc2: {  	(tm) =	ssettm $0x7FFFFFFF  }
0xc3: {  	_ =	shalt  }
tec
execute0_lowered:
.L_overlay_start_1:
0x0: {  	(tag) =	ssettag $0x1  }
0x1: {  	s6 =	rddreg [dreg:$0x0]  }
0x2: {  	s7 =	rddreg [dreg:$0x1]  }
0x3: {  	s0 =	rddreg [dreg:$0x2]  }
0x4: {  	s3 =	srdreg.scid;
	s1 =	stileid.u32;
	s2 =	simm.s32 $0x0  }
0x5: {  	s11 =	simm.s32 $0x3;
	s12 =	simm.s32 $0x13C00;
	s13 =	simm.s32 $0x400  }
0x6: {  	s14 =	simm.s32 $0x1400;
	s15 =	simm.s32 $0x9400;
	s16 =	simm.s32 $0x1  }
0x7: {  	s17 =	simm.s32 $0x800;
	s18 =	simm.s32 $0x2;
	s19 =	simm.s32 $0xC00  }
0x8: {  	s20 =	simm.s32 $0x1000;
	s21 =	simm.s32 $0x12800;
	s22 =	simm.s32 $0x0  }
0x9: {  	s5 =	sand.u32 $0x1, s3;
	s30 =	sshll.u32 s1, $0x1;
	[smem:$0x7FF] =	sst s2  }
0xa: {  	s4 =	sadd.s32 $0x6800, s6;
	s3 =	sor.u32 s5, s30;
	s9 =	ssub.s32 $0x2, s5  }
0xb: {  	_ =	strace $0x80000047;
	s8 =	smul.u32 $0x280, s3;
	s31 =	sshrl.u32 s9, $0x1  }
0xc: {  	s5 =	sadd.s32 $0x6600, s6;
	s3 =	sadd.s32 $0xF43A00, s6;
	s9 =	ssub.s32 s9, s31  }
0xd: {  	v0 =	vlaneseq.u32;
	s10 =	sadd.s32 s8, s6;
	s6 =	sadd.s32 s7, s8;
	s9 =	smax.u32 s9, $0x1  }
0xe: {  	v58 =	vmul.u32 $0x20, v0;
	s7 =	sadd.s32 $0x1600, s10;
	s8 =	sadd.s32 $0x6C00, s10;
	s10 =	simm.s32 $0x14C80  }
.LBB2_1:
0xf: {  	[tilespmem:s10], [sflag:$0x3] =	stream.linear.gather [hbm4b:s5+s2], $0x200, $0x38;
	[tilespmem:$0x14E80] =	vst v63  }
0x10: {  	_ =	swait.ge [sflag:s11], $0x200  }
0x11: {  	[sflag:s11] =	ssyncset.done $0x0  }
0x12: {  	[sflag:s11] =	ssyncadd.s32 $0xFFFFFE00  }
0x13: {  	[tilespmem:s12], [sflag:$0x3] =	stream.linear.gather [hbm4b:s4+s2], $0x1080, $0x38;
	[tilespmem:$0x14E80] =	vst v63  }
0x14: {  	_ =	swait.ge [sflag:s11], $0x1080  }
0x15: {  	[sflag:s11] =	ssyncset.done $0x0  }
0x16: {  	[sflag:s11] =	ssyncadd.s32 $0xFFFFEF80  }
0x17: {  	[tilespmem:s2], [sflag:$0x3] =	stream.linear.gather [hbm4b:s6+s2], $0x1400, $0x38;
	[tilespmem:$0x14E80] =	vst v63  }
0x18: {  	_ =	swait.ge [sflag:s11], $0x1400  }
0x19: {  	[sflag:s11] =	ssyncset.done $0x0  }
0x1a: {  	s23 =	simm.s32 $0x11400;
	[sflag:s11] =	ssyncadd.s32 $0xFFFFEC00  }
0x1b: {  	[tilespmem:s23], [sflag:$0x3] =	stream.linear.gather [hbm4b:s7+s2], $0x1400, $0x38;
	[tilespmem:$0x14E80] =	vst v63  }
0x1c: {  	_ =	swait.ge [sflag:s11], $0x1400  }
0x1d: {  	[sflag:s11] =	ssyncset.done $0x0  }
0x1e: {  	[sflag:s11] =	ssyncadd.s32 $0xFFFFEC00  }
0x1f: {  	v15 =	vld [tilespmem:$0x14C80]  }
0x20: {  	v18 =	vld [tilespmem:$0x14C90]  }
0x21: {  	v14 =	vld [tilespmem:$0x14CA0]  }
0x22: {  	v11 =	vld [tilespmem:$0x14CB0]  }
0x23: {  	v56 =	vld [tilespmem:$0x14CC0]  }
0x24: {  	v17 =	vld [tilespmem:$0x14CD0]  }
0x25: {  	v16 =	vld [tilespmem:$0x14CE0]  }
0x26: {  	v13 =	vld [tilespmem:$0x14CF0]  }
0x27: {  	v59 =	vld [tilespmem:$0x14D00]  }
0x28: {  	v57 =	vld [tilespmem:$0x14D10]  }
0x29: {  	v12 =	vld [tilespmem:$0x14D20]  }
0x2a: {  	v10 =	vld [tilespmem:$0x14D30]  }
0x2b: {  	v61 =	vld [tilespmem:$0x14D40]  }
0x2c: {  	v60 =	vld [tilespmem:$0x14D50]  }
0x2d: {  	v9 =	vld [tilespmem:$0x14D60]  }
0x2e: {  	v8 =	vld [tilespmem:$0x14D70]  }
0x2f: {  	v62 =	vld [tilespmem:$0x14D80]  }
0x30: {  	v28 =	vld [tilespmem:$0x14D90]  }
0x31: {  	v7 =	vld [tilespmem:$0x14DA0]  }
0x32: {  	v6 =	vld [tilespmem:$0x14DB0]  }
0x33: {  	v32 =	vld [tilespmem:$0x14DC0]  }
0x34: {  	v63 =	vld [tilespmem:$0x14DD0]  }
0x35: {  	v5 =	vld [tilespmem:$0x14DE0]  }
0x36: {  	v3 =	vld [tilespmem:$0x14DF0]  }
0x37: {  	v21 =	vld [tilespmem:$0x14E00]  }
0x38: {  	v2 =	vld [tilespmem:$0x14E40]  }
0x39: {  	v55 =	vld [tilespmem:$0x14E50]  }
0x3a: {  	v19 =	vld [tilespmem:$0x14E70]  }
0x3b: {  	v0 =	vld [tilespmem:$0x14E10]  }
0x3c: {  	v4 =	vld [tilespmem:$0x14E20]  }
0x3d: {  	v1 =	vld [tilespmem:$0x14E30];
	[tilespmem:$0x1FFE0] =	vst v2  }
0x3e: {  	[tilespmem:$0x1FFD0] =	vst v55;
	v2 =	vld [tilespmem:$0x14E60];
	[tilespmem:s14], [sflag:$0x1] =	stream.indirect.gather [hbm4b:s3+s13], $0x20, s2, s13, $0xb8  }
0x3f: {  	[tilespmem:$0x1FFF0] =	vst v19  }
0x40: {  	[tilespmem:s15], [sflag:$0x2] =	stream.indirect.gather [hbm4b:s3+s13], $0x20, s13, s13, $0xb8;
	[tilespmem:$0x14E80] =	vst v63  }
0x41: {  	_ =	swait.ge [sflag:s16], $0x8000  }
0x42: {  	[sflag:s16] =	ssyncset.done $0x0  }
0x43: {  	v34 =	vmov s2;
	[sflag:s16] =	ssyncadd.s32 $0xFFFF8000  }
0x44: {  	v34 =	vshll.u32 v34, $0x5;
	v33 =	vld [tilespmem:s23+$0x0]  }
0x45: {  	v34 =	vor.u32 v58, v34  }
0x46: {  	v35 =	vor.u32 $0x1C, v34  }
0x47: {  	v36 =	vor.u32 $0x1D, v34  }
0x48: {  	v38 =	vor.u32 $0x19, v34  }
0x49: {  	v39 =	vor.u32 $0x14, v34;
	v33 =	vmul.f32 $4.096000000e+03, v33  }
0x4a: {  	v43 =	vor.u32 $0x1, v34  }
0x4b: {  	v44 =	vor.u32 $0x5, v34;
	v35 =	vld.idx.msk [tilespmem:v35+s14+$0x0], $0xffff;
	v37 =	vtrunc.f32 v33  }
0x4c: {  	v45 =	vor.u32 $0x2, v34;
	v36 =	vld.idx.msk [tilespmem:v36+s14+$0x0], $0xffff;
	v37 =	vcvt.f32.s32 v37  }
0x4d: {  	v47 =	vor.u32 $0x6, v34;
	v38 =	vld.idx.msk [tilespmem:v38+s14+$0x0], $0xffff  }
0x4e: {  	v48 =	vor.u32 $0x4, v34;
	v39 =	vld.idx.msk [tilespmem:v39+s14+$0x0], $0xffff;
	vm0 =	vgt.s32 v37, $0x0  }
0x4f: {  	v49 =	vor.u32 $0x3, v34;
	v43 =	vld.idx.msk [tilespmem:v43+s14+$0x0], $0xffff;
	v37 =	vnsel vm0, $0x0, v37  }
0x50: {  	v44 =	vld.idx.msk [tilespmem:v44+s14+$0x0], $0xffff;
	v37 =	vmin.u32 v37, $0xFFF  }
0x51: {  	v45 =	vld.idx.msk [tilespmem:v45+s14+$0x0], $0xffff;
	v42 =	vadd.s32 $0x1, v37  }
0x52: {  	v50 =	vor.u32 $0x7, v34;
	v47 =	vld.idx.msk [tilespmem:v47+s14+$0x0], $0xffff  }
0x53: {  	v40 =	vor.u32 $0x10, v34;
	v48 =	vld.idx.msk [tilespmem:v48+s14+$0x0], $0xffff  }
0x54: {  	v51 =	vor.u32 $0x9, v34;
	v49 =	vld.idx.msk [tilespmem:v49+s14+$0x0], $0xffff  }
0x55: {  	v46 =	vld.idx.msk [tilespmem:v37+s12+$0x0], $0xffff  }
0x56: {  	v41 =	vor.u32 $0x11, v34;
	v42 =	vld.idx.msk [tilespmem:v42+s12+$0x0], $0xffff  }
0x57: {  	v53 =	vor.u32 $0xA, v34;
	v50 =	vld.idx.msk [tilespmem:v50+s14+$0x0], $0xffff;
	v43 =	vmul.f32 v43, v18  }
0x58: {  	v54 =	vor.u32 $0xB, v34;
	v40 =	vld.idx.msk [tilespmem:v40+s14+$0x0], $0xffff;
	v44 =	vmul.f32 v44, v17;
	v45 =	vmul.f32 v45, v14  }
0x59: {  	v55 =	vor.u32 $0xE, v34;
	v51 =	vld.idx.msk [tilespmem:v51+s14+$0x0], $0xffff;
	v47 =	vmul.f32 v47, v16;
	v37 =	vcvt.s32.f32 v37  }
0x5a: {  	v52 =	vld.idx.msk [tilespmem:v34+s14+$0x0], $0xffff;
	v48 =	vmul.f32 v48, v56;
	v49 =	vmul.f32 v49, v11  }
0x5b: {  	v41 =	vld.idx.msk [tilespmem:v41+s14+$0x0], $0xffff;
	v33 =	vsub.f32 v33, v37;
	v37 =	vsub.f32 v42, v46;
	v42 =	vor.u32 $0x8, v34  }
0x5c: {  	v53 =	vld.idx.msk [tilespmem:v53+s14+$0x0], $0xffff;
	v50 =	vmul.f32 v50, v13;
	v43 =	vadd.f32 v44, v43;
	v44 =	vor.u32 $0x12, v34  }
0x5d: {  	v54 =	vld.idx.msk [tilespmem:v54+s14+$0x0], $0xffff;
	v45 =	vadd.f32 v47, v45;
	v47 =	vor.u32 $0x13, v34;
	v33 =	vmul.f32 v33, v37  }
0x5e: {  	v55 =	vld.idx.msk [tilespmem:v55+s14+$0x0], $0xffff;
	v51 =	vmul.f32 v51, v57;
	v49 =	vadd.f32 v50, v49;
	v37 =	vor.u32 $0xD, v34  }
0x5f: {  	v23 =	vmovc v56;
	v56 =	vld [tilespmem:$0x1FFD0];
	v50 =	vor.u32 $0x16, v34;
	v33 =	vadd.f32 v33, v46;
	v46 =	vmul.f32 v52, v15  }
0x60: {  	v43 =	vadd.f32 v51, v43;
	v51 =	vor.u32 $0x17, v34;
	v42 =	vld.idx.msk [tilespmem:v42+s14+$0x0], $0xffff  }
0x61: {  	v44 =	vld.idx.msk [tilespmem:v44+s14+$0x0], $0xffff;
	v52 =	vor.u32 $0xC, v34;
	v33 =	vadd.f32 v33, v46  }
0x62: {  	v53 =	vmul.f32 v53, v12;
	v47 =	vld.idx.msk [tilespmem:v47+s14+$0x0], $0xffff;
	v46 =	vor.u32 $0xF, v34  }
0x63: {  	v37 =	vld.idx.msk [tilespmem:v37+s14+$0x0], $0xffff;
	v33 =	vadd.f32 v33, v48;
	v48 =	vor.u32 $0x15, v34  }
0x64: {  	v45 =	vadd.f32 v53, v45;
	v53 =	vor.u32 $0x1A, v34;
	v50 =	vld.idx.msk [tilespmem:v50+s14+$0x0], $0xffff  }
0x65: {  	v25 =	vmov v59;
	v51 =	vld.idx.msk [tilespmem:v51+s14+$0x0], $0xffff;
	v42 =	vmul.f32 v42, v59;
	v59 =	vor.u32 $0x1E, v34  }
0x66: {  	v24 =	vmov v57;
	v26 =	vmov v60;
	v52 =	vld.idx.msk [tilespmem:v52+s14+$0x0], $0xffff  }
0x67: {  	v27 =	vmovc v61;
	v54 =	vmul.f32 v54, v10;
	v46 =	vld.idx.msk [tilespmem:v46+s14+$0x0], $0xffff;
	v33 =	vadd.f32 v42, v33;
	v42 =	vor.u32 $0x18, v34  }
0x68: {  	v29 =	vmovc v28;
	v57 =	vor.u32 $0x1B, v34;
	v55 =	vmul.f32 v55, v9;
	v37 =	vmul.f32 v37, v60;
	v48 =	vld.idx.msk [tilespmem:v48+s14+$0x0], $0xffff  }
0x69: {  	v30 =	vmovc v63;
	v41 =	vmul.f32 v41, v28;
	v40 =	vmul.f32 v40, v62;
	v34 =	vor.u32 $0x1F, v34;
	v60 =	vld.idx.msk [tilespmem:v53+s14+$0x0], $0xffff  }
0x6a: {  	v39 =	vmul.f32 v39, v32;
	v38 =	vmul.f32 v38, v0;
	v37 =	vadd.f32 v37, v43;
	v43 =	vld.idx.msk [tilespmem:v59+s14+$0x0], $0xffff  }
0x6b: {  	v28 =	vmovc v62;
	v45 =	vadd.f32 v55, v45;
	v44 =	vmul.f32 v44, v7;
	v52 =	vmul.f32 v52, v61;
	v59 =	vld [tilespmem:$0x1FFE0]  }
0x6c: {  	v49 =	vadd.f32 v54, v49;
	v47 =	vmul.f32 v47, v6;
	v46 =	vmul.f32 v46, v8;
	v42 =	vld.idx.msk [tilespmem:v42+s14+$0x0], $0xffff  }
0x6d: {  	v61 =	vadd.f32 v44, v45;
	v33 =	vadd.f32 v52, v33;
	v62 =	vmul.f32 v48, v63;
	v63 =	vld.idx.msk [tilespmem:v57+s14+$0x0], $0xffff  }
0x6e: {  	v37 =	vadd.f32 v41, v37;
	v34 =	vld.idx.msk [tilespmem:v34+s14+$0x0], $0xffff;
	v46 =	vadd.f32 v46, v49;
	v49 =	vmul.f32 v50, v5  }
0x6f: {  	v33 =	vadd.f32 v40, v33;
	v50 =	vmul.f32 v51, v3;
	v51 =	vmul.f32 v60, v4;
	v60 =	vld [tilespmem:$0x1FFF0]  }
0x70: {  	v36 =	vmul.f32 v36, v56;
	v48 =	vadd.f32 v47, v46;
	v37 =	vadd.f32 v62, v37  }
0x71: {  	v41 =	vadd.f32 v49, v61;
	v33 =	vadd.f32 v39, v33;
	v57 =	vmul.f32 v43, v2  }
0x72: {  	v52 =	vadd.f32 v50, v48;
	v53 =	vmul.f32 v42, v21;
	v55 =	vmul.f32 v63, v1  }
0x73: {  	v35 =	vmul.f32 v35, v59;
	v37 =	vadd.f32 v38, v37;
	v54 =	vadd.f32 v51, v41  }
0x74: {  	v34 =	vmul.f32 v34, v60;
	v33 =	vadd.f32 v53, v33;
	v39 =	vadd.f32 v55, v52  }
0x75: {  	v36 =	vadd.f32 v36, v37;
	v61 =	vadd.f32 v57, v54  }
0x76: {  	v33 =	vadd.f32 v35, v33;
	v34 =	vadd.f32 v34, v39;
	_ =	sdelay $0x1  }
0x77: {  	v33 =	vadd.f32 v36, v33;
	v34 =	vadd.f32 v34, v61;
	_ =	sdelay $0x1  }
0x78: {  	v33 =	vadd.f32 v34, v33;
	_ =	sdelay $0x1  }
0x79: {  	v33 =	vsub.f32 $0.0e+00, v33;
	_ =	sdelay $0x1  }
0x7a: {  	v33 =	vmul.f32 $1.442695020e+00, v33;
	_ =	sdelay $0x1  }
0x7b: {  	(erf) = vpow2.f32 v33;
	_ =	sdelay $0x8  }
0x7c: {  	v33 =	vpop (erf)  }
0x7d: {  	v33 =	vadd.f32 $1.000000000e+00, v33;
	_ =	sdelay $0x1  }
0x7e: {  	(erf) = vrcp.f32 v33;
	_ =	sdelay $0x5  }
0x7f: {  	v22 =	vmovc v18;
	v20 =	vmov v16;
	v31 =	vmov v32;
	v19 =	vmov v21;
	[tilespmem:$0x1FFB0] =	vst v17  }
0x80: {  	s31 =	simm.s32 $0x10;
	[tilespmem:$0x1FFC0] =	vst v14;
	v17 =	vmovc v13;
	v16 =	vmovc v12;
	v14 =	vmov v10;
	v13 =	vmov v9;
	v12 =	vmov v8  }
0x81: {  	v10 =	vmovc v6;
	v9 =	vmovc v5;
	v32 =	vmov v0;
	v6 =	vmov v2;
	v62 =	vmov s31  }
0x82: {  	[tilespmem:$0x1FFA0] =	vst v15;
	v15 =	vmov v11;
	v11 =	vmov v7;
	v33 =	vshll.u32 v62, $0x5;
	v63 =	vpop (erf)  }
0x83: {  	s24 =	simm.s32 $0x11410;
	v7 =	vmovc v3;
	v8 =	vmovc v4;
	v5 =	vmov v1;
	v18 =	vmov v59;
	v33 =	vor.u32 v58, v33;
	[tilespmem:s21+$0x0] =	vst v63  }
0x84: {  	s25 =	simm.s32 $0x20;
	s23 =	simm.s32 $0x12800;
	v21 =	vmovc v56;
	v4 =	vmovc v60;
	v34 =	vor.u32 $0x1C, v33;
	v35 =	vor.u32 $0x1D, v33;
	v36 =	vor.u32 $0x18, v33;
	v37 =	vld [tilespmem:s24+$0x0]  }
.LBB2_2:
0x85: {  	_ =	sdelay $0x3  }
0x86: {  	v37 =	vmul.f32 $4.096000000e+03, v37;
	_ =	sdelay $0x1  }
0x87: {  	v44 =	vtrunc.f32 v37  }
0x88: {  	v44 =	vcvt.f32.s32 v44;
	_ =	sdelay $0x1  }
0x89: {  	vm0 =	vgt.s32 v44, $0x0  }
0x8a: {  	v38 =	vor.u32 $0x19, v33;
	v44 =	vnsel vm0, $0x0, v44  }
0x8b: {  	v44 =	vmin.u32 v44, $0xFFF  }
0x8c: {  	v34 =	vld.idx.msk [tilespmem:v34+s14+$0x0], $0xffff;
	v50 =	vadd.s32 $0x1, v44  }
0x8d: {  	v39 =	vor.u32 $0x14, v33;
	v36 =	vld.idx.msk [tilespmem:v36+s14+$0x0], $0xffff  }
0x8e: {  	v40 =	vor.u32 $0x15, v33;
	v63 =	vld.idx.msk [tilespmem:v33+s14+$0x0], $0xffff  }
0x8f: {  	v41 =	vor.u32 $0x10, v33;
	v38 =	vld.idx.msk [tilespmem:v38+s14+$0x0], $0xffff  }
0x90: {  	v42 =	vor.u32 $0x11, v33;
	v54 =	vld.idx.msk [tilespmem:v44+s12+$0x0], $0xffff  }
0x91: {  	v43 =	vor.u32 $0xC, v33;
	v50 =	vld.idx.msk [tilespmem:v50+s12+$0x0], $0xffff  }
0x92: {  	v45 =	vor.u32 $0xD, v33;
	v39 =	vld.idx.msk [tilespmem:v39+s14+$0x0], $0xffff  }
0x93: {  	v46 =	vor.u32 $0x8, v33;
	v40 =	vld.idx.msk [tilespmem:v40+s14+$0x0], $0xffff  }
0x94: {  	v47 =	vor.u32 $0x9, v33;
	v41 =	vld.idx.msk [tilespmem:v41+s14+$0x0], $0xffff;
	v44 =	vcvt.s32.f32 v44  }
0x95: {  	v42 =	vld.idx.msk [tilespmem:v42+s14+$0x0], $0xffff  }
0x96: {  	v48 =	vor.u32 $0x4, v33;
	v43 =	vld.idx.msk [tilespmem:v43+s14+$0x0], $0xffff;
	v37 =	vsub.f32 v37, v44;
	v44 =	vsub.f32 v50, v54  }
0x97: {  	v49 =	vor.u32 $0x1, v33;
	v45 =	vld.idx.msk [tilespmem:v45+s14+$0x0], $0xffff  }
0x98: {  	v51 =	vor.u32 $0x5, v33;
	v46 =	vld.idx.msk [tilespmem:v46+s14+$0x0], $0xffff;
	v37 =	vmul.f32 v37, v44  }
0x99: {  	v52 =	vor.u32 $0x2, v33;
	v47 =	vld.idx.msk [tilespmem:v47+s14+$0x0], $0xffff  }
0x9a: {  	v37 =	vadd.f32 v37, v54;
	v54 =	vld [tilespmem:$0x1FFA0]  }
0x9b: {  	v53 =	vor.u32 $0x6, v33;
	v48 =	vld.idx.msk [tilespmem:v48+s14+$0x0], $0xffff  }
0x9c: {  	v56 =	vor.u32 $0x3, v33;
	v49 =	vld.idx.msk [tilespmem:v49+s14+$0x0], $0xffff  }
0x9d: {  	v59 =	vor.u32 $0x7, v33;
	v51 =	vld.idx.msk [tilespmem:v51+s14+$0x0], $0xffff  }
0x9e: {  	v61 =	vor.u32 $0xA, v33;
	v52 =	vld.idx.msk [tilespmem:v52+s14+$0x0], $0xffff  }
0x9f: {  	v55 =	vor.u32 $0x1E, v33;
	v54 =	vmul.f32 v63, v54;
	v63 =	vld [tilespmem:$0x1FFB0]  }
0xa0: {  	v57 =	vor.u32 $0x1A, v33;
	v62 =	vor.u32 $0xB, v33;
	v34 =	vmul.f32 v34, v18;
	v53 =	vld.idx.msk [tilespmem:v53+s14+$0x0], $0xffff  }
0xa1: {  	v3 =	vmovc v58;
	v58 =	vor.u32 $0x1F, v33;
	v36 =	vmul.f32 v36, v19;
	v56 =	vld.idx.msk [tilespmem:v56+s14+$0x0], $0xffff;
	v39 =	vmul.f32 v39, v31  }
0xa2: {  	v1 =	vor.u32 $0xF, v33;
	v38 =	vmul.f32 v38, v32;
	v40 =	vmul.f32 v40, v30;
	v50 =	vld.idx.msk [tilespmem:v59+s14+$0x0], $0xffff  }
0xa3: {  	v0 =	vor.u32 $0xE, v33;
	v41 =	vmul.f32 v41, v28;
	v42 =	vmul.f32 v42, v29;
	v59 =	vld.idx.msk [tilespmem:v61+s14+$0x0], $0xffff  }
0xa4: {  	v43 =	vmul.f32 v43, v27;
	v61 =	vor.u32 $0x13, v33;
	v51 =	vmul.f32 v51, v63;
	v63 =	vld [tilespmem:$0x1FFC0]  }
0xa5: {  	v60 =	vor.u32 $0x12, v33;
	v46 =	vmul.f32 v46, v25;
	v44 =	vmul.f32 v47, v24;
	v47 =	vld.idx.msk [tilespmem:v62+s14+$0x0], $0xffff  }
0xa6: {  	v35 =	vld.idx.msk [tilespmem:v35+s14+$0x0], $0xffff;
	v2 =	vor.u32 $0x17, v33;
	v45 =	vmul.f32 v45, v26;
	v49 =	vmul.f32 v49, v22  }
0xa7: {  	v1 =	vld.idx.msk [tilespmem:v1+s14+$0x0], $0xffff;
	v48 =	vmul.f32 v48, v23;
	v62 =	vor.u32 $0x16, v33;
	v37 =	vadd.f32 v37, v54  }
0xa8: {  	v0 =	vld.idx.msk [tilespmem:v0+s14+$0x0], $0xffff;
	v33 =	vor.u32 $0x1B, v33;
	v50 =	vmul.f32 v50, v17;
	v54 =	vmul.f32 v56, v15  }
0xa9: {  	v53 =	vmul.f32 v53, v20;
	v56 =	vld.idx.msk [tilespmem:v61+s14+$0x0], $0xffff;
	v37 =	vadd.f32 v37, v48;
	v52 =	vmul.f32 v52, v63  }
0xaa: {  	v60 =	vld.idx.msk [tilespmem:v60+s14+$0x0], $0xffff;
	v47 =	vmul.f32 v47, v14;
	v61 =	vadd.f32 v50, v54;
	v49 =	vadd.f32 v51, v49  }
0xab: {  	v2 =	vld.idx.msk [tilespmem:v2+s14+$0x0], $0xffff;
	v59 =	vmul.f32 v59, v16;
	v37 =	vadd.f32 v46, v37;
	v63 =	vadd.f32 v53, v52  }
0xac: {  	v1 =	vmul.f32 v1, v12;
	v48 =	vadd.f32 v47, v61;
	v44 =	vadd.f32 v44, v49;
	v53 =	vld.idx.msk [tilespmem:v62+s14+$0x0], $0xffff  }
0xad: {  	v0 =	vmul.f32 v0, v13;
	v33 =	vld.idx.msk [tilespmem:v33+s14+$0x0], $0xffff;
	v37 =	vadd.f32 v43, v37;
	v62 =	vadd.f32 v59, v63  }
0xae: {  	v54 =	vmul.f32 v56, v10;
	v1 =	vadd.f32 v1, v48;
	v44 =	vadd.f32 v45, v44;
	v63 =	vld.idx.msk [tilespmem:v57+s14+$0x0], $0xffff  }
0xaf: {  	v51 =	vmul.f32 v60, v11;
	v37 =	vadd.f32 v41, v37;
	v52 =	vld.idx.msk [tilespmem:v55+s14+$0x0], $0xffff;
	v0 =	vadd.f32 v0, v62  }
0xb0: {  	v2 =	vmul.f32 v2, v7;
	v1 =	vadd.f32 v54, v1;
	v55 =	vld.idx.msk [tilespmem:v58+s14+$0x0], $0xffff;
	v42 =	vadd.f32 v42, v44  }
0xb1: {  	v37 =	vadd.f32 v39, v37;
	v60 =	vmul.f32 v53, v9;
	v0 =	vadd.f32 v51, v0  }
0xb2: {  	v1 =	vadd.f32 v2, v1;
	v2 =	vmul.f32 v33, v5;
	v40 =	vadd.f32 v40, v42  }
0xb3: {  	v36 =	vadd.f32 v36, v37;
	v61 =	vmul.f32 v63, v8;
	v0 =	vadd.f32 v60, v0  }
0xb4: {  	v35 =	vmul.f32 v35, v21;
	v1 =	vadd.f32 v2, v1;
	v62 =	vadd.f32 v38, v40  }
0xb5: {  	v2 =	vmul.f32 v55, v4;
	v63 =	vmul.f32 v52, v6;
	v0 =	vadd.f32 v61, v0  }
0xb6: {  	v34 =	vadd.f32 v34, v36;
	v33 =	vadd.f32 v35, v62  }
0xb7: {  	v1 =	vadd.f32 v2, v1;
	v0 =	vadd.f32 v63, v0;
	_ =	sdelay $0x1  }
0xb8: {  	v2 =	vadd.f32 v33, v34;
	v0 =	vadd.f32 v1, v0;
	_ =	sdelay $0x1  }
0xb9: {  	v0 =	vadd.f32 v0, v2;
	_ =	sdelay $0x1  }
0xba: {  	v0 =	vsub.f32 $0.0e+00, v0;
	_ =	sdelay $0x1  }
0xbb: {  	v0 =	vmul.f32 $1.442695020e+00, v0;
	_ =	sdelay $0x1  }
0xbc: {  	(erf) = vpow2.f32 v0;
	_ =	sdelay $0x8  }
0xbd: {  	v0 =	vpop (erf)  }
0xbe: {  	v0 =	vadd.f32 $1.000000000e+00, v0;
	_ =	sdelay $0x1  }
0xbf: {  	(erf) = vrcp.f32 v0;
	_ =	sdelay $0x5  }
0xc0: {  	p0 =	sne.s32 s25, $0x3F0;
	v0 =	vmov s25  }
.Ltmp0:
0xc1: {  	_ = 	snop;
	(pc) =	sbr.rel @p0 .LBB2_2-.Ltmp0, $4  }
0xc2: {  	_ = 	snop  }
0xc3: {  	s23 =	sadd.s32 $0x10, s23;
	v1 =	vshll.u32 v0, $0x5;
	v0 =	vpop (erf)  }
0xc4: {  	s24 =	sadd.s32 $0x10, s24;
	v33 =	vor.u32 v3, v1;
	[tilespmem:s23+$0x0] =	vst v0  }
0xc5: {  	v58 =	vmovc v3;
	s25 =	sadd.s32 $0x10, s25;
	v34 =	vor.u32 $0x1C, v33;
	v35 =	vor.u32 $0x1D, v33;
	v36 =	vor.u32 $0x18, v33;
	v37 =	vld [tilespmem:s24+$0x0]  }
0xc6: {  	_ =	sdelay $0x3  }
0xc7: {  	v34 =	vld.idx.msk [tilespmem:v34+s14+$0x0], $0xffff  }
0xc8: {  	v35 =	vld.idx.msk [tilespmem:v35+s14+$0x0], $0xffff;
	v0 =	vmul.f32 $4.096000000e+03, v37  }
0xc9: {  	v2 =	vor.u32 $0x19, v33;
	v36 =	vld.idx.msk [tilespmem:v36+s14+$0x0], $0xffff  }
0xca: {  	v60 =	vor.u32 $0x14, v33;
	v49 =	vld.idx.msk [tilespmem:v33+s14+$0x0], $0xffff;
	v1 =	vtrunc.f32 v0  }
0xcb: {  	v38 =	vor.u32 $0x15, v33;
	v62 =	vld [tilespmem:$0x1FFA0];
	v1 =	vcvt.f32.s32 v1  }
0xcc: {  	v40 =	vor.u32 $0x8, v33;
	v55 =	vld [tilespmem:$0x1FFB0]  }
0xcd: {  	v41 =	vor.u32 $0x4, v33;
	v59 =	vld [tilespmem:$0x1FFC0];
	vm0 =	vgt.s32 v1, $0x0  }
0xce: {  	v42 =	vor.u32 $0x1, v33;
	v2 =	vld.idx.msk [tilespmem:v2+s14+$0x0], $0xffff;
	v1 =	vnsel vm0, $0x0, v1  }
0xcf: {  	v37 =	vld.idx.msk [tilespmem:v60+s14+$0x0], $0xffff;
	v1 =	vmin.u32 v1, $0xFFF  }
0xd0: {  	v38 =	vld.idx.msk [tilespmem:v38+s14+$0x0], $0xffff;
	v39 =	vadd.s32 $0x1, v1  }
0xd1: {  	v44 =	vor.u32 $0x5, v33;
	v40 =	vld.idx.msk [tilespmem:v40+s14+$0x0], $0xffff  }
0xd2: {  	v47 =	vor.u32 $0x3, v33;
	v41 =	vld.idx.msk [tilespmem:v41+s14+$0x0], $0xffff  }
0xd3: {  	v48 =	vor.u32 $0x7, v33;
	v42 =	vld.idx.msk [tilespmem:v42+s14+$0x0], $0xffff  }
0xd4: {  	v45 =	vor.u32 $0x2, v33;
	v43 =	vld.idx.msk [tilespmem:v1+s12+$0x0], $0xffff  }
0xd5: {  	v46 =	vor.u32 $0x6, v33;
	v39 =	vld.idx.msk [tilespmem:v39+s12+$0x0], $0xffff  }
0xd6: {  	v51 =	vor.u32 $0xA, v33;
	v44 =	vld.idx.msk [tilespmem:v44+s14+$0x0], $0xffff  }
0xd7: {  	v50 =	vor.u32 $0x9, v33;
	v61 =	vor.u32 $0x10, v33;
	v53 =	vor.u32 $0xD, v33;
	v47 =	vld.idx.msk [tilespmem:v47+s14+$0x0], $0xffff  }
0xd8: {  	v52 =	vor.u32 $0xC, v33;
	v34 =	vmul.f32 v34, v18;
	v48 =	vld.idx.msk [tilespmem:v48+s14+$0x0], $0xffff;
	v1 =	vcvt.s32.f32 v1  }
0xd9: {  	v54 =	vor.u32 $0xE, v33;
	v45 =	vld.idx.msk [tilespmem:v45+s14+$0x0], $0xffff;
	v36 =	vmul.f32 v36, v19;
	v35 =	vmul.f32 v35, v21  }
0xda: {  	v46 =	vld.idx.msk [tilespmem:v46+s14+$0x0], $0xffff;
	v42 =	vmul.f32 v42, v22;
	v0 =	vsub.f32 v0, v1;
	v1 =	vsub.f32 v39, v43  }
0xdb: {  	v63 =	vor.u32 $0xB, v33;
	v51 =	vld.idx.msk [tilespmem:v51+s14+$0x0], $0xffff;
	v44 =	vmul.f32 v44, v55;
	v40 =	vmul.f32 v40, v25  }
0xdc: {  	v60 =	vor.u32 $0xF, v33;
	v53 =	vld.idx.msk [tilespmem:v53+s14+$0x0], $0xffff;
	v41 =	vmul.f32 v41, v23;
	v0 =	vmul.f32 v0, v1  }
0xdd: {  	v47 =	vmul.f32 v47, v15;
	v48 =	vmul.f32 v48, v17;
	v39 =	vld.idx.msk [tilespmem:v61+s14+$0x0], $0xffff;
	v61 =	vor.u32 $0x12, v33  }
0xde: {  	v42 =	vadd.f32 v44, v42;
	v44 =	vld.idx.msk [tilespmem:v52+s14+$0x0], $0xffff;
	v0 =	vadd.f32 v0, v43;
	v43 =	vmul.f32 v49, v62  }
0xdf: {  	v45 =	vmul.f32 v45, v59;
	v47 =	vadd.f32 v48, v47;
	v48 =	vld.idx.msk [tilespmem:v54+s14+$0x0], $0xffff;
	v1 =	vor.u32 $0x11, v33  }
0xe0: {  	v46 =	vmul.f32 v46, v20;
	v49 =	vld.idx.msk [tilespmem:v50+s14+$0x0], $0xffff;
	v62 =	vor.u32 $0x13, v33;
	v0 =	vadd.f32 v0, v43  }
0xe1: {  	v51 =	vmul.f32 v51, v16;
	v37 =	vmul.f32 v37, v31;
	v50 =	vld.idx.msk [tilespmem:v63+s14+$0x0], $0xffff;
	v63 =	vor.u32 $0x17, v33  }
0xe2: {  	v45 =	vadd.f32 v46, v45;
	v52 =	vld.idx.msk [tilespmem:v61+s14+$0x0], $0xffff;
	v0 =	vadd.f32 v0, v41;
	v41 =	vor.u32 $0x16, v33  }
0xe3: {  	v57 =	vor.u32 $0x1A, v33;
	v2 =	vmul.f32 v2, v32;
	v38 =	vmul.f32 v38, v30;
	v43 =	vld.idx.msk [tilespmem:v60+s14+$0x0], $0xffff  }
0xe4: {  	v45 =	vadd.f32 v51, v45;
	v48 =	vmul.f32 v48, v13;
	v60 =	vor.u32 $0x1B, v33;
	v1 =	vld.idx.msk [tilespmem:v1+s14+$0x0], $0xffff  }
0xe5: {  	v53 =	vmul.f32 v53, v26;
	v49 =	vmul.f32 v49, v24;
	v46 =	vld.idx.msk [tilespmem:v62+s14+$0x0], $0xffff;
	v62 =	vor.u32 $0x1F, v33  }
0xe6: {  	v45 =	vadd.f32 v48, v45;
	v61 =	vor.u32 $0x1E, v33;
	v50 =	vmul.f32 v50, v14;
	v63 =	vld.idx.msk [tilespmem:v63+s14+$0x0], $0xffff  }
0xe7: {  	v44 =	vmul.f32 v44, v27;
	v0 =	vadd.f32 v40, v0;
	v42 =	vadd.f32 v49, v42;
	v41 =	vld.idx.msk [tilespmem:v41+s14+$0x0], $0xffff  }
0xe8: {  	v39 =	vmul.f32 v39, v28;
	v47 =	vadd.f32 v50, v47;
	v49 =	vld.idx.msk [tilespmem:v57+s14+$0x0], $0xffff;
	v43 =	vmul.f32 v43, v12  }
0xe9: {  	v51 =	vld.idx.msk [tilespmem:v60+s14+$0x0], $0xffff;
	v1 =	vmul.f32 v1, v29;
	v0 =	vadd.f32 v44, v0;
	v42 =	vadd.f32 v53, v42  }
0xea: {  	v53 =	vmul.f32 v52, v11;
	v43 =	vadd.f32 v43, v47;
	v54 =	vmul.f32 v46, v10;
	v33 =	vld.idx.msk [tilespmem:v62+s14+$0x0], $0xffff  }
0xeb: {  	v40 =	vld.idx.msk [tilespmem:v61+s14+$0x0], $0xffff;
	v0 =	vadd.f32 v39, v0;
	v57 =	vmul.f32 v63, v7;
	v1 =	vadd.f32 v1, v42  }
0xec: {  	v55 =	vadd.f32 v53, v45;
	v56 =	vadd.f32 v54, v43;
	v41 =	vmul.f32 v41, v9  }
0xed: {  	v61 =	vmul.f32 v49, v8;
	v0 =	vadd.f32 v37, v0;
	v1 =	vadd.f32 v38, v1  }
0xee: {  	v63 =	vmul.f32 v51, v5;
	v62 =	vadd.f32 v57, v56;
	v60 =	vadd.f32 v41, v55  }
0xef: {  	v0 =	vadd.f32 v36, v0;
	v1 =	vadd.f32 v2, v1;
	v33 =	vmul.f32 v33, v4  }
0xf0: {  	v41 =	vmul.f32 v40, v6;
	v42 =	vadd.f32 v63, v62;
	v2 =	vadd.f32 v61, v60  }
0xf1: {  	v0 =	vadd.f32 v34, v0;
	v1 =	vadd.f32 v35, v1  }
0xf2: {  	v33 =	vadd.f32 v33, v42;
	v2 =	vadd.f32 v41, v2;
	_ =	sdelay $0x1  }
0xf3: {  	v0 =	vadd.f32 v1, v0;
	v1 =	vadd.f32 v33, v2;
	_ =	sdelay $0x1  }
0xf4: {  	v0 =	vadd.f32 v1, v0;
	_ =	sdelay $0x1  }
0xf5: {  	v0 =	vsub.f32 $0.0e+00, v0;
	_ =	sdelay $0x1  }
0xf6: {  	v0 =	vmul.f32 $1.442695020e+00, v0;
	_ =	sdelay $0x1  }
0xf7: {  	(erf) = vpow2.f32 v0;
	_ =	sdelay $0x4  }
0xf8: {  	[tilespmem:$0x1FF70] =	vst v19  }
0xf9: {  	[tilespmem:$0x1FEE0] =	vst v25  }
0xfa: {  	[tilespmem:$0x1FE90] =	vst v23  }
0xfb: {  	[tilespmem:$0x1FEA0] =	vst v15  }
0xfc: {  	[tilespmem:$0x1FEB0] =	vst v17;
	v0 =	vpop (erf)  }
0xfd: {  	[tilespmem:$0x1FEC0] =	vst v24;
	v0 =	vadd.f32 $1.000000000e+00, v0  }
0xfe: {  	[tilespmem:$0x1FED0] =	vst v16  }
0xff: {  	[tilespmem:$0x1FF30] =	vst v31;
	(erf) = vrcp.f32 v0  }
0x100: {  	[tilespmem:$0x1FF50] =	vst v32  }
0x101: {  	[tilespmem:$0x1FF10] =	vst v30  }
0x102: {  	[tilespmem:$0x1FF00] =	vst v28  }
0x103: {  	[tilespmem:$0x1FEF0] =	vst v29  }
0x104: {  	[tilespmem:$0x1FF20] =	vst v9  }
0x105: {  	[tilespmem:$0x1FF40] =	vst v7  }
0x106: {  	[tilespmem:$0x1FF60] =	vst v8;
	s30 =	simm.s32 $0x0  }
0x107: {  	[tilespmem:$0x1FF80] =	vst v5;
	v1 =	vmov s30  }
0x108: {  	[tilespmem:$0x1FF90] =	vst v6;
	s23 =	sadd.s32 $0x10, s23;
	v1 =	vshll.u32 v1, $0x5;
	v0 =	vpop (erf)  }
0x109: {  	v1 =	vor.u32 v58, v1;
	[tilespmem:s23+$0x0] =	vst v0  }
0x10a: {  	v2 =	vor.u32 $0x1C, v1;
	[tilespmem:s14], [sflag:$0x1] =	stream.indirect.gather [hbm4b:s3+s13], $0x20, s17, s13, $0xb8;
	[tilespmem:$0x14E80] =	vst v63  }
0x10b: {  	v43 =	vor.u32 $0x1D, v1;
	_ =	swait.ge [sflag:s18], $0x8000  }
0x10c: {  	v45 =	vor.u32 $0x19, v1;
	[sflag:s18] =	ssyncset.done $0x0  }
0x10d: {  	s29 =	simm.s32 $0x11800;
	v46 =	vor.u32 $0x14, v1;
	[sflag:s18] =	ssyncadd.s32 $0xFFFF8000  }
0x10e: {  	v47 =	vor.u32 $0x10, v1;
	v0 =	vld [tilespmem:s29+$0x0]  }
0x10f: {  	v48 =	vor.u32 $0x11, v1;
	v2 =	vld.idx.msk [tilespmem:v2+s15+$0x0], $0xffff  }
0x110: {  	v50 =	vor.u32 $0x1, v1;
	v33 =	vld.idx.msk [tilespmem:v43+s15+$0x0], $0xffff  }
0x111: {  	v51 =	vor.u32 $0x5, v1;
	v35 =	vld.idx.msk [tilespmem:v45+s15+$0x0], $0xffff  }
0x112: {  	v52 =	vor.u32 $0x2, v1;
	v36 =	vld.idx.msk [tilespmem:v46+s15+$0x0], $0xffff  }
0x113: {  	v37 =	vld.idx.msk [tilespmem:v47+s15+$0x0], $0xffff  }
0x114: {  	v54 =	vor.u32 $0x4, v1;
	v38 =	vld.idx.msk [tilespmem:v48+s15+$0x0], $0xffff  }
0x115: {  	v55 =	vor.u32 $0x3, v1;
	v40 =	vld.idx.msk [tilespmem:v50+s15+$0x0], $0xffff  }
0x116: {  	v56 =	vor.u32 $0x9, v1;
	v41 =	vld.idx.msk [tilespmem:v51+s15+$0x0], $0xffff  }
0x117: {  	v42 =	vld.idx.msk [tilespmem:v52+s15+$0x0], $0xffff;
	v0 =	vmul.f32 $4.096000000e+03, v0  }
0x118: {  	v62 =	vor.u32 $0xB, v1;
	v57 =	vld.idx.msk [tilespmem:v1+s15+$0x0], $0xffff  }
0x119: {  	v45 =	vld.idx.msk [tilespmem:v54+s15+$0x0], $0xffff;
	v44 =	vtrunc.f32 v0  }
0x11a: {  	v46 =	vld.idx.msk [tilespmem:v55+s15+$0x0], $0xffff;
	v34 =	vcvt.f32.s32 v44  }
0x11b: {  	v50 =	vor.u32 $0xA, v1;
	v48 =	vld.idx.msk [tilespmem:v56+s15+$0x0], $0xffff  }
0x11c: {  	v53 =	vor.u32 $0x6, v1;
	v56 =	vld [tilespmem:$0x1FFA0];
	vm15 =	vgt.s32 v34, $0x0  }
0x11d: {  	v51 =	vld.idx.msk [tilespmem:v62+s15+$0x0], $0xffff;
	v34 =	vnsel vm15, $0x0, v34  }
0x11e: {  	v62 =	vld [tilespmem:$0x1FEB0];
	v34 =	vmin.u32 v34, $0xFFF  }
0x11f: {  	v54 =	vld [tilespmem:$0x1FED0];
	v49 =	vadd.s32 $0x1, v34  }
0x120: {  	v50 =	vld.idx.msk [tilespmem:v50+s15+$0x0], $0xffff  }
0x121: {  	v47 =	vor.u32 $0x7, v1;
	v44 =	vld.idx.msk [tilespmem:v53+s15+$0x0], $0xffff  }
0x122: {  	v52 =	vor.u32 $0xE, v1;
	v53 =	vld [tilespmem:$0x1FEC0]  }
0x123: {  	v43 =	vld.idx.msk [tilespmem:v34+s12+$0x0], $0xffff  }
0x124: {  	v61 =	vor.u32 $0x8, v1;
	v39 =	vld.idx.msk [tilespmem:v49+s12+$0x0], $0xffff  }
0x125: {  	v55 =	vld [tilespmem:$0x1FEE0]  }
0x126: {  	v47 =	vld.idx.msk [tilespmem:v47+s15+$0x0], $0xffff;
	v42 =	vmul.f32 v42, v59;
	v44 =	vmul.f32 v44, v20  }
0x127: {  	v63 =	vor.u32 $0xD, v1;
	v52 =	vld.idx.msk [tilespmem:v52+s15+$0x0], $0xffff;
	v34 =	vcvt.s32.f32 v34  }
0x128: {  	v48 =	vmul.f32 v48, v53;
	v53 =	vld [tilespmem:$0x1FF60];
	v42 =	vadd.f32 v44, v42  }
0x129: {  	v50 =	vmul.f32 v50, v54;
	v0 =	vsub.f32 v0, v34;
	v60 =	vsub.f32 v39, v43;
	v39 =	vld.idx.msk [tilespmem:v61+s15+$0x0], $0xffff  }
0x12a: {  	v44 =	vor.u32 $0x13, v1;
	v61 =	vld [tilespmem:$0x1FEA0]  }
0x12b: {  	v42 =	vadd.f32 v50, v42;
	v50 =	vld [tilespmem:$0x1FF30];
	v0 =	vmul.f32 v0, v60  }
0x12c: {  	v52 =	vmul.f32 v52, v13;
	v34 =	vld.idx.msk [tilespmem:v63+s15+$0x0], $0xffff;
	v60 =	vor.u32 $0xC, v1  }
0x12d: {  	v0 =	vadd.f32 v0, v43;
	v43 =	vmul.f32 v57, v56;
	v57 =	vld [tilespmem:$0x1FFB0]  }
0x12e: {  	v42 =	vadd.f32 v52, v42;
	v52 =	vld [tilespmem:$0x1FF50]  }
0x12f: {  	v47 =	vmul.f32 v47, v62;
	v44 =	vld.idx.msk [tilespmem:v44+s15+$0x0], $0xffff;
	v46 =	vmul.f32 v46, v61;
	v61 =	vor.u32 $0x1A, v1  }
0x130: {  	v39 =	vmul.f32 v39, v55;
	v55 =	vld [tilespmem:$0x1FF70];
	v0 =	vadd.f32 v0, v43;
	v43 =	vor.u32 $0xF, v1  }
0x131: {  	v51 =	vmul.f32 v51, v14;
	v49 =	vld.idx.msk [tilespmem:v60+s15+$0x0], $0xffff;
	v46 =	vadd.f32 v47, v46;
	v47 =	vor.u32 $0x16, v1  }
0x132: {  	v60 =	vor.u32 $0x17, v1;
	v41 =	vmul.f32 v41, v57;
	v57 =	vld [tilespmem:$0x1FE90]  }
0x133: {  	v40 =	vmul.f32 v40, v22;
	v46 =	vadd.f32 v51, v46;
	v51 =	vld [tilespmem:$0x1FF40]  }
0x134: {  	v59 =	vld.idx.msk [tilespmem:v61+s15+$0x0], $0xffff  }
0x135: {  	v40 =	vadd.f32 v41, v40;
	v41 =	vor.u32 $0x12, v1;
	v43 =	vld.idx.msk [tilespmem:v43+s15+$0x0], $0xffff  }
0x136: {  	v63 =	vor.u32 $0x15, v1;
	v47 =	vld.idx.msk [tilespmem:v47+s15+$0x0], $0xffff  }
0x137: {  	v62 =	vor.u32 $0x18, v1;
	v40 =	vadd.f32 v48, v40;
	v48 =	vld.idx.msk [tilespmem:v60+s15+$0x0], $0xffff  }
0x138: {  	v60 =	vld [tilespmem:$0x1FF00];
	v45 =	vmul.f32 v45, v57  }
0x139: {  	v57 =	vld [tilespmem:$0x1FEF0]  }
0x13a: {  	v56 =	vor.u32 $0x1E, v1;
	v0 =	vadd.f32 v0, v45;
	v41 =	vld.idx.msk [tilespmem:v41+s15+$0x0], $0xffff  }
0x13b: {  	v45 =	vld.idx.msk [tilespmem:v63+s15+$0x0], $0xffff  }
0x13c: {  	v43 =	vmul.f32 v43, v12;
	v0 =	vadd.f32 v39, v0;
	v39 =	vld.idx.msk [tilespmem:v62+s15+$0x0], $0xffff  }
0x13d: {  	v34 =	vmul.f32 v34, v26;
	v63 =	vor.u32 $0x1B, v1;
	v62 =	vld [tilespmem:$0x1FF10]  }
0x13e: {  	v1 =	vor.u32 $0x1F, v1;
	v43 =	vadd.f32 v43, v46;
	v46 =	vld [tilespmem:$0x1FF20]  }
0x13f: {  	v49 =	vmul.f32 v49, v27;
	v34 =	vadd.f32 v34, v40;
	v40 =	vld.idx.msk [tilespmem:v56+s15+$0x0], $0xffff  }
0x140: {  	v37 =	vmul.f32 v37, v60;
	v60 =	vld [tilespmem:$0x1FF90];
	v41 =	vmul.f32 v41, v11  }
0x141: {  	v44 =	vmul.f32 v44, v10;
	v38 =	vmul.f32 v38, v57;
	v57 =	vld [tilespmem:$0x1FF80]  }
0x142: {  	v0 =	vadd.f32 v49, v0;
	v63 =	vld.idx.msk [tilespmem:v63+s15+$0x0], $0xffff;
	v61 =	vadd.f32 v41, v42  }
0x143: {  	v1 =	vld.idx.msk [tilespmem:v1+s15+$0x0], $0xffff;
	v41 =	vmul.f32 v45, v62;
	v45 =	vadd.f32 v44, v43;
	v43 =	vmul.f32 v47, v46  }
0x144: {  	v36 =	vmul.f32 v36, v50;
	v34 =	vadd.f32 v38, v34;
	v62 =	vld [tilespmem:$0x1FFF0]  }
0x145: {  	v0 =	vadd.f32 v37, v0;
	v38 =	vadd.f32 v43, v61;
	v43 =	vmul.f32 v59, v53;
	v59 =	vld [tilespmem:$0x1FFD0]  }
0x146: {  	v34 =	vadd.f32 v41, v34;
	v41 =	vmul.f32 v48, v51;
	v61 =	vld [tilespmem:$0x1FFE0]  }
0x147: {  	v37 =	vmul.f32 v39, v55;
	v0 =	vadd.f32 v36, v0  }
0x148: {  	v54 =	vadd.f32 v41, v45;
	v56 =	vadd.f32 v43, v38;
	v38 =	vmul.f32 v63, v57  }
0x149: {  	v35 =	vmul.f32 v35, v52;
	v0 =	vadd.f32 v37, v0  }
0x14a: {  	v37 =	vmul.f32 v40, v60;
	v1 =	vmul.f32 v1, v62;
	v36 =	vadd.f32 v38, v54  }
0x14b: {  	v34 =	vadd.f32 v35, v34;
	v33 =	vmul.f32 v33, v59;
	v2 =	vmul.f32 v2, v61  }
0x14c: {  	v63 =	vadd.f32 v37, v56;
	v1 =	vadd.f32 v1, v36  }
0x14d: {  	v33 =	vadd.f32 v33, v34;
	v0 =	vadd.f32 v2, v0;
	_ =	sdelay $0x1  }
0x14e: {  	v1 =	vadd.f32 v1, v63;
	v0 =	vadd.f32 v33, v0;
	_ =	sdelay $0x1  }
0x14f: {  	v0 =	vadd.f32 v1, v0;
	_ =	sdelay $0x1  }
0x150: {  	v0 =	vsub.f32 $0.0e+00, v0;
	_ =	sdelay $0x1  }
0x151: {  	v0 =	vmul.f32 $1.442695020e+00, v0;
	_ =	sdelay $0x1  }
0x152: {  	(erf) = vpow2.f32 v0;
	_ =	sdelay $0x8  }
0x153: {  	v0 =	vpop (erf)  }
0x154: {  	v0 =	vadd.f32 $1.000000000e+00, v0;
	_ =	sdelay $0x1  }
0x155: {  	(erf) = vrcp.f32 v0;
	_ =	sdelay $0x6  }
0x156: {  	s31 =	simm.s32 $0x10  }
0x157: {  	v0 =	vmov s31  }
0x158: {  	s23 =	simm.s32 $0x12C00;
	v0 =	vshll.u32 v0, $0x5;
	v1 =	vpop (erf)  }
0x159: {  	s24 =	simm.s32 $0x11810;
	v33 =	vor.u32 v58, v0;
	[tilespmem:s23+$0x0] =	vst v1  }
0x15a: {  	s25 =	simm.s32 $0x20;
	v34 =	vor.u32 $0x1C, v33;
	v35 =	vor.u32 $0x1D, v33;
	v36 =	vor.u32 $0x18, v33;
	v37 =	vld [tilespmem:s24+$0x0]  }
.LBB2_4:
0x15b: {  	_ =	sdelay $0x3  }
0x15c: {  	v37 =	vmul.f32 $4.096000000e+03, v37;
	_ =	sdelay $0x1  }
0x15d: {  	v41 =	vtrunc.f32 v37  }
0x15e: {  	v41 =	vcvt.f32.s32 v41;
	_ =	sdelay $0x1  }
0x15f: {  	vm0 =	vgt.s32 v41, $0x0  }
0x160: {  	v0 =	vor.u32 $0x19, v33;
	v41 =	vnsel vm0, $0x0, v41  }
0x161: {  	v34 =	vld.idx.msk [tilespmem:v34+s15+$0x0], $0xffff;
	v41 =	vmin.u32 v41, $0xFFF  }
0x162: {  	v35 =	vld.idx.msk [tilespmem:v35+s15+$0x0], $0xffff;
	v47 =	vadd.s32 $0x1, v41  }
0x163: {  	v1 =	vor.u32 $0x14, v33;
	v36 =	vld.idx.msk [tilespmem:v36+s15+$0x0], $0xffff  }
0x164: {  	v2 =	vor.u32 $0x15, v33;
	v60 =	vld.idx.msk [tilespmem:v33+s15+$0x0], $0xffff  }
0x165: {  	v38 =	vor.u32 $0x10, v33;
	v0 =	vld.idx.msk [tilespmem:v0+s15+$0x0], $0xffff  }
0x166: {  	v39 =	vor.u32 $0x11, v33;
	v51 =	vld.idx.msk [tilespmem:v41+s12+$0x0], $0xffff  }
0x167: {  	v40 =	vor.u32 $0xC, v33;
	v47 =	vld.idx.msk [tilespmem:v47+s12+$0x0], $0xffff  }
0x168: {  	v42 =	vor.u32 $0xD, v33;
	v1 =	vld.idx.msk [tilespmem:v1+s15+$0x0], $0xffff  }
0x169: {  	v43 =	vor.u32 $0x8, v33;
	v2 =	vld.idx.msk [tilespmem:v2+s15+$0x0], $0xffff  }
0x16a: {  	v44 =	vor.u32 $0x9, v33;
	v38 =	vld.idx.msk [tilespmem:v38+s15+$0x0], $0xffff;
	v41 =	vcvt.s32.f32 v41  }
0x16b: {  	v39 =	vld.idx.msk [tilespmem:v39+s15+$0x0], $0xffff  }
0x16c: {  	v45 =	vor.u32 $0x4, v33;
	v40 =	vld.idx.msk [tilespmem:v40+s15+$0x0], $0xffff;
	v37 =	vsub.f32 v37, v41;
	v63 =	vsub.f32 v47, v51  }
0x16d: {  	v46 =	vor.u32 $0x1, v33;
	v42 =	vld.idx.msk [tilespmem:v42+s15+$0x0], $0xffff  }
0x16e: {  	v48 =	vor.u32 $0x5, v33;
	v43 =	vld.idx.msk [tilespmem:v43+s15+$0x0], $0xffff;
	v37 =	vmul.f32 v37, v63  }
0x16f: {  	v49 =	vor.u32 $0x2, v33;
	v44 =	vld.idx.msk [tilespmem:v44+s15+$0x0], $0xffff  }
0x170: {  	v37 =	vadd.f32 v37, v51;
	v51 =	vld [tilespmem:$0x1FFA0]  }
0x171: {  	v50 =	vor.u32 $0x6, v33;
	v45 =	vld.idx.msk [tilespmem:v45+s15+$0x0], $0xffff  }
0x172: {  	v53 =	vor.u32 $0x3, v33;
	v46 =	vld.idx.msk [tilespmem:v46+s15+$0x0], $0xffff  }
0x173: {  	v59 =	vor.u32 $0xB, v33;
	v48 =	vld.idx.msk [tilespmem:v48+s15+$0x0], $0xffff  }
0x174: {  	v56 =	vor.u32 $0x7, v33;
	v49 =	vld.idx.msk [tilespmem:v49+s15+$0x0], $0xffff  }
0x175: {  	v62 =	vor.u32 $0xF, v33;
	v51 =	vmul.f32 v60, v51;
	v60 =	vld [tilespmem:$0x1FFB0]  }
0x176: {  	v52 =	vor.u32 $0x1E, v33;
	v50 =	vld.idx.msk [tilespmem:v50+s15+$0x0], $0xffff  }
0x177: {  	v58 =	vor.u32 $0xA, v33;
	v34 =	vmul.f32 v34, v18;
	v36 =	vmul.f32 v36, v19;
	v53 =	vld.idx.msk [tilespmem:v53+s15+$0x0], $0xffff  }
0x178: {  	v54 =	vor.u32 $0x1A, v33;
	v35 =	vmul.f32 v35, v21;
	v41 =	vmul.f32 v44, v24;
	v44 =	vld.idx.msk [tilespmem:v59+s15+$0x0], $0xffff  }
0x179: {  	v61 =	vor.u32 $0xE, v33;
	v1 =	vmul.f32 v1, v31;
	v0 =	vmul.f32 v0, v32;
	v47 =	vld.idx.msk [tilespmem:v56+s15+$0x0], $0xffff  }
0x17a: {  	v55 =	vor.u32 $0x1F, v33;
	v2 =	vmul.f32 v2, v30;
	v48 =	vmul.f32 v48, v60;
	v60 =	vld.idx.msk [tilespmem:v62+s15+$0x0], $0xffff  }
0x17b: {  	v57 =	vor.u32 $0x12, v33;
	v38 =	vmul.f32 v38, v28;
	v39 =	vmul.f32 v39, v29;
	v62 =	vld [tilespmem:$0x1FFC0]  }
0x17c: {  	v40 =	vmul.f32 v40, v27;
	v43 =	vmul.f32 v43, v25;
	v56 =	vld.idx.msk [tilespmem:v58+s15+$0x0], $0xffff;
	v58 =	vor.u32 $0x13, v33  }
0x17d: {  	v42 =	vmul.f32 v42, v26;
	v46 =	vmul.f32 v46, v22;
	v63 =	vor.u32 $0x17, v33  }
0x17e: {  	v61 =	vld.idx.msk [tilespmem:v61+s15+$0x0], $0xffff;
	v45 =	vmul.f32 v45, v23;
	v50 =	vmul.f32 v50, v20;
	v59 =	vor.u32 $0x16, v33  }
0x17f: {  	v33 =	vor.u32 $0x1B, v33;
	v47 =	vmul.f32 v47, v17;
	v37 =	vadd.f32 v37, v51  }
0x180: {  	v57 =	vld.idx.msk [tilespmem:v57+s15+$0x0], $0xffff;
	v51 =	vmul.f32 v53, v15;
	v49 =	vmul.f32 v49, v62  }
0x181: {  	v44 =	vmul.f32 v44, v14;
	v53 =	vld.idx.msk [tilespmem:v58+s15+$0x0], $0xffff;
	v37 =	vadd.f32 v37, v45;
	v46 =	vadd.f32 v48, v46  }
0x182: {  	v62 =	vmul.f32 v56, v16;
	v56 =	vadd.f32 v47, v51;
	v47 =	vld.idx.msk [tilespmem:v63+s15+$0x0], $0xffff;
	v58 =	vadd.f32 v50, v49  }
0x183: {  	v37 =	vadd.f32 v43, v37;
	v41 =	vadd.f32 v41, v46;
	v50 =	vld.idx.msk [tilespmem:v59+s15+$0x0], $0xffff;
	v59 =	vmul.f32 v61, v13  }
0x184: {  	v33 =	vld.idx.msk [tilespmem:v33+s15+$0x0], $0xffff;
	v61 =	vadd.f32 v44, v56;
	v58 =	vadd.f32 v62, v58;
	v62 =	vmul.f32 v60, v12  }
0x185: {  	v48 =	vmul.f32 v57, v11;
	v37 =	vadd.f32 v40, v37;
	v41 =	vadd.f32 v42, v41;
	v49 =	vld.idx.msk [tilespmem:v54+s15+$0x0], $0xffff  }
0x186: {  	v53 =	vmul.f32 v53, v10;
	v51 =	vld.idx.msk [tilespmem:v52+s15+$0x0], $0xffff;
	v63 =	vadd.f32 v59, v58;
	v52 =	vadd.f32 v62, v61  }
0x187: {  	v37 =	vadd.f32 v38, v37;
	v54 =	vld.idx.msk [tilespmem:v55+s15+$0x0], $0xffff;
	v39 =	vadd.f32 v39, v41;
	v58 =	vmul.f32 v47, v7  }
0x188: {  	v56 =	vmul.f32 v50, v9;
	v55 =	vadd.f32 v48, v63;
	v57 =	vadd.f32 v53, v52  }
0x189: {  	v33 =	vmul.f32 v33, v5;
	v1 =	vadd.f32 v1, v37;
	v2 =	vadd.f32 v2, v39  }
0x18a: {  	v60 =	vmul.f32 v49, v8;
	v59 =	vadd.f32 v56, v55;
	v61 =	vadd.f32 v58, v57  }
0x18b: {  	v1 =	vadd.f32 v36, v1;
	v62 =	vmul.f32 v51, v6;
	v0 =	vadd.f32 v0, v2  }
0x18c: {  	v63 =	vmul.f32 v54, v4;
	v2 =	vadd.f32 v60, v59;
	v33 =	vadd.f32 v33, v61  }
0x18d: {  	v1 =	vadd.f32 v34, v1;
	v0 =	vadd.f32 v35, v0  }
0x18e: {  	v2 =	vadd.f32 v62, v2;
	v33 =	vadd.f32 v63, v33;
	_ =	sdelay $0x1  }
0x18f: {  	v0 =	vadd.f32 v0, v1;
	v1 =	vadd.f32 v33, v2;
	_ =	sdelay $0x1  }
0x190: {  	v0 =	vadd.f32 v1, v0;
	_ =	sdelay $0x1  }
0x191: {  	v0 =	vsub.f32 $0.0e+00, v0;
	_ =	sdelay $0x1  }
0x192: {  	v0 =	vmul.f32 $1.442695020e+00, v0;
	_ =	sdelay $0x1  }
0x193: {  	(erf) = vpow2.f32 v0;
	_ =	sdelay $0x8  }
0x194: {  	v0 =	vpop (erf)  }
0x195: {  	v0 =	vadd.f32 $1.000000000e+00, v0;
	_ =	sdelay $0x1  }
0x196: {  	(erf) = vrcp.f32 v0;
	_ =	sdelay $0x5  }
0x197: {  	p0 =	sne.s32 s25, $0x3F0;
	v0 =	vmov s25  }
.Ltmp1:
0x198: {  	_ = 	snop;
	(pc) =	sbr.rel @p0 .LBB2_4-.Ltmp1, $4  }
0x199: {  	_ = 	snop  }
0x19a: {  	s23 =	sadd.s32 $0x10, s23;
	v1 =	vshll.u32 v0, $0x5;
	v0 =	vpop (erf)  }
0x19b: {  	s24 =	sadd.s32 $0x10, s24;
	v33 =	vor.u32 v3, v1;
	[tilespmem:s23+$0x0] =	vst v0  }
0x19c: {  	s25 =	sadd.s32 $0x10, s25;
	v34 =	vor.u32 $0x1C, v33;
	v35 =	vor.u32 $0x1D, v33;
	v36 =	vor.u32 $0x18, v33;
	v37 =	vld [tilespmem:s24+$0x0]  }
0x19d: {  	_ =	sdelay $0x3  }
0x19e: {  	v34 =	vld.idx.msk [tilespmem:v34+s15+$0x0], $0xffff  }
0x19f: {  	v35 =	vld.idx.msk [tilespmem:v35+s15+$0x0], $0xffff  }
0x1a0: {  	v2 =	vor.u32 $0x19, v33;
	v36 =	vld.idx.msk [tilespmem:v36+s15+$0x0], $0xffff;
	v0 =	vmul.f32 $4.096000000e+03, v37  }
0x1a1: {  	v60 =	vor.u32 $0x14, v33;
	v49 =	vld.idx.msk [tilespmem:v33+s15+$0x0], $0xffff  }
0x1a2: {  	v40 =	vor.u32 $0x8, v33;
	v62 =	vld [tilespmem:$0x1FFA0];
	v1 =	vtrunc.f32 v0  }
0x1a3: {  	v41 =	vor.u32 $0x4, v33;
	v55 =	vld [tilespmem:$0x1FFB0];
	v1 =	vcvt.f32.s32 v1  }
0x1a4: {  	v42 =	vor.u32 $0x1, v33;
	v59 =	vld [tilespmem:$0x1FFC0]  }
0x1a5: {  	v44 =	vor.u32 $0x5, v33;
	v2 =	vld.idx.msk [tilespmem:v2+s15+$0x0], $0xffff;
	vm0 =	vgt.s32 v1, $0x0  }
0x1a6: {  	v47 =	vor.u32 $0x3, v33;
	v37 =	vld.idx.msk [tilespmem:v60+s15+$0x0], $0xffff;
	v1 =	vnsel vm0, $0x0, v1  }
0x1a7: {  	v40 =	vld.idx.msk [tilespmem:v40+s15+$0x0], $0xffff;
	v1 =	vmin.u32 v1, $0xFFF  }
0x1a8: {  	v41 =	vld.idx.msk [tilespmem:v41+s15+$0x0], $0xffff;
	v39 =	vadd.s32 $0x1, v1  }
0x1a9: {  	v48 =	vor.u32 $0x7, v33;
	v42 =	vld.idx.msk [tilespmem:v42+s15+$0x0], $0xffff  }
0x1aa: {  	v45 =	vor.u32 $0x2, v33;
	v44 =	vld.idx.msk [tilespmem:v44+s15+$0x0], $0xffff  }
0x1ab: {  	v46 =	vor.u32 $0x6, v33;
	v47 =	vld.idx.msk [tilespmem:v47+s15+$0x0], $0xffff  }
0x1ac: {  	v51 =	vor.u32 $0xA, v33;
	v43 =	vld.idx.msk [tilespmem:v1+s12+$0x0], $0xffff  }
0x1ad: {  	v53 =	vor.u32 $0xD, v33;
	v39 =	vld.idx.msk [tilespmem:v39+s12+$0x0], $0xffff  }
0x1ae: {  	v38 =	vor.u32 $0x15, v33;
	v50 =	vor.u32 $0x9, v33;
	v61 =	vor.u32 $0x10, v33;
	v48 =	vld.idx.msk [tilespmem:v48+s15+$0x0], $0xffff  }
0x1af: {  	v52 =	vor.u32 $0xC, v33;
	v63 =	vor.u32 $0xB, v33;
	v54 =	vor.u32 $0xE, v33;
	v45 =	vld.idx.msk [tilespmem:v45+s15+$0x0], $0xffff  }
0x1b0: {  	v57 =	vor.u32 $0x17, v33;
	v58 =	vor.u32 $0x1A, v33;
	v46 =	vld.idx.msk [tilespmem:v46+s15+$0x0], $0xffff;
	v1 =	vcvt.s32.f32 v1  }
0x1b1: {  	v34 =	vmul.f32 v34, v18;
	v60 =	vor.u32 $0xF, v33;
	v51 =	vld.idx.msk [tilespmem:v51+s15+$0x0], $0xffff;
	v42 =	vmul.f32 v42, v22  }
0x1b2: {  	v53 =	vld.idx.msk [tilespmem:v53+s15+$0x0], $0xffff;
	v44 =	vmul.f32 v44, v55;
	v0 =	vsub.f32 v0, v1;
	v1 =	vsub.f32 v39, v43  }
0x1b3: {  	v47 =	vmul.f32 v47, v15;
	v48 =	vmul.f32 v48, v17;
	v39 =	vld.idx.msk [tilespmem:v61+s15+$0x0], $0xffff;
	v61 =	vor.u32 $0x12, v33  }
0x1b4: {  	v45 =	vmul.f32 v45, v59;
	v42 =	vadd.f32 v44, v42;
	v44 =	vld.idx.msk [tilespmem:v52+s15+$0x0], $0xffff;
	v0 =	vmul.f32 v0, v1  }
0x1b5: {  	v46 =	vmul.f32 v46, v20;
	v47 =	vadd.f32 v48, v47;
	v48 =	vld.idx.msk [tilespmem:v54+s15+$0x0], $0xffff;
	v1 =	vor.u32 $0x11, v33  }
0x1b6: {  	v0 =	vadd.f32 v0, v43;
	v43 =	vmul.f32 v49, v62;
	v49 =	vld.idx.msk [tilespmem:v50+s15+$0x0], $0xffff;
	v62 =	vor.u32 $0x13, v33  }
0x1b7: {  	v36 =	vmul.f32 v36, v19;
	v35 =	vmul.f32 v35, v21;
	v50 =	vld.idx.msk [tilespmem:v63+s15+$0x0], $0xffff;
	v63 =	vor.u32 $0x16, v33  }
0x1b8: {  	v40 =	vmul.f32 v40, v25;
	v51 =	vmul.f32 v51, v16;
	v45 =	vadd.f32 v46, v45;
	v52 =	vld.idx.msk [tilespmem:v61+s15+$0x0], $0xffff  }
0x1b9: {  	v41 =	vmul.f32 v41, v23;
	v37 =	vmul.f32 v37, v31;
	v0 =	vadd.f32 v0, v43;
	v43 =	vld.idx.msk [tilespmem:v60+s15+$0x0], $0xffff  }
0x1ba: {  	v53 =	vmul.f32 v53, v26;
	v45 =	vadd.f32 v51, v45;
	v48 =	vmul.f32 v48, v13;
	v1 =	vld.idx.msk [tilespmem:v1+s15+$0x0], $0xffff  }
0x1bb: {  	v44 =	vmul.f32 v44, v27;
	v60 =	vor.u32 $0x1B, v33;
	v0 =	vadd.f32 v0, v41;
	v46 =	vld.idx.msk [tilespmem:v62+s15+$0x0], $0xffff  }
0x1bc: {  	v45 =	vadd.f32 v48, v45;
	v61 =	vor.u32 $0x1E, v33;
	v49 =	vmul.f32 v49, v24;
	v41 =	vld.idx.msk [tilespmem:v63+s15+$0x0], $0xffff  }
0x1bd: {  	v38 =	vld.idx.msk [tilespmem:v38+s15+$0x0], $0xffff;
	v50 =	vmul.f32 v50, v14;
	v62 =	vor.u32 $0x1F, v33;
	v0 =	vadd.f32 v40, v0  }
0x1be: {  	v39 =	vmul.f32 v39, v28;
	v63 =	vld.idx.msk [tilespmem:v57+s15+$0x0], $0xffff;
	v54 =	vmul.f32 v52, v11;
	v42 =	vadd.f32 v49, v42  }
0x1bf: {  	v47 =	vadd.f32 v50, v47;
	v49 =	vld.idx.msk [tilespmem:v58+s15+$0x0], $0xffff;
	v43 =	vmul.f32 v43, v12;
	v0 =	vadd.f32 v44, v0  }
0x1c0: {  	v51 =	vld.idx.msk [tilespmem:v60+s15+$0x0], $0xffff;
	v1 =	vmul.f32 v1, v29;
	v56 =	vadd.f32 v54, v45;
	v42 =	vadd.f32 v53, v42  }
0x1c1: {  	v40 =	vld.idx.msk [tilespmem:v61+s15+$0x0], $0xffff;
	v43 =	vadd.f32 v43, v47;
	v55 =	vmul.f32 v46, v10;
	v41 =	vmul.f32 v41, v9  }
0x1c2: {  	v38 =	vmul.f32 v38, v30;
	v33 =	vld.idx.msk [tilespmem:v62+s15+$0x0], $0xffff;
	v0 =	vadd.f32 v39, v0;
	v1 =	vadd.f32 v1, v42  }
0x1c3: {  	v58 =	vmul.f32 v63, v7;
	v57 =	vadd.f32 v55, v43;
	v60 =	vadd.f32 v41, v56  }
0x1c4: {  	v2 =	vmul.f32 v2, v32;
	v0 =	vadd.f32 v37, v0;
	v1 =	vadd.f32 v38, v1  }
0x1c5: {  	v61 =	vmul.f32 v49, v8;
	v63 =	vmul.f32 v51, v5;
	v62 =	vadd.f32 v58, v57  }
0x1c6: {  	v41 =	vmul.f32 v40, v6;
	v0 =	vadd.f32 v36, v0;
	v1 =	vadd.f32 v2, v1  }
0x1c7: {  	v2 =	vadd.f32 v61, v60;
	v33 =	vmul.f32 v33, v4;
	v42 =	vadd.f32 v63, v62  }
0x1c8: {  	v0 =	vadd.f32 v34, v0;
	v1 =	vadd.f32 v35, v1  }
0x1c9: {  	v2 =	vadd.f32 v41, v2;
	v33 =	vadd.f32 v33, v42;
	_ =	sdelay $0x1  }
0x1ca: {  	v0 =	vadd.f32 v1, v0;
	v1 =	vadd.f32 v33, v2;
	_ =	sdelay $0x1  }
0x1cb: {  	v0 =	vadd.f32 v1, v0;
	_ =	sdelay $0x1  }
0x1cc: {  	v0 =	vsub.f32 $0.0e+00, v0;
	_ =	sdelay $0x1  }
0x1cd: {  	v0 =	vmul.f32 $1.442695020e+00, v0;
	_ =	sdelay $0x1  }
0x1ce: {  	(erf) = vpow2.f32 v0;
	_ =	sdelay $0x8  }
0x1cf: {  	v0 =	vpop (erf)  }
0x1d0: {  	v0 =	vadd.f32 $1.000000000e+00, v0;
	_ =	sdelay $0x1  }
0x1d1: {  	(erf) = vrcp.f32 v0;
	_ =	sdelay $0x6  }
0x1d2: {  	s30 =	simm.s32 $0x0  }
0x1d3: {  	v1 =	vmov s30  }
0x1d4: {  	s23 =	sadd.s32 $0x10, s23;
	v1 =	vshll.u32 v1, $0x5;
	v0 =	vpop (erf)  }
0x1d5: {  	v1 =	vor.u32 v3, v1;
	[tilespmem:s23+$0x0] =	vst v0  }
0x1d6: {  	v2 =	vor.u32 $0x1C, v1;
	[tilespmem:s15], [sflag:$0x2] =	stream.indirect.gather [hbm4b:s3+s13], $0x20, s19, s13, $0xb8;
	[tilespmem:$0x14E80] =	vst v63  }
0x1d7: {  	v43 =	vor.u32 $0x1D, v1;
	_ =	swait.ge [sflag:s16], $0x8000  }
0x1d8: {  	v45 =	vor.u32 $0x19, v1;
	[sflag:s16] =	ssyncset.done $0x0  }
0x1d9: {  	s29 =	simm.s32 $0x11C00;
	v46 =	vor.u32 $0x14, v1;
	[sflag:s16] =	ssyncadd.s32 $0xFFFF8000  }
0x1da: {  	v47 =	vor.u32 $0x10, v1;
	v0 =	vld [tilespmem:s29+$0x0]  }
0x1db: {  	v48 =	vor.u32 $0x11, v1;
	v2 =	vld.idx.msk [tilespmem:v2+s14+$0x0], $0xffff  }
0x1dc: {  	v50 =	vor.u32 $0x1, v1;
	v33 =	vld.idx.msk [tilespmem:v43+s14+$0x0], $0xffff  }
0x1dd: {  	v51 =	vor.u32 $0x5, v1;
	v35 =	vld.idx.msk [tilespmem:v45+s14+$0x0], $0xffff  }
0x1de: {  	v52 =	vor.u32 $0x2, v1;
	v36 =	vld.idx.msk [tilespmem:v46+s14+$0x0], $0xffff  }
0x1df: {  	v37 =	vld.idx.msk [tilespmem:v47+s14+$0x0], $0xffff  }
0x1e0: {  	v54 =	vor.u32 $0x4, v1;
	v38 =	vld.idx.msk [tilespmem:v48+s14+$0x0], $0xffff  }
0x1e1: {  	v55 =	vor.u32 $0x3, v1;
	v40 =	vld.idx.msk [tilespmem:v50+s14+$0x0], $0xffff  }
0x1e2: {  	v60 =	vor.u32 $0x7, v1;
	v41 =	vld.idx.msk [tilespmem:v51+s14+$0x0], $0xffff  }
0x1e3: {  	v61 =	vor.u32 $0x9, v1;
	v42 =	vld.idx.msk [tilespmem:v52+s14+$0x0], $0xffff  }
0x1e4: {  	v62 =	vld.idx.msk [tilespmem:v1+s14+$0x0], $0xffff  }
0x1e5: {  	v45 =	vld.idx.msk [tilespmem:v54+s14+$0x0], $0xffff  }
0x1e6: {  	v63 =	vor.u32 $0xA, v1;
	v46 =	vld.idx.msk [tilespmem:v55+s14+$0x0], $0xffff  }
0x1e7: {  	v58 =	vor.u32 $0xB, v1;
	v47 =	vld.idx.msk [tilespmem:v60+s14+$0x0], $0xffff  }
0x1e8: {  	v48 =	vld.idx.msk [tilespmem:v61+s14+$0x0], $0xffff  }
0x1e9: {  	v60 =	vld [tilespmem:$0x1FFA0];
	v0 =	vmul.f32 $4.096000000e+03, v0  }
0x1ea: {  	v61 =	vld [tilespmem:$0x1FFB0]  }
0x1eb: {  	v53 =	vor.u32 $0x6, v1;
	v50 =	vld.idx.msk [tilespmem:v63+s14+$0x0], $0xffff;
	v44 =	vtrunc.f32 v0  }
0x1ec: {  	v51 =	vld.idx.msk [tilespmem:v58+s14+$0x0], $0xffff;
	v34 =	vcvt.f32.s32 v44  }
0x1ed: {  	v52 =	vor.u32 $0xE, v1;
	v54 =	vld [tilespmem:$0x1FEB0]  }
0x1ee: {  	v55 =	vld [tilespmem:$0x1FEC0];
	vm15 =	vgt.s32 v34, $0x0  }
0x1ef: {  	v42 =	vmul.f32 v42, v59;
	v59 =	vld [tilespmem:$0x1FEF0];
	v34 =	vnsel vm15, $0x0, v34  }
0x1f0: {  	v44 =	vld.idx.msk [tilespmem:v53+s14+$0x0], $0xffff;
	v34 =	vmin.u32 v34, $0xFFF  }
0x1f1: {  	v40 =	vmul.f32 v40, v22;
	v41 =	vmul.f32 v41, v61;
	v53 =	vld [tilespmem:$0x1FEA0];
	v49 =	vadd.s32 $0x1, v34  }
0x1f2: {  	v52 =	vld.idx.msk [tilespmem:v52+s14+$0x0], $0xffff  }
0x1f3: {  	v61 =	vld [tilespmem:$0x1FEE0];
	v40 =	vadd.f32 v41, v40;
	v41 =	vor.u32 $0x12, v1  }
0x1f4: {  	v47 =	vmul.f32 v47, v54;
	v54 =	vld [tilespmem:$0x1FF60]  }
0x1f5: {  	v43 =	vld.idx.msk [tilespmem:v34+s12+$0x0], $0xffff;
	v34 =	vcvt.s32.f32 v34  }
0x1f6: {  	v57 =	vor.u32 $0x8, v1;
	v38 =	vmul.f32 v38, v59;
	v46 =	vmul.f32 v46, v53;
	v39 =	vld.idx.msk [tilespmem:v49+s12+$0x0], $0xffff  }
0x1f7: {  	v59 =	vld [tilespmem:$0x1FFD0];
	v44 =	vmul.f32 v44, v20;
	v0 =	vsub.f32 v0, v34;
	v34 =	vor.u32 $0xD, v1  }
0x1f8: {  	v51 =	vmul.f32 v51, v14;
	v41 =	vld.idx.msk [tilespmem:v41+s14+$0x0], $0xffff;
	v46 =	vadd.f32 v47, v46  }
0x1f9: {  	v53 =	vld [tilespmem:$0x1FF50];
	v42 =	vadd.f32 v44, v42;
	v44 =	vor.u32 $0x13, v1  }
0x1fa: {  	v47 =	vor.u32 $0x16, v1;
	v46 =	vadd.f32 v51, v46;
	v51 =	vld [tilespmem:$0x1FF30]  }
0x1fb: {  	v56 =	vsub.f32 v39, v43;
	v39 =	vld.idx.msk [tilespmem:v57+s14+$0x0], $0xffff  }
0x1fc: {  	v34 =	vld.idx.msk [tilespmem:v34+s14+$0x0], $0xffff  }
0x1fd: {  	v63 =	vor.u32 $0xF, v1;
	v48 =	vmul.f32 v48, v55;
	v57 =	vld [tilespmem:$0x1FE90]  }
0x1fe: {  	v58 =	vor.u32 $0x1E, v1;
	v44 =	vld.idx.msk [tilespmem:v44+s14+$0x0], $0xffff;
	v0 =	vmul.f32 v0, v56  }
0x1ff: {  	v40 =	vadd.f32 v48, v40;
	v47 =	vld.idx.msk [tilespmem:v47+s14+$0x0], $0xffff  }
0x200: {  	v0 =	vadd.f32 v0, v43;
	v43 =	vmul.f32 v62, v60;
	v62 =	vor.u32 $0xC, v1;
	v60 =	vld [tilespmem:$0x1FED0]  }
0x201: {  	v56 =	vor.u32 $0x18, v1;
	v39 =	vmul.f32 v39, v61;
	v61 =	vld [tilespmem:$0x1FF00];
	v34 =	vmul.f32 v34, v26  }
0x202: {  	v45 =	vmul.f32 v45, v57;
	v0 =	vadd.f32 v0, v43;
	v43 =	vld.idx.msk [tilespmem:v63+s14+$0x0], $0xffff  }
0x203: {  	v63 =	vor.u32 $0x1A, v1;
	v34 =	vadd.f32 v34, v40;
	v40 =	vld.idx.msk [tilespmem:v58+s14+$0x0], $0xffff  }
0x204: {  	v0 =	vadd.f32 v0, v45;
	v58 =	vld [tilespmem:$0x1FF80]  }
0x205: {  	v49 =	vld.idx.msk [tilespmem:v62+s14+$0x0], $0xffff  }
0x206: {  	v45 =	vor.u32 $0x15, v1;
	v0 =	vadd.f32 v39, v0;
	v39 =	vld.idx.msk [tilespmem:v56+s14+$0x0], $0xffff  }
0x207: {  	v56 =	vld [tilespmem:$0x1FF70]  }
0x208: {  	v50 =	vmul.f32 v50, v60;
	v60 =	vld.idx.msk [tilespmem:v63+s14+$0x0], $0xffff  }
0x209: {  	v62 =	vor.u32 $0x17, v1;
	v63 =	vld [tilespmem:$0x1FF10]  }
0x20a: {  	v57 =	vor.u32 $0x1B, v1;
	v1 =	vor.u32 $0x1F, v1;
	v42 =	vadd.f32 v50, v42;
	v50 =	vld [tilespmem:$0x1FF20]  }
0x20b: {  	v52 =	vmul.f32 v52, v13;
	v43 =	vmul.f32 v43, v12;
	v45 =	vld.idx.msk [tilespmem:v45+s14+$0x0], $0xffff  }
0x20c: {  	v41 =	vmul.f32 v41, v11;
	v37 =	vmul.f32 v37, v61;
	v61 =	vld [tilespmem:$0x1FFE0]  }
0x20d: {  	v44 =	vmul.f32 v44, v10;
	v42 =	vadd.f32 v52, v42;
	v43 =	vadd.f32 v43, v46;
	v52 =	vld [tilespmem:$0x1FF40]  }
0x20e: {  	v49 =	vmul.f32 v49, v27;
	v48 =	vld.idx.msk [tilespmem:v62+s14+$0x0], $0xffff  }
0x20f: {  	v1 =	vld.idx.msk [tilespmem:v1+s14+$0x0], $0xffff;
	v62 =	vadd.f32 v41, v42;
	v46 =	vadd.f32 v44, v43;
	v43 =	vmul.f32 v47, v50  }
0x210: {  	v0 =	vadd.f32 v49, v0;
	v41 =	vmul.f32 v45, v63;
	v45 =	vld.idx.msk [tilespmem:v57+s14+$0x0], $0xffff  }
0x211: {  	v34 =	vadd.f32 v38, v34;
	v38 =	vadd.f32 v43, v62;
	v43 =	vmul.f32 v60, v54;
	v60 =	vld [tilespmem:$0x1FF90]  }
0x212: {  	v36 =	vmul.f32 v36, v51;
	v0 =	vadd.f32 v37, v0;
	v62 =	vld [tilespmem:$0x1FFF0]  }
0x213: {  	v33 =	vmul.f32 v33, v59;
	v34 =	vadd.f32 v41, v34;
	v41 =	vmul.f32 v48, v52  }
0x214: {  	v35 =	vmul.f32 v35, v53;
	v37 =	vmul.f32 v39, v56;
	v0 =	vadd.f32 v36, v0  }
0x215: {  	v57 =	vadd.f32 v43, v38;
	v55 =	vadd.f32 v41, v46;
	v38 =	vmul.f32 v45, v58  }
0x216: {  	v2 =	vmul.f32 v2, v61;
	v34 =	vadd.f32 v35, v34;
	v0 =	vadd.f32 v37, v0  }
0x217: {  	v37 =	vmul.f32 v40, v60;
	v1 =	vmul.f32 v1, v62;
	v36 =	vadd.f32 v38, v55  }
0x218: {  	v33 =	vadd.f32 v33, v34;
	v0 =	vadd.f32 v2, v0  }
0x219: {  	v63 =	vadd.f32 v37, v57;
	v1 =	vadd.f32 v1, v36;
	_ =	sdelay $0x1  }
0x21a: {  	v0 =	vadd.f32 v33, v0;
	v1 =	vadd.f32 v1, v63;
	_ =	sdelay $0x1  }
0x21b: {  	v0 =	vadd.f32 v1, v0;
	_ =	sdelay $0x1  }
0x21c: {  	v0 =	vsub.f32 $0.0e+00, v0;
	_ =	sdelay $0x1  }
0x21d: {  	v0 =	vmul.f32 $1.442695020e+00, v0;
	_ =	sdelay $0x1  }
0x21e: {  	(erf) = vpow2.f32 v0;
	_ =	sdelay $0x8  }
0x21f: {  	v0 =	vpop (erf)  }
0x220: {  	v0 =	vadd.f32 $1.000000000e+00, v0;
	_ =	sdelay $0x1  }
0x221: {  	(erf) = vrcp.f32 v0;
	_ =	sdelay $0x6  }
0x222: {  	s31 =	simm.s32 $0x10  }
0x223: {  	v0 =	vmov s31  }
0x224: {  	s23 =	simm.s32 $0x13000;
	v0 =	vshll.u32 v0, $0x5;
	v1 =	vpop (erf)  }
0x225: {  	s24 =	simm.s32 $0x11C10;
	v33 =	vor.u32 v3, v0;
	[tilespmem:s23+$0x0] =	vst v1  }
0x226: {  	s25 =	simm.s32 $0x20;
	v34 =	vor.u32 $0x1C, v33;
	v35 =	vor.u32 $0x1D, v33;
	v36 =	vor.u32 $0x18, v33;
	v37 =	vld [tilespmem:s24+$0x0]  }
.LBB2_6:
0x227: {  	_ =	sdelay $0x3  }
0x228: {  	v37 =	vmul.f32 $4.096000000e+03, v37;
	_ =	sdelay $0x1  }
0x229: {  	v41 =	vtrunc.f32 v37  }
0x22a: {  	v41 =	vcvt.f32.s32 v41;
	_ =	sdelay $0x1  }
0x22b: {  	vm0 =	vgt.s32 v41, $0x0  }
0x22c: {  	v0 =	vor.u32 $0x19, v33;
	v41 =	vnsel vm0, $0x0, v41  }
0x22d: {  	v34 =	vld.idx.msk [tilespmem:v34+s14+$0x0], $0xffff;
	v41 =	vmin.u32 v41, $0xFFF  }
0x22e: {  	v35 =	vld.idx.msk [tilespmem:v35+s14+$0x0], $0xffff;
	v47 =	vadd.s32 $0x1, v41  }
0x22f: {  	v1 =	vor.u32 $0x14, v33;
	v36 =	vld.idx.msk [tilespmem:v36+s14+$0x0], $0xffff  }
0x230: {  	v2 =	vor.u32 $0x15, v33;
	v60 =	vld.idx.msk [tilespmem:v33+s14+$0x0], $0xffff  }
0x231: {  	v38 =	vor.u32 $0x10, v33;
	v0 =	vld.idx.msk [tilespmem:v0+s14+$0x0], $0xffff  }
0x232: {  	v39 =	vor.u32 $0x11, v33;
	v51 =	vld.idx.msk [tilespmem:v41+s12+$0x0], $0xffff  }
0x233: {  	v40 =	vor.u32 $0xC, v33;
	v47 =	vld.idx.msk [tilespmem:v47+s12+$0x0], $0xffff  }
0x234: {  	v42 =	vor.u32 $0xD, v33;
	v1 =	vld.idx.msk [tilespmem:v1+s14+$0x0], $0xffff  }
0x235: {  	v43 =	vor.u32 $0x8, v33;
	v2 =	vld.idx.msk [tilespmem:v2+s14+$0x0], $0xffff  }
0x236: {  	v44 =	vor.u32 $0x9, v33;
	v38 =	vld.idx.msk [tilespmem:v38+s14+$0x0], $0xffff;
	v41 =	vcvt.s32.f32 v41  }
0x237: {  	v39 =	vld.idx.msk [tilespmem:v39+s14+$0x0], $0xffff  }
0x238: {  	v45 =	vor.u32 $0x4, v33;
	v40 =	vld.idx.msk [tilespmem:v40+s14+$0x0], $0xffff;
	v37 =	vsub.f32 v37, v41;
	v63 =	vsub.f32 v47, v51  }
0x239: {  	v46 =	vor.u32 $0x1, v33;
	v42 =	vld.idx.msk [tilespmem:v42+s14+$0x0], $0xffff  }
0x23a: {  	v48 =	vor.u32 $0x5, v33;
	v43 =	vld.idx.msk [tilespmem:v43+s14+$0x0], $0xffff;
	v37 =	vmul.f32 v37, v63  }
0x23b: {  	v49 =	vor.u32 $0x2, v33;
	v44 =	vld.idx.msk [tilespmem:v44+s14+$0x0], $0xffff  }
0x23c: {  	v37 =	vadd.f32 v37, v51;
	v51 =	vld [tilespmem:$0x1FFA0]  }
0x23d: {  	v50 =	vor.u32 $0x6, v33;
	v45 =	vld.idx.msk [tilespmem:v45+s14+$0x0], $0xffff  }
0x23e: {  	v53 =	vor.u32 $0x3, v33;
	v46 =	vld.idx.msk [tilespmem:v46+s14+$0x0], $0xffff  }
0x23f: {  	v59 =	vor.u32 $0xB, v33;
	v48 =	vld.idx.msk [tilespmem:v48+s14+$0x0], $0xffff  }
0x240: {  	v56 =	vor.u32 $0x7, v33;
	v49 =	vld.idx.msk [tilespmem:v49+s14+$0x0], $0xffff  }
0x241: {  	v62 =	vor.u32 $0xF, v33;
	v51 =	vmul.f32 v60, v51;
	v60 =	vld [tilespmem:$0x1FFB0]  }
0x242: {  	v52 =	vor.u32 $0x1E, v33;
	v50 =	vld.idx.msk [tilespmem:v50+s14+$0x0], $0xffff  }
0x243: {  	v58 =	vor.u32 $0xA, v33;
	v34 =	vmul.f32 v34, v18;
	v36 =	vmul.f32 v36, v19;
	v53 =	vld.idx.msk [tilespmem:v53+s14+$0x0], $0xffff  }
0x244: {  	v54 =	vor.u32 $0x1A, v33;
	v35 =	vmul.f32 v35, v21;
	v41 =	vmul.f32 v44, v24;
	v44 =	vld.idx.msk [tilespmem:v59+s14+$0x0], $0xffff  }
0x245: {  	v61 =	vor.u32 $0xE, v33;
	v1 =	vmul.f32 v1, v31;
	v0 =	vmul.f32 v0, v32;
	v47 =	vld.idx.msk [tilespmem:v56+s14+$0x0], $0xffff  }
0x246: {  	v55 =	vor.u32 $0x1F, v33;
	v2 =	vmul.f32 v2, v30;
	v48 =	vmul.f32 v48, v60;
	v60 =	vld.idx.msk [tilespmem:v62+s14+$0x0], $0xffff  }
0x247: {  	v57 =	vor.u32 $0x12, v33;
	v38 =	vmul.f32 v38, v28;
	v39 =	vmul.f32 v39, v29;
	v62 =	vld [tilespmem:$0x1FFC0]  }
0x248: {  	v40 =	vmul.f32 v40, v27;
	v43 =	vmul.f32 v43, v25;
	v56 =	vld.idx.msk [tilespmem:v58+s14+$0x0], $0xffff;
	v58 =	vor.u32 $0x13, v33  }
0x249: {  	v42 =	vmul.f32 v42, v26;
	v46 =	vmul.f32 v46, v22;
	v63 =	vor.u32 $0x17, v33  }
0x24a: {  	v61 =	vld.idx.msk [tilespmem:v61+s14+$0x0], $0xffff;
	v45 =	vmul.f32 v45, v23;
	v50 =	vmul.f32 v50, v20;
	v59 =	vor.u32 $0x16, v33  }
0x24b: {  	v33 =	vor.u32 $0x1B, v33;
	v47 =	vmul.f32 v47, v17;
	v37 =	vadd.f32 v37, v51  }
0x24c: {  	v57 =	vld.idx.msk [tilespmem:v57+s14+$0x0], $0xffff;
	v51 =	vmul.f32 v53, v15;
	v49 =	vmul.f32 v49, v62  }
0x24d: {  	v44 =	vmul.f32 v44, v14;
	v53 =	vld.idx.msk [tilespmem:v58+s14+$0x0], $0xffff;
	v37 =	vadd.f32 v37, v45;
	v46 =	vadd.f32 v48, v46  }
0x24e: {  	v62 =	vmul.f32 v56, v16;
	v56 =	vadd.f32 v47, v51;
	v47 =	vld.idx.msk [tilespmem:v63+s14+$0x0], $0xffff;
	v58 =	vadd.f32 v50, v49  }
0x24f: {  	v37 =	vadd.f32 v43, v37;
	v41 =	vadd.f32 v41, v46;
	v50 =	vld.idx.msk [tilespmem:v59+s14+$0x0], $0xffff;
	v59 =	vmul.f32 v61, v13  }
0x250: {  	v33 =	vld.idx.msk [tilespmem:v33+s14+$0x0], $0xffff;
	v61 =	vadd.f32 v44, v56;
	v58 =	vadd.f32 v62, v58;
	v62 =	vmul.f32 v60, v12  }
0x251: {  	v48 =	vmul.f32 v57, v11;
	v37 =	vadd.f32 v40, v37;
	v41 =	vadd.f32 v42, v41;
	v49 =	vld.idx.msk [tilespmem:v54+s14+$0x0], $0xffff  }
0x252: {  	v53 =	vmul.f32 v53, v10;
	v51 =	vld.idx.msk [tilespmem:v52+s14+$0x0], $0xffff;
	v63 =	vadd.f32 v59, v58;
	v52 =	vadd.f32 v62, v61  }
0x253: {  	v37 =	vadd.f32 v38, v37;
	v54 =	vld.idx.msk [tilespmem:v55+s14+$0x0], $0xffff;
	v39 =	vadd.f32 v39, v41;
	v58 =	vmul.f32 v47, v7  }
0x254: {  	v56 =	vmul.f32 v50, v9;
	v55 =	vadd.f32 v48, v63;
	v57 =	vadd.f32 v53, v52  }
0x255: {  	v33 =	vmul.f32 v33, v5;
	v1 =	vadd.f32 v1, v37;
	v2 =	vadd.f32 v2, v39  }
0x256: {  	v60 =	vmul.f32 v49, v8;
	v59 =	vadd.f32 v56, v55;
	v61 =	vadd.f32 v58, v57  }
0x257: {  	v1 =	vadd.f32 v36, v1;
	v62 =	vmul.f32 v51, v6;
	v0 =	vadd.f32 v0, v2  }
0x258: {  	v63 =	vmul.f32 v54, v4;
	v2 =	vadd.f32 v60, v59;
	v33 =	vadd.f32 v33, v61  }
0x259: {  	v1 =	vadd.f32 v34, v1;
	v0 =	vadd.f32 v35, v0  }
0x25a: {  	v2 =	vadd.f32 v62, v2;
	v33 =	vadd.f32 v63, v33;
	_ =	sdelay $0x1  }
0x25b: {  	v0 =	vadd.f32 v0, v1;
	v1 =	vadd.f32 v33, v2;
	_ =	sdelay $0x1  }
0x25c: {  	v0 =	vadd.f32 v1, v0;
	_ =	sdelay $0x1  }
0x25d: {  	v0 =	vsub.f32 $0.0e+00, v0;
	_ =	sdelay $0x1  }
0x25e: {  	v0 =	vmul.f32 $1.442695020e+00, v0;
	_ =	sdelay $0x1  }
0x25f: {  	(erf) = vpow2.f32 v0;
	_ =	sdelay $0x8  }
0x260: {  	v0 =	vpop (erf)  }
0x261: {  	v0 =	vadd.f32 $1.000000000e+00, v0;
	_ =	sdelay $0x1  }
0x262: {  	(erf) = vrcp.f32 v0;
	_ =	sdelay $0x5  }
0x263: {  	p0 =	sne.s32 s25, $0x3F0;
	v0 =	vmov s25  }
.Ltmp2:
0x264: {  	_ = 	snop;
	(pc) =	sbr.rel @p0 .LBB2_6-.Ltmp2, $4  }
0x265: {  	_ = 	snop  }
0x266: {  	s23 =	sadd.s32 $0x10, s23;
	v1 =	vshll.u32 v0, $0x5;
	v0 =	vpop (erf)  }
0x267: {  	s24 =	sadd.s32 $0x10, s24;
	v33 =	vor.u32 v3, v1;
	[tilespmem:s23+$0x0] =	vst v0  }
0x268: {  	s25 =	sadd.s32 $0x10, s25;
	v34 =	vor.u32 $0x1C, v33;
	v35 =	vor.u32 $0x1D, v33;
	v36 =	vor.u32 $0x18, v33;
	v37 =	vld [tilespmem:s24+$0x0]  }
0x269: {  	_ =	sdelay $0x3  }
0x26a: {  	v34 =	vld.idx.msk [tilespmem:v34+s14+$0x0], $0xffff  }
0x26b: {  	v35 =	vld.idx.msk [tilespmem:v35+s14+$0x0], $0xffff  }
0x26c: {  	v2 =	vor.u32 $0x19, v33;
	v36 =	vld.idx.msk [tilespmem:v36+s14+$0x0], $0xffff;
	v0 =	vmul.f32 $4.096000000e+03, v37  }
0x26d: {  	v60 =	vor.u32 $0x14, v33;
	v49 =	vld.idx.msk [tilespmem:v33+s14+$0x0], $0xffff  }
0x26e: {  	v40 =	vor.u32 $0x8, v33;
	v62 =	vld [tilespmem:$0x1FFA0];
	v1 =	vtrunc.f32 v0  }
0x26f: {  	v41 =	vor.u32 $0x4, v33;
	v55 =	vld [tilespmem:$0x1FFB0];
	v1 =	vcvt.f32.s32 v1  }
0x270: {  	v42 =	vor.u32 $0x1, v33;
	v59 =	vld [tilespmem:$0x1FFC0]  }
0x271: {  	v44 =	vor.u32 $0x5, v33;
	v2 =	vld.idx.msk [tilespmem:v2+s14+$0x0], $0xffff;
	vm0 =	vgt.s32 v1, $0x0  }
0x272: {  	v47 =	vor.u32 $0x3, v33;
	v37 =	vld.idx.msk [tilespmem:v60+s14+$0x0], $0xffff;
	v1 =	vnsel vm0, $0x0, v1  }
0x273: {  	v40 =	vld.idx.msk [tilespmem:v40+s14+$0x0], $0xffff;
	v1 =	vmin.u32 v1, $0xFFF  }
0x274: {  	v41 =	vld.idx.msk [tilespmem:v41+s14+$0x0], $0xffff;
	v39 =	vadd.s32 $0x1, v1  }
0x275: {  	v48 =	vor.u32 $0x7, v33;
	v42 =	vld.idx.msk [tilespmem:v42+s14+$0x0], $0xffff  }
0x276: {  	v45 =	vor.u32 $0x2, v33;
	v44 =	vld.idx.msk [tilespmem:v44+s14+$0x0], $0xffff  }
0x277: {  	v46 =	vor.u32 $0x6, v33;
	v47 =	vld.idx.msk [tilespmem:v47+s14+$0x0], $0xffff  }
0x278: {  	v51 =	vor.u32 $0xA, v33;
	v43 =	vld.idx.msk [tilespmem:v1+s12+$0x0], $0xffff  }
0x279: {  	v53 =	vor.u32 $0xD, v33;
	v39 =	vld.idx.msk [tilespmem:v39+s12+$0x0], $0xffff  }
0x27a: {  	v38 =	vor.u32 $0x15, v33;
	v50 =	vor.u32 $0x9, v33;
	v61 =	vor.u32 $0x10, v33;
	v48 =	vld.idx.msk [tilespmem:v48+s14+$0x0], $0xffff  }
0x27b: {  	v52 =	vor.u32 $0xC, v33;
	v63 =	vor.u32 $0xB, v33;
	v54 =	vor.u32 $0xE, v33;
	v45 =	vld.idx.msk [tilespmem:v45+s14+$0x0], $0xffff  }
0x27c: {  	v57 =	vor.u32 $0x17, v33;
	v58 =	vor.u32 $0x1A, v33;
	v46 =	vld.idx.msk [tilespmem:v46+s14+$0x0], $0xffff;
	v1 =	vcvt.s32.f32 v1  }
0x27d: {  	v34 =	vmul.f32 v34, v18;
	v60 =	vor.u32 $0xF, v33;
	v51 =	vld.idx.msk [tilespmem:v51+s14+$0x0], $0xffff;
	v42 =	vmul.f32 v42, v22  }
0x27e: {  	v53 =	vld.idx.msk [tilespmem:v53+s14+$0x0], $0xffff;
	v44 =	vmul.f32 v44, v55;
	v0 =	vsub.f32 v0, v1;
	v1 =	vsub.f32 v39, v43  }
0x27f: {  	v47 =	vmul.f32 v47, v15;
	v48 =	vmul.f32 v48, v17;
	v39 =	vld.idx.msk [tilespmem:v61+s14+$0x0], $0xffff;
	v61 =	vor.u32 $0x12, v33  }
0x280: {  	v45 =	vmul.f32 v45, v59;
	v42 =	vadd.f32 v44, v42;
	v44 =	vld.idx.msk [tilespmem:v52+s14+$0x0], $0xffff;
	v0 =	vmul.f32 v0, v1  }
0x281: {  	v46 =	vmul.f32 v46, v20;
	v47 =	vadd.f32 v48, v47;
	v48 =	vld.idx.msk [tilespmem:v54+s14+$0x0], $0xffff;
	v1 =	vor.u32 $0x11, v33  }
0x282: {  	v0 =	vadd.f32 v0, v43;
	v43 =	vmul.f32 v49, v62;
	v49 =	vld.idx.msk [tilespmem:v50+s14+$0x0], $0xffff;
	v62 =	vor.u32 $0x13, v33  }
0x283: {  	v36 =	vmul.f32 v36, v19;
	v35 =	vmul.f32 v35, v21;
	v50 =	vld.idx.msk [tilespmem:v63+s14+$0x0], $0xffff;
	v63 =	vor.u32 $0x16, v33  }
0x284: {  	v40 =	vmul.f32 v40, v25;
	v51 =	vmul.f32 v51, v16;
	v45 =	vadd.f32 v46, v45;
	v52 =	vld.idx.msk [tilespmem:v61+s14+$0x0], $0xffff  }
0x285: {  	v41 =	vmul.f32 v41, v23;
	v37 =	vmul.f32 v37, v31;
	v0 =	vadd.f32 v0, v43;
	v43 =	vld.idx.msk [tilespmem:v60+s14+$0x0], $0xffff  }
0x286: {  	v53 =	vmul.f32 v53, v26;
	v45 =	vadd.f32 v51, v45;
	v48 =	vmul.f32 v48, v13;
	v1 =	vld.idx.msk [tilespmem:v1+s14+$0x0], $0xffff  }
0x287: {  	v44 =	vmul.f32 v44, v27;
	v60 =	vor.u32 $0x1B, v33;
	v0 =	vadd.f32 v0, v41;
	v46 =	vld.idx.msk [tilespmem:v62+s14+$0x0], $0xffff  }
0x288: {  	v45 =	vadd.f32 v48, v45;
	v61 =	vor.u32 $0x1E, v33;
	v49 =	vmul.f32 v49, v24;
	v41 =	vld.idx.msk [tilespmem:v63+s14+$0x0], $0xffff  }
0x289: {  	v38 =	vld.idx.msk [tilespmem:v38+s14+$0x0], $0xffff;
	v50 =	vmul.f32 v50, v14;
	v62 =	vor.u32 $0x1F, v33;
	v0 =	vadd.f32 v40, v0  }
0x28a: {  	v39 =	vmul.f32 v39, v28;
	v63 =	vld.idx.msk [tilespmem:v57+s14+$0x0], $0xffff;
	v54 =	vmul.f32 v52, v11;
	v42 =	vadd.f32 v49, v42  }
0x28b: {  	v47 =	vadd.f32 v50, v47;
	v49 =	vld.idx.msk [tilespmem:v58+s14+$0x0], $0xffff;
	v43 =	vmul.f32 v43, v12;
	v0 =	vadd.f32 v44, v0  }
0x28c: {  	v51 =	vld.idx.msk [tilespmem:v60+s14+$0x0], $0xffff;
	v1 =	vmul.f32 v1, v29;
	v56 =	vadd.f32 v54, v45;
	v42 =	vadd.f32 v53, v42  }
0x28d: {  	v40 =	vld.idx.msk [tilespmem:v61+s14+$0x0], $0xffff;
	v43 =	vadd.f32 v43, v47;
	v55 =	vmul.f32 v46, v10;
	v41 =	vmul.f32 v41, v9  }
0x28e: {  	v38 =	vmul.f32 v38, v30;
	v33 =	vld.idx.msk [tilespmem:v62+s14+$0x0], $0xffff;
	v0 =	vadd.f32 v39, v0;
	v1 =	vadd.f32 v1, v42  }
0x28f: {  	v58 =	vmul.f32 v63, v7;
	v57 =	vadd.f32 v55, v43;
	v60 =	vadd.f32 v41, v56  }
0x290: {  	v2 =	vmul.f32 v2, v32;
	v0 =	vadd.f32 v37, v0;
	v1 =	vadd.f32 v38, v1  }
0x291: {  	v61 =	vmul.f32 v49, v8;
	v63 =	vmul.f32 v51, v5;
	v62 =	vadd.f32 v58, v57  }
0x292: {  	v41 =	vmul.f32 v40, v6;
	v0 =	vadd.f32 v36, v0;
	v1 =	vadd.f32 v2, v1  }
0x293: {  	v2 =	vadd.f32 v61, v60;
	v33 =	vmul.f32 v33, v4;
	v42 =	vadd.f32 v63, v62  }
0x294: {  	v0 =	vadd.f32 v34, v0;
	v1 =	vadd.f32 v35, v1  }
0x295: {  	v2 =	vadd.f32 v41, v2;
	v33 =	vadd.f32 v33, v42;
	_ =	sdelay $0x1  }
0x296: {  	v0 =	vadd.f32 v1, v0;
	v1 =	vadd.f32 v33, v2;
	_ =	sdelay $0x1  }
0x297: {  	v0 =	vadd.f32 v1, v0;
	_ =	sdelay $0x1  }
0x298: {  	v0 =	vsub.f32 $0.0e+00, v0;
	_ =	sdelay $0x1  }
0x299: {  	v0 =	vmul.f32 $1.442695020e+00, v0;
	_ =	sdelay $0x1  }
0x29a: {  	(erf) = vpow2.f32 v0;
	_ =	sdelay $0x8  }
0x29b: {  	v0 =	vpop (erf)  }
0x29c: {  	v0 =	vadd.f32 $1.000000000e+00, v0;
	_ =	sdelay $0x1  }
0x29d: {  	(erf) = vrcp.f32 v0;
	_ =	sdelay $0x6  }
0x29e: {  	s30 =	simm.s32 $0x0  }
0x29f: {  	v1 =	vmov s30  }
0x2a0: {  	s23 =	sadd.s32 $0x10, s23;
	v1 =	vshll.u32 v1, $0x5;
	v0 =	vpop (erf)  }
0x2a1: {  	v1 =	vor.u32 v3, v1;
	[tilespmem:s23+$0x0] =	vst v0  }
0x2a2: {  	v2 =	vor.u32 $0x1C, v1;
	[tilespmem:s14], [sflag:$0x1] =	stream.indirect.gather [hbm4b:s3+s13], $0x20, s20, s13, $0xb8;
	[tilespmem:$0x14E80] =	vst v63  }
0x2a3: {  	v43 =	vor.u32 $0x1D, v1;
	_ =	swait.ge [sflag:s18], $0x8000  }
0x2a4: {  	v45 =	vor.u32 $0x19, v1;
	[sflag:s18] =	ssyncset.done $0x0  }
0x2a5: {  	s29 =	simm.s32 $0x12000;
	v46 =	vor.u32 $0x14, v1;
	[sflag:s18] =	ssyncadd.s32 $0xFFFF8000  }
0x2a6: {  	v47 =	vor.u32 $0x10, v1;
	v0 =	vld [tilespmem:s29+$0x0]  }
0x2a7: {  	v48 =	vor.u32 $0x11, v1;
	v2 =	vld.idx.msk [tilespmem:v2+s15+$0x0], $0xffff  }
0x2a8: {  	v50 =	vor.u32 $0x1, v1;
	v33 =	vld.idx.msk [tilespmem:v43+s15+$0x0], $0xffff  }
0x2a9: {  	v51 =	vor.u32 $0x5, v1;
	v35 =	vld.idx.msk [tilespmem:v45+s15+$0x0], $0xffff  }
0x2aa: {  	v52 =	vor.u32 $0x2, v1;
	v36 =	vld.idx.msk [tilespmem:v46+s15+$0x0], $0xffff  }
0x2ab: {  	v37 =	vld.idx.msk [tilespmem:v47+s15+$0x0], $0xffff  }
0x2ac: {  	v54 =	vor.u32 $0x4, v1;
	v38 =	vld.idx.msk [tilespmem:v48+s15+$0x0], $0xffff  }
0x2ad: {  	v55 =	vor.u32 $0x3, v1;
	v40 =	vld.idx.msk [tilespmem:v50+s15+$0x0], $0xffff  }
0x2ae: {  	v60 =	vor.u32 $0x7, v1;
	v41 =	vld.idx.msk [tilespmem:v51+s15+$0x0], $0xffff  }
0x2af: {  	v61 =	vor.u32 $0x9, v1;
	v42 =	vld.idx.msk [tilespmem:v52+s15+$0x0], $0xffff  }
0x2b0: {  	v62 =	vld.idx.msk [tilespmem:v1+s15+$0x0], $0xffff  }
0x2b1: {  	v45 =	vld.idx.msk [tilespmem:v54+s15+$0x0], $0xffff  }
0x2b2: {  	v63 =	vor.u32 $0xA, v1;
	v46 =	vld.idx.msk [tilespmem:v55+s15+$0x0], $0xffff  }
0x2b3: {  	v58 =	vor.u32 $0xB, v1;
	v47 =	vld.idx.msk [tilespmem:v60+s15+$0x0], $0xffff  }
0x2b4: {  	v48 =	vld.idx.msk [tilespmem:v61+s15+$0x0], $0xffff  }
0x2b5: {  	v60 =	vld [tilespmem:$0x1FFA0];
	v0 =	vmul.f32 $4.096000000e+03, v0  }
0x2b6: {  	v61 =	vld [tilespmem:$0x1FFB0]  }
0x2b7: {  	v53 =	vor.u32 $0x6, v1;
	v50 =	vld.idx.msk [tilespmem:v63+s15+$0x0], $0xffff;
	v44 =	vtrunc.f32 v0  }
0x2b8: {  	v51 =	vld.idx.msk [tilespmem:v58+s15+$0x0], $0xffff;
	v34 =	vcvt.f32.s32 v44  }
0x2b9: {  	v52 =	vor.u32 $0xE, v1;
	v54 =	vld [tilespmem:$0x1FEB0]  }
0x2ba: {  	v55 =	vld [tilespmem:$0x1FEC0];
	vm15 =	vgt.s32 v34, $0x0  }
0x2bb: {  	v42 =	vmul.f32 v42, v59;
	v59 =	vld [tilespmem:$0x1FEF0];
	v34 =	vnsel vm15, $0x0, v34  }
0x2bc: {  	v44 =	vld.idx.msk [tilespmem:v53+s15+$0x0], $0xffff;
	v34 =	vmin.u32 v34, $0xFFF  }
0x2bd: {  	v40 =	vmul.f32 v40, v22;
	v41 =	vmul.f32 v41, v61;
	v53 =	vld [tilespmem:$0x1FEA0];
	v49 =	vadd.s32 $0x1, v34  }
0x2be: {  	v52 =	vld.idx.msk [tilespmem:v52+s15+$0x0], $0xffff  }
0x2bf: {  	v61 =	vld [tilespmem:$0x1FEE0];
	v40 =	vadd.f32 v41, v40;
	v41 =	vor.u32 $0x12, v1  }
0x2c0: {  	v47 =	vmul.f32 v47, v54;
	v54 =	vld [tilespmem:$0x1FF60]  }
0x2c1: {  	v43 =	vld.idx.msk [tilespmem:v34+s12+$0x0], $0xffff;
	v34 =	vcvt.s32.f32 v34  }
0x2c2: {  	v57 =	vor.u32 $0x8, v1;
	v38 =	vmul.f32 v38, v59;
	v46 =	vmul.f32 v46, v53;
	v39 =	vld.idx.msk [tilespmem:v49+s12+$0x0], $0xffff  }
0x2c3: {  	v59 =	vld [tilespmem:$0x1FFD0];
	v44 =	vmul.f32 v44, v20;
	v0 =	vsub.f32 v0, v34;
	v34 =	vor.u32 $0xD, v1  }
0x2c4: {  	v51 =	vmul.f32 v51, v14;
	v41 =	vld.idx.msk [tilespmem:v41+s15+$0x0], $0xffff;
	v46 =	vadd.f32 v47, v46  }
0x2c5: {  	v53 =	vld [tilespmem:$0x1FF50];
	v42 =	vadd.f32 v44, v42;
	v44 =	vor.u32 $0x13, v1  }
0x2c6: {  	v47 =	vor.u32 $0x16, v1;
	v46 =	vadd.f32 v51, v46;
	v51 =	vld [tilespmem:$0x1FF30]  }
0x2c7: {  	v56 =	vsub.f32 v39, v43;
	v39 =	vld.idx.msk [tilespmem:v57+s15+$0x0], $0xffff  }
0x2c8: {  	v34 =	vld.idx.msk [tilespmem:v34+s15+$0x0], $0xffff  }
0x2c9: {  	v63 =	vor.u32 $0xF, v1;
	v48 =	vmul.f32 v48, v55;
	v57 =	vld [tilespmem:$0x1FE90]  }
0x2ca: {  	v58 =	vor.u32 $0x1E, v1;
	v44 =	vld.idx.msk [tilespmem:v44+s15+$0x0], $0xffff;
	v0 =	vmul.f32 v0, v56  }
0x2cb: {  	v40 =	vadd.f32 v48, v40;
	v47 =	vld.idx.msk [tilespmem:v47+s15+$0x0], $0xffff  }
0x2cc: {  	v0 =	vadd.f32 v0, v43;
	v43 =	vmul.f32 v62, v60;
	v62 =	vor.u32 $0xC, v1;
	v60 =	vld [tilespmem:$0x1FED0]  }
0x2cd: {  	v56 =	vor.u32 $0x18, v1;
	v39 =	vmul.f32 v39, v61;
	v61 =	vld [tilespmem:$0x1FF00];
	v34 =	vmul.f32 v34, v26  }
0x2ce: {  	v45 =	vmul.f32 v45, v57;
	v0 =	vadd.f32 v0, v43;
	v43 =	vld.idx.msk [tilespmem:v63+s15+$0x0], $0xffff  }
0x2cf: {  	v63 =	vor.u32 $0x1A, v1;
	v34 =	vadd.f32 v34, v40;
	v40 =	vld.idx.msk [tilespmem:v58+s15+$0x0], $0xffff  }
0x2d0: {  	v0 =	vadd.f32 v0, v45;
	v58 =	vld [tilespmem:$0x1FF80]  }
0x2d1: {  	v49 =	vld.idx.msk [tilespmem:v62+s15+$0x0], $0xffff  }
0x2d2: {  	v45 =	vor.u32 $0x15, v1;
	v0 =	vadd.f32 v39, v0;
	v39 =	vld.idx.msk [tilespmem:v56+s15+$0x0], $0xffff  }
0x2d3: {  	v56 =	vld [tilespmem:$0x1FF70]  }
0x2d4: {  	v50 =	vmul.f32 v50, v60;
	v60 =	vld.idx.msk [tilespmem:v63+s15+$0x0], $0xffff  }
0x2d5: {  	v62 =	vor.u32 $0x17, v1;
	v63 =	vld [tilespmem:$0x1FF10]  }
0x2d6: {  	v57 =	vor.u32 $0x1B, v1;
	v1 =	vor.u32 $0x1F, v1;
	v42 =	vadd.f32 v50, v42;
	v50 =	vld [tilespmem:$0x1FF20]  }
0x2d7: {  	v52 =	vmul.f32 v52, v13;
	v43 =	vmul.f32 v43, v12;
	v45 =	vld.idx.msk [tilespmem:v45+s15+$0x0], $0xffff  }
0x2d8: {  	v41 =	vmul.f32 v41, v11;
	v37 =	vmul.f32 v37, v61;
	v61 =	vld [tilespmem:$0x1FFE0]  }
0x2d9: {  	v44 =	vmul.f32 v44, v10;
	v42 =	vadd.f32 v52, v42;
	v43 =	vadd.f32 v43, v46;
	v52 =	vld [tilespmem:$0x1FF40]  }
0x2da: {  	v49 =	vmul.f32 v49, v27;
	v48 =	vld.idx.msk [tilespmem:v62+s15+$0x0], $0xffff  }
0x2db: {  	v1 =	vld.idx.msk [tilespmem:v1+s15+$0x0], $0xffff;
	v62 =	vadd.f32 v41, v42;
	v46 =	vadd.f32 v44, v43;
	v43 =	vmul.f32 v47, v50  }
0x2dc: {  	v0 =	vadd.f32 v49, v0;
	v41 =	vmul.f32 v45, v63;
	v45 =	vld.idx.msk [tilespmem:v57+s15+$0x0], $0xffff  }
0x2dd: {  	v34 =	vadd.f32 v38, v34;
	v38 =	vadd.f32 v43, v62;
	v43 =	vmul.f32 v60, v54;
	v60 =	vld [tilespmem:$0x1FF90]  }
0x2de: {  	v36 =	vmul.f32 v36, v51;
	v0 =	vadd.f32 v37, v0;
	v62 =	vld [tilespmem:$0x1FFF0]  }
0x2df: {  	v33 =	vmul.f32 v33, v59;
	v34 =	vadd.f32 v41, v34;
	v41 =	vmul.f32 v48, v52  }
0x2e0: {  	v35 =	vmul.f32 v35, v53;
	v37 =	vmul.f32 v39, v56;
	v0 =	vadd.f32 v36, v0  }
0x2e1: {  	v57 =	vadd.f32 v43, v38;
	v55 =	vadd.f32 v41, v46;
	v38 =	vmul.f32 v45, v58  }
0x2e2: {  	v2 =	vmul.f32 v2, v61;
	v34 =	vadd.f32 v35, v34;
	v0 =	vadd.f32 v37, v0  }
0x2e3: {  	v37 =	vmul.f32 v40, v60;
	v1 =	vmul.f32 v1, v62;
	v36 =	vadd.f32 v38, v55  }
0x2e4: {  	v33 =	vadd.f32 v33, v34;
	v0 =	vadd.f32 v2, v0  }
0x2e5: {  	v63 =	vadd.f32 v37, v57;
	v1 =	vadd.f32 v1, v36;
	_ =	sdelay $0x1  }
0x2e6: {  	v0 =	vadd.f32 v33, v0;
	v1 =	vadd.f32 v1, v63;
	_ =	sdelay $0x1  }
0x2e7: {  	v0 =	vadd.f32 v1, v0;
	_ =	sdelay $0x1  }
0x2e8: {  	v0 =	vsub.f32 $0.0e+00, v0;
	_ =	sdelay $0x1  }
0x2e9: {  	v0 =	vmul.f32 $1.442695020e+00, v0;
	_ =	sdelay $0x1  }
0x2ea: {  	(erf) = vpow2.f32 v0;
	_ =	sdelay $0x8  }
0x2eb: {  	v0 =	vpop (erf)  }
0x2ec: {  	v0 =	vadd.f32 $1.000000000e+00, v0;
	_ =	sdelay $0x1  }
0x2ed: {  	(erf) = vrcp.f32 v0;
	_ =	sdelay $0x6  }
0x2ee: {  	s31 =	simm.s32 $0x10  }
0x2ef: {  	v0 =	vmov s31  }
0x2f0: {  	s23 =	simm.s32 $0x13400;
	v0 =	vshll.u32 v0, $0x5;
	v1 =	vpop (erf)  }
0x2f1: {  	s24 =	simm.s32 $0x12010;
	v33 =	vor.u32 v3, v0;
	[tilespmem:s23+$0x0] =	vst v1  }
0x2f2: {  	s25 =	simm.s32 $0x20;
	v34 =	vor.u32 $0x1C, v33;
	v35 =	vor.u32 $0x1D, v33;
	v36 =	vor.u32 $0x18, v33;
	v37 =	vld [tilespmem:s24+$0x0]  }
.LBB2_8:
0x2f3: {  	_ =	sdelay $0x3  }
0x2f4: {  	v37 =	vmul.f32 $4.096000000e+03, v37;
	_ =	sdelay $0x1  }
0x2f5: {  	v41 =	vtrunc.f32 v37  }
0x2f6: {  	v41 =	vcvt.f32.s32 v41;
	_ =	sdelay $0x1  }
0x2f7: {  	vm0 =	vgt.s32 v41, $0x0  }
0x2f8: {  	v0 =	vor.u32 $0x19, v33;
	v41 =	vnsel vm0, $0x0, v41  }
0x2f9: {  	v34 =	vld.idx.msk [tilespmem:v34+s15+$0x0], $0xffff;
	v41 =	vmin.u32 v41, $0xFFF  }
0x2fa: {  	v35 =	vld.idx.msk [tilespmem:v35+s15+$0x0], $0xffff;
	v47 =	vadd.s32 $0x1, v41  }
0x2fb: {  	v1 =	vor.u32 $0x14, v33;
	v36 =	vld.idx.msk [tilespmem:v36+s15+$0x0], $0xffff  }
0x2fc: {  	v2 =	vor.u32 $0x15, v33;
	v60 =	vld.idx.msk [tilespmem:v33+s15+$0x0], $0xffff  }
0x2fd: {  	v38 =	vor.u32 $0x10, v33;
	v0 =	vld.idx.msk [tilespmem:v0+s15+$0x0], $0xffff  }
0x2fe: {  	v39 =	vor.u32 $0x11, v33;
	v51 =	vld.idx.msk [tilespmem:v41+s12+$0x0], $0xffff  }
0x2ff: {  	v40 =	vor.u32 $0xC, v33;
	v47 =	vld.idx.msk [tilespmem:v47+s12+$0x0], $0xffff  }
0x300: {  	v42 =	vor.u32 $0xD, v33;
	v1 =	vld.idx.msk [tilespmem:v1+s15+$0x0], $0xffff  }
0x301: {  	v43 =	vor.u32 $0x8, v33;
	v2 =	vld.idx.msk [tilespmem:v2+s15+$0x0], $0xffff  }
0x302: {  	v44 =	vor.u32 $0x9, v33;
	v38 =	vld.idx.msk [tilespmem:v38+s15+$0x0], $0xffff;
	v41 =	vcvt.s32.f32 v41  }
0x303: {  	v39 =	vld.idx.msk [tilespmem:v39+s15+$0x0], $0xffff  }
0x304: {  	v45 =	vor.u32 $0x4, v33;
	v40 =	vld.idx.msk [tilespmem:v40+s15+$0x0], $0xffff;
	v37 =	vsub.f32 v37, v41;
	v63 =	vsub.f32 v47, v51  }
0x305: {  	v46 =	vor.u32 $0x1, v33;
	v42 =	vld.idx.msk [tilespmem:v42+s15+$0x0], $0xffff  }
0x306: {  	v48 =	vor.u32 $0x5, v33;
	v43 =	vld.idx.msk [tilespmem:v43+s15+$0x0], $0xffff;
	v37 =	vmul.f32 v37, v63  }
0x307: {  	v49 =	vor.u32 $0x2, v33;
	v44 =	vld.idx.msk [tilespmem:v44+s15+$0x0], $0xffff  }
0x308: {  	v37 =	vadd.f32 v37, v51;
	v51 =	vld [tilespmem:$0x1FFA0]  }
0x309: {  	v50 =	vor.u32 $0x6, v33;
	v45 =	vld.idx.msk [tilespmem:v45+s15+$0x0], $0xffff  }
0x30a: {  	v53 =	vor.u32 $0x3, v33;
	v46 =	vld.idx.msk [tilespmem:v46+s15+$0x0], $0xffff  }
0x30b: {  	v59 =	vor.u32 $0xB, v33;
	v48 =	vld.idx.msk [tilespmem:v48+s15+$0x0], $0xffff  }
0x30c: {  	v56 =	vor.u32 $0x7, v33;
	v49 =	vld.idx.msk [tilespmem:v49+s15+$0x0], $0xffff  }
0x30d: {  	v62 =	vor.u32 $0xF, v33;
	v51 =	vmul.f32 v60, v51;
	v60 =	vld [tilespmem:$0x1FFB0]  }
0x30e: {  	v52 =	vor.u32 $0x1E, v33;
	v50 =	vld.idx.msk [tilespmem:v50+s15+$0x0], $0xffff  }
0x30f: {  	v58 =	vor.u32 $0xA, v33;
	v34 =	vmul.f32 v34, v18;
	v36 =	vmul.f32 v36, v19;
	v53 =	vld.idx.msk [tilespmem:v53+s15+$0x0], $0xffff  }
0x310: {  	v54 =	vor.u32 $0x1A, v33;
	v35 =	vmul.f32 v35, v21;
	v41 =	vmul.f32 v44, v24;
	v44 =	vld.idx.msk [tilespmem:v59+s15+$0x0], $0xffff  }
0x311: {  	v61 =	vor.u32 $0xE, v33;
	v1 =	vmul.f32 v1, v31;
	v0 =	vmul.f32 v0, v32;
	v47 =	vld.idx.msk [tilespmem:v56+s15+$0x0], $0xffff  }
0x312: {  	v55 =	vor.u32 $0x1F, v33;
	v2 =	vmul.f32 v2, v30;
	v48 =	vmul.f32 v48, v60;
	v60 =	vld.idx.msk [tilespmem:v62+s15+$0x0], $0xffff  }
0x313: {  	v57 =	vor.u32 $0x12, v33;
	v38 =	vmul.f32 v38, v28;
	v39 =	vmul.f32 v39, v29;
	v62 =	vld [tilespmem:$0x1FFC0]  }
0x314: {  	v40 =	vmul.f32 v40, v27;
	v43 =	vmul.f32 v43, v25;
	v56 =	vld.idx.msk [tilespmem:v58+s15+$0x0], $0xffff;
	v58 =	vor.u32 $0x13, v33  }
0x315: {  	v42 =	vmul.f32 v42, v26;
	v46 =	vmul.f32 v46, v22;
	v63 =	vor.u32 $0x17, v33  }
0x316: {  	v61 =	vld.idx.msk [tilespmem:v61+s15+$0x0], $0xffff;
	v45 =	vmul.f32 v45, v23;
	v50 =	vmul.f32 v50, v20;
	v59 =	vor.u32 $0x16, v33  }
0x317: {  	v33 =	vor.u32 $0x1B, v33;
	v47 =	vmul.f32 v47, v17;
	v37 =	vadd.f32 v37, v51  }
0x318: {  	v57 =	vld.idx.msk [tilespmem:v57+s15+$0x0], $0xffff;
	v51 =	vmul.f32 v53, v15;
	v49 =	vmul.f32 v49, v62  }
0x319: {  	v44 =	vmul.f32 v44, v14;
	v53 =	vld.idx.msk [tilespmem:v58+s15+$0x0], $0xffff;
	v37 =	vadd.f32 v37, v45;
	v46 =	vadd.f32 v48, v46  }
0x31a: {  	v62 =	vmul.f32 v56, v16;
	v56 =	vadd.f32 v47, v51;
	v47 =	vld.idx.msk [tilespmem:v63+s15+$0x0], $0xffff;
	v58 =	vadd.f32 v50, v49  }
0x31b: {  	v37 =	vadd.f32 v43, v37;
	v41 =	vadd.f32 v41, v46;
	v50 =	vld.idx.msk [tilespmem:v59+s15+$0x0], $0xffff;
	v59 =	vmul.f32 v61, v13  }
0x31c: {  	v33 =	vld.idx.msk [tilespmem:v33+s15+$0x0], $0xffff;
	v61 =	vadd.f32 v44, v56;
	v58 =	vadd.f32 v62, v58;
	v62 =	vmul.f32 v60, v12  }
0x31d: {  	v48 =	vmul.f32 v57, v11;
	v37 =	vadd.f32 v40, v37;
	v41 =	vadd.f32 v42, v41;
	v49 =	vld.idx.msk [tilespmem:v54+s15+$0x0], $0xffff  }
0x31e: {  	v53 =	vmul.f32 v53, v10;
	v51 =	vld.idx.msk [tilespmem:v52+s15+$0x0], $0xffff;
	v63 =	vadd.f32 v59, v58;
	v52 =	vadd.f32 v62, v61  }
0x31f: {  	v37 =	vadd.f32 v38, v37;
	v54 =	vld.idx.msk [tilespmem:v55+s15+$0x0], $0xffff;
	v39 =	vadd.f32 v39, v41;
	v58 =	vmul.f32 v47, v7  }
0x320: {  	v56 =	vmul.f32 v50, v9;
	v55 =	vadd.f32 v48, v63;
	v57 =	vadd.f32 v53, v52  }
0x321: {  	v33 =	vmul.f32 v33, v5;
	v1 =	vadd.f32 v1, v37;
	v2 =	vadd.f32 v2, v39  }
0x322: {  	v60 =	vmul.f32 v49, v8;
	v59 =	vadd.f32 v56, v55;
	v61 =	vadd.f32 v58, v57  }
0x323: {  	v1 =	vadd.f32 v36, v1;
	v62 =	vmul.f32 v51, v6;
	v0 =	vadd.f32 v0, v2  }
0x324: {  	v63 =	vmul.f32 v54, v4;
	v2 =	vadd.f32 v60, v59;
	v33 =	vadd.f32 v33, v61  }
0x325: {  	v1 =	vadd.f32 v34, v1;
	v0 =	vadd.f32 v35, v0  }
0x326: {  	v2 =	vadd.f32 v62, v2;
	v33 =	vadd.f32 v63, v33;
	_ =	sdelay $0x1  }
0x327: {  	v0 =	vadd.f32 v0, v1;
	v1 =	vadd.f32 v33, v2;
	_ =	sdelay $0x1  }
0x328: {  	v0 =	vadd.f32 v1, v0;
	_ =	sdelay $0x1  }
0x329: {  	v0 =	vsub.f32 $0.0e+00, v0;
	_ =	sdelay $0x1  }
0x32a: {  	v0 =	vmul.f32 $1.442695020e+00, v0;
	_ =	sdelay $0x1  }
0x32b: {  	(erf) = vpow2.f32 v0;
	_ =	sdelay $0x8  }
0x32c: {  	v0 =	vpop (erf)  }
0x32d: {  	v0 =	vadd.f32 $1.000000000e+00, v0;
	_ =	sdelay $0x1  }
0x32e: {  	(erf) = vrcp.f32 v0;
	_ =	sdelay $0x5  }
0x32f: {  	p0 =	sne.s32 s25, $0x3F0;
	v0 =	vmov s25  }
.Ltmp3:
0x330: {  	_ = 	snop;
	(pc) =	sbr.rel @p0 .LBB2_8-.Ltmp3, $4  }
0x331: {  	_ = 	snop  }
0x332: {  	s23 =	sadd.s32 $0x10, s23;
	v1 =	vshll.u32 v0, $0x5;
	v0 =	vpop (erf)  }
0x333: {  	s24 =	sadd.s32 $0x10, s24;
	v33 =	vor.u32 v3, v1;
	[tilespmem:s23+$0x0] =	vst v0  }
0x334: {  	s25 =	sadd.s32 $0x10, s25;
	v34 =	vor.u32 $0x1C, v33;
	v35 =	vor.u32 $0x1D, v33;
	v36 =	vor.u32 $0x18, v33;
	v37 =	vld [tilespmem:s24+$0x0]  }
0x335: {  	_ =	sdelay $0x3  }
0x336: {  	v34 =	vld.idx.msk [tilespmem:v34+s15+$0x0], $0xffff  }
0x337: {  	v35 =	vld.idx.msk [tilespmem:v35+s15+$0x0], $0xffff  }
0x338: {  	v2 =	vor.u32 $0x19, v33;
	v36 =	vld.idx.msk [tilespmem:v36+s15+$0x0], $0xffff;
	v0 =	vmul.f32 $4.096000000e+03, v37  }
0x339: {  	v60 =	vor.u32 $0x14, v33;
	v49 =	vld.idx.msk [tilespmem:v33+s15+$0x0], $0xffff  }
0x33a: {  	v40 =	vor.u32 $0x8, v33;
	v62 =	vld [tilespmem:$0x1FFA0];
	v1 =	vtrunc.f32 v0  }
0x33b: {  	v41 =	vor.u32 $0x4, v33;
	v55 =	vld [tilespmem:$0x1FFB0];
	v1 =	vcvt.f32.s32 v1  }
0x33c: {  	v42 =	vor.u32 $0x1, v33;
	v59 =	vld [tilespmem:$0x1FFC0]  }
0x33d: {  	v44 =	vor.u32 $0x5, v33;
	v2 =	vld.idx.msk [tilespmem:v2+s15+$0x0], $0xffff;
	vm0 =	vgt.s32 v1, $0x0  }
0x33e: {  	v47 =	vor.u32 $0x3, v33;
	v37 =	vld.idx.msk [tilespmem:v60+s15+$0x0], $0xffff;
	v1 =	vnsel vm0, $0x0, v1  }
0x33f: {  	v40 =	vld.idx.msk [tilespmem:v40+s15+$0x0], $0xffff;
	v1 =	vmin.u32 v1, $0xFFF  }
0x340: {  	v41 =	vld.idx.msk [tilespmem:v41+s15+$0x0], $0xffff;
	v39 =	vadd.s32 $0x1, v1  }
0x341: {  	v48 =	vor.u32 $0x7, v33;
	v42 =	vld.idx.msk [tilespmem:v42+s15+$0x0], $0xffff  }
0x342: {  	v45 =	vor.u32 $0x2, v33;
	v44 =	vld.idx.msk [tilespmem:v44+s15+$0x0], $0xffff  }
0x343: {  	v46 =	vor.u32 $0x6, v33;
	v47 =	vld.idx.msk [tilespmem:v47+s15+$0x0], $0xffff  }
0x344: {  	v51 =	vor.u32 $0xA, v33;
	v43 =	vld.idx.msk [tilespmem:v1+s12+$0x0], $0xffff  }
0x345: {  	v53 =	vor.u32 $0xD, v33;
	v39 =	vld.idx.msk [tilespmem:v39+s12+$0x0], $0xffff  }
0x346: {  	v38 =	vor.u32 $0x15, v33;
	v50 =	vor.u32 $0x9, v33;
	v61 =	vor.u32 $0x10, v33;
	v48 =	vld.idx.msk [tilespmem:v48+s15+$0x0], $0xffff  }
0x347: {  	v52 =	vor.u32 $0xC, v33;
	v63 =	vor.u32 $0xB, v33;
	v54 =	vor.u32 $0xE, v33;
	v45 =	vld.idx.msk [tilespmem:v45+s15+$0x0], $0xffff  }
0x348: {  	v57 =	vor.u32 $0x17, v33;
	v58 =	vor.u32 $0x1A, v33;
	v46 =	vld.idx.msk [tilespmem:v46+s15+$0x0], $0xffff;
	v1 =	vcvt.s32.f32 v1  }
0x349: {  	v34 =	vmul.f32 v34, v18;
	v60 =	vor.u32 $0xF, v33;
	v51 =	vld.idx.msk [tilespmem:v51+s15+$0x0], $0xffff;
	v42 =	vmul.f32 v42, v22  }
0x34a: {  	v53 =	vld.idx.msk [tilespmem:v53+s15+$0x0], $0xffff;
	v44 =	vmul.f32 v44, v55;
	v0 =	vsub.f32 v0, v1;
	v1 =	vsub.f32 v39, v43  }
0x34b: {  	v47 =	vmul.f32 v47, v15;
	v48 =	vmul.f32 v48, v17;
	v39 =	vld.idx.msk [tilespmem:v61+s15+$0x0], $0xffff;
	v61 =	vor.u32 $0x12, v33  }
0x34c: {  	v45 =	vmul.f32 v45, v59;
	v42 =	vadd.f32 v44, v42;
	v44 =	vld.idx.msk [tilespmem:v52+s15+$0x0], $0xffff;
	v0 =	vmul.f32 v0, v1  }
0x34d: {  	v46 =	vmul.f32 v46, v20;
	v47 =	vadd.f32 v48, v47;
	v48 =	vld.idx.msk [tilespmem:v54+s15+$0x0], $0xffff;
	v1 =	vor.u32 $0x11, v33  }
0x34e: {  	v0 =	vadd.f32 v0, v43;
	v43 =	vmul.f32 v49, v62;
	v49 =	vld.idx.msk [tilespmem:v50+s15+$0x0], $0xffff;
	v62 =	vor.u32 $0x13, v33  }
0x34f: {  	v36 =	vmul.f32 v36, v19;
	v35 =	vmul.f32 v35, v21;
	v50 =	vld.idx.msk [tilespmem:v63+s15+$0x0], $0xffff;
	v63 =	vor.u32 $0x16, v33  }
0x350: {  	v40 =	vmul.f32 v40, v25;
	v51 =	vmul.f32 v51, v16;
	v45 =	vadd.f32 v46, v45;
	v52 =	vld.idx.msk [tilespmem:v61+s15+$0x0], $0xffff  }
0x351: {  	v41 =	vmul.f32 v41, v23;
	v37 =	vmul.f32 v37, v31;
	v0 =	vadd.f32 v0, v43;
	v43 =	vld.idx.msk [tilespmem:v60+s15+$0x0], $0xffff  }
0x352: {  	v53 =	vmul.f32 v53, v26;
	v45 =	vadd.f32 v51, v45;
	v48 =	vmul.f32 v48, v13;
	v1 =	vld.idx.msk [tilespmem:v1+s15+$0x0], $0xffff  }
0x353: {  	v44 =	vmul.f32 v44, v27;
	v60 =	vor.u32 $0x1B, v33;
	v0 =	vadd.f32 v0, v41;
	v46 =	vld.idx.msk [tilespmem:v62+s15+$0x0], $0xffff  }
0x354: {  	v45 =	vadd.f32 v48, v45;
	v61 =	vor.u32 $0x1E, v33;
	v49 =	vmul.f32 v49, v24;
	v41 =	vld.idx.msk [tilespmem:v63+s15+$0x0], $0xffff  }
0x355: {  	v38 =	vld.idx.msk [tilespmem:v38+s15+$0x0], $0xffff;
	v50 =	vmul.f32 v50, v14;
	v62 =	vor.u32 $0x1F, v33;
	v0 =	vadd.f32 v40, v0  }
0x356: {  	v39 =	vmul.f32 v39, v28;
	v63 =	vld.idx.msk [tilespmem:v57+s15+$0x0], $0xffff;
	v54 =	vmul.f32 v52, v11;
	v42 =	vadd.f32 v49, v42  }
0x357: {  	v47 =	vadd.f32 v50, v47;
	v49 =	vld.idx.msk [tilespmem:v58+s15+$0x0], $0xffff;
	v43 =	vmul.f32 v43, v12;
	v0 =	vadd.f32 v44, v0  }
0x358: {  	v51 =	vld.idx.msk [tilespmem:v60+s15+$0x0], $0xffff;
	v1 =	vmul.f32 v1, v29;
	v56 =	vadd.f32 v54, v45;
	v42 =	vadd.f32 v53, v42  }
0x359: {  	v40 =	vld.idx.msk [tilespmem:v61+s15+$0x0], $0xffff;
	v43 =	vadd.f32 v43, v47;
	v55 =	vmul.f32 v46, v10;
	v41 =	vmul.f32 v41, v9  }
0x35a: {  	v38 =	vmul.f32 v38, v30;
	v33 =	vld.idx.msk [tilespmem:v62+s15+$0x0], $0xffff;
	v0 =	vadd.f32 v39, v0;
	v1 =	vadd.f32 v1, v42  }
0x35b: {  	v58 =	vmul.f32 v63, v7;
	v57 =	vadd.f32 v55, v43;
	v60 =	vadd.f32 v41, v56  }
0x35c: {  	v2 =	vmul.f32 v2, v32;
	v0 =	vadd.f32 v37, v0;
	v1 =	vadd.f32 v38, v1  }
0x35d: {  	v61 =	vmul.f32 v49, v8;
	v63 =	vmul.f32 v51, v5;
	v62 =	vadd.f32 v58, v57  }
0x35e: {  	v41 =	vmul.f32 v40, v6;
	v0 =	vadd.f32 v36, v0;
	v1 =	vadd.f32 v2, v1  }
0x35f: {  	v2 =	vadd.f32 v61, v60;
	v33 =	vmul.f32 v33, v4;
	v42 =	vadd.f32 v63, v62  }
0x360: {  	v0 =	vadd.f32 v34, v0;
	v1 =	vadd.f32 v35, v1  }
0x361: {  	v2 =	vadd.f32 v41, v2;
	v33 =	vadd.f32 v33, v42;
	_ =	sdelay $0x1  }
0x362: {  	v0 =	vadd.f32 v1, v0;
	v1 =	vadd.f32 v33, v2;
	_ =	sdelay $0x1  }
0x363: {  	v0 =	vadd.f32 v1, v0;
	_ =	sdelay $0x1  }
0x364: {  	v0 =	vsub.f32 $0.0e+00, v0;
	_ =	sdelay $0x1  }
0x365: {  	v0 =	vmul.f32 $1.442695020e+00, v0;
	_ =	sdelay $0x1  }
0x366: {  	(erf) = vpow2.f32 v0;
	_ =	sdelay $0x8  }
0x367: {  	v0 =	vpop (erf)  }
0x368: {  	v0 =	vadd.f32 $1.000000000e+00, v0;
	_ =	sdelay $0x1  }
0x369: {  	(erf) = vrcp.f32 v0;
	_ =	sdelay $0x5  }
0x36a: {  	s30 =	simm.s32 $0x0  }
0x36b: {  	v1 =	vmov s30  }
0x36c: {  	v1 =	vshll.u32 v1, $0x5  }
0x36d: {  	s23 =	sadd.s32 $0x10, s23;
	v1 =	vor.u32 v3, v1;
	v0 =	vpop (erf)  }
0x36e: {  	v2 =	vor.u32 $0x1C, v1;
	[tilespmem:s23+$0x0] =	vst v0  }
0x36f: {  	v43 =	vor.u32 $0x1D, v1;
	_ =	swait.ge [sflag:s16], $0x8000  }
0x370: {  	v45 =	vor.u32 $0x19, v1;
	[sflag:s16] =	ssyncset.done $0x0  }
0x371: {  	s29 =	simm.s32 $0x12400;
	v46 =	vor.u32 $0x14, v1;
	[sflag:s16] =	ssyncadd.s32 $0xFFFF8000  }
0x372: {  	v47 =	vor.u32 $0x10, v1;
	v0 =	vld [tilespmem:s29+$0x0]  }
0x373: {  	v48 =	vor.u32 $0x11, v1;
	v2 =	vld.idx.msk [tilespmem:v2+s14+$0x0], $0xffff  }
0x374: {  	v50 =	vor.u32 $0x1, v1;
	v33 =	vld.idx.msk [tilespmem:v43+s14+$0x0], $0xffff  }
0x375: {  	v51 =	vor.u32 $0x5, v1;
	v35 =	vld.idx.msk [tilespmem:v45+s14+$0x0], $0xffff  }
0x376: {  	v52 =	vor.u32 $0x2, v1;
	v36 =	vld.idx.msk [tilespmem:v46+s14+$0x0], $0xffff  }
0x377: {  	v37 =	vld.idx.msk [tilespmem:v47+s14+$0x0], $0xffff  }
0x378: {  	v54 =	vor.u32 $0x4, v1;
	v38 =	vld.idx.msk [tilespmem:v48+s14+$0x0], $0xffff  }
0x379: {  	v55 =	vor.u32 $0x3, v1;
	v40 =	vld.idx.msk [tilespmem:v50+s14+$0x0], $0xffff  }
0x37a: {  	v60 =	vor.u32 $0x7, v1;
	v41 =	vld.idx.msk [tilespmem:v51+s14+$0x0], $0xffff  }
0x37b: {  	v61 =	vor.u32 $0x9, v1;
	v42 =	vld.idx.msk [tilespmem:v52+s14+$0x0], $0xffff  }
0x37c: {  	v62 =	vld.idx.msk [tilespmem:v1+s14+$0x0], $0xffff  }
0x37d: {  	v45 =	vld.idx.msk [tilespmem:v54+s14+$0x0], $0xffff  }
0x37e: {  	v63 =	vor.u32 $0xA, v1;
	v46 =	vld.idx.msk [tilespmem:v55+s14+$0x0], $0xffff  }
0x37f: {  	v58 =	vor.u32 $0xB, v1;
	v47 =	vld.idx.msk [tilespmem:v60+s14+$0x0], $0xffff  }
0x380: {  	v48 =	vld.idx.msk [tilespmem:v61+s14+$0x0], $0xffff  }
0x381: {  	v60 =	vld [tilespmem:$0x1FFA0];
	v0 =	vmul.f32 $4.096000000e+03, v0  }
0x382: {  	v61 =	vld [tilespmem:$0x1FFB0]  }
0x383: {  	v53 =	vor.u32 $0x6, v1;
	v50 =	vld.idx.msk [tilespmem:v63+s14+$0x0], $0xffff;
	v44 =	vtrunc.f32 v0  }
0x384: {  	v51 =	vld.idx.msk [tilespmem:v58+s14+$0x0], $0xffff;
	v34 =	vcvt.f32.s32 v44  }
0x385: {  	v52 =	vor.u32 $0xE, v1;
	v54 =	vld [tilespmem:$0x1FEB0]  }
0x386: {  	v55 =	vld [tilespmem:$0x1FEC0];
	vm15 =	vgt.s32 v34, $0x0  }
0x387: {  	v42 =	vmul.f32 v42, v59;
	v59 =	vld [tilespmem:$0x1FEF0];
	v34 =	vnsel vm15, $0x0, v34  }
0x388: {  	v44 =	vld.idx.msk [tilespmem:v53+s14+$0x0], $0xffff;
	v34 =	vmin.u32 v34, $0xFFF  }
0x389: {  	v40 =	vmul.f32 v40, v22;
	v41 =	vmul.f32 v41, v61;
	v53 =	vld [tilespmem:$0x1FEA0];
	v49 =	vadd.s32 $0x1, v34  }
0x38a: {  	v52 =	vld.idx.msk [tilespmem:v52+s14+$0x0], $0xffff  }
0x38b: {  	v61 =	vld [tilespmem:$0x1FEE0];
	v40 =	vadd.f32 v41, v40;
	v41 =	vor.u32 $0x12, v1  }
0x38c: {  	v47 =	vmul.f32 v47, v54;
	v54 =	vld [tilespmem:$0x1FF60]  }
0x38d: {  	v43 =	vld.idx.msk [tilespmem:v34+s12+$0x0], $0xffff;
	v34 =	vcvt.s32.f32 v34  }
0x38e: {  	v57 =	vor.u32 $0x8, v1;
	v38 =	vmul.f32 v38, v59;
	v46 =	vmul.f32 v46, v53;
	v39 =	vld.idx.msk [tilespmem:v49+s12+$0x0], $0xffff  }
0x38f: {  	v59 =	vld [tilespmem:$0x1FFD0];
	v44 =	vmul.f32 v44, v20;
	v0 =	vsub.f32 v0, v34;
	v34 =	vor.u32 $0xD, v1  }
0x390: {  	v51 =	vmul.f32 v51, v14;
	v41 =	vld.idx.msk [tilespmem:v41+s14+$0x0], $0xffff;
	v46 =	vadd.f32 v47, v46  }
0x391: {  	v53 =	vld [tilespmem:$0x1FF50];
	v42 =	vadd.f32 v44, v42;
	v44 =	vor.u32 $0x13, v1  }
0x392: {  	v47 =	vor.u32 $0x16, v1;
	v46 =	vadd.f32 v51, v46;
	v51 =	vld [tilespmem:$0x1FF30]  }
0x393: {  	v56 =	vsub.f32 v39, v43;
	v39 =	vld.idx.msk [tilespmem:v57+s14+$0x0], $0xffff  }
0x394: {  	v34 =	vld.idx.msk [tilespmem:v34+s14+$0x0], $0xffff  }
0x395: {  	v63 =	vor.u32 $0xF, v1;
	v48 =	vmul.f32 v48, v55;
	v57 =	vld [tilespmem:$0x1FE90]  }
0x396: {  	v58 =	vor.u32 $0x1E, v1;
	v44 =	vld.idx.msk [tilespmem:v44+s14+$0x0], $0xffff;
	v0 =	vmul.f32 v0, v56  }
0x397: {  	v40 =	vadd.f32 v48, v40;
	v47 =	vld.idx.msk [tilespmem:v47+s14+$0x0], $0xffff  }
0x398: {  	v0 =	vadd.f32 v0, v43;
	v43 =	vmul.f32 v62, v60;
	v62 =	vor.u32 $0xC, v1;
	v60 =	vld [tilespmem:$0x1FED0]  }
0x399: {  	v56 =	vor.u32 $0x18, v1;
	v39 =	vmul.f32 v39, v61;
	v61 =	vld [tilespmem:$0x1FF00];
	v34 =	vmul.f32 v34, v26  }
0x39a: {  	v45 =	vmul.f32 v45, v57;
	v0 =	vadd.f32 v0, v43;
	v43 =	vld.idx.msk [tilespmem:v63+s14+$0x0], $0xffff  }
0x39b: {  	v63 =	vor.u32 $0x1A, v1;
	v34 =	vadd.f32 v34, v40;
	v40 =	vld.idx.msk [tilespmem:v58+s14+$0x0], $0xffff  }
0x39c: {  	v0 =	vadd.f32 v0, v45;
	v58 =	vld [tilespmem:$0x1FF80]  }
0x39d: {  	v49 =	vld.idx.msk [tilespmem:v62+s14+$0x0], $0xffff  }
0x39e: {  	v45 =	vor.u32 $0x15, v1;
	v0 =	vadd.f32 v39, v0;
	v39 =	vld.idx.msk [tilespmem:v56+s14+$0x0], $0xffff  }
0x39f: {  	v56 =	vld [tilespmem:$0x1FF70]  }
0x3a0: {  	v50 =	vmul.f32 v50, v60;
	v60 =	vld.idx.msk [tilespmem:v63+s14+$0x0], $0xffff  }
0x3a1: {  	v62 =	vor.u32 $0x17, v1;
	v63 =	vld [tilespmem:$0x1FF10]  }
0x3a2: {  	v57 =	vor.u32 $0x1B, v1;
	v1 =	vor.u32 $0x1F, v1;
	v42 =	vadd.f32 v50, v42;
	v50 =	vld [tilespmem:$0x1FF20]  }
0x3a3: {  	v52 =	vmul.f32 v52, v13;
	v43 =	vmul.f32 v43, v12;
	v45 =	vld.idx.msk [tilespmem:v45+s14+$0x0], $0xffff  }
0x3a4: {  	v41 =	vmul.f32 v41, v11;
	v37 =	vmul.f32 v37, v61;
	v61 =	vld [tilespmem:$0x1FFE0]  }
0x3a5: {  	v44 =	vmul.f32 v44, v10;
	v42 =	vadd.f32 v52, v42;
	v43 =	vadd.f32 v43, v46;
	v52 =	vld [tilespmem:$0x1FF40]  }
0x3a6: {  	v49 =	vmul.f32 v49, v27;
	v48 =	vld.idx.msk [tilespmem:v62+s14+$0x0], $0xffff  }
0x3a7: {  	v1 =	vld.idx.msk [tilespmem:v1+s14+$0x0], $0xffff;
	v62 =	vadd.f32 v41, v42;
	v46 =	vadd.f32 v44, v43;
	v43 =	vmul.f32 v47, v50  }
0x3a8: {  	v0 =	vadd.f32 v49, v0;
	v41 =	vmul.f32 v45, v63;
	v45 =	vld.idx.msk [tilespmem:v57+s14+$0x0], $0xffff  }
0x3a9: {  	v34 =	vadd.f32 v38, v34;
	v38 =	vadd.f32 v43, v62;
	v43 =	vmul.f32 v60, v54;
	v60 =	vld [tilespmem:$0x1FF90]  }
0x3aa: {  	v36 =	vmul.f32 v36, v51;
	v0 =	vadd.f32 v37, v0;
	v62 =	vld [tilespmem:$0x1FFF0]  }
0x3ab: {  	v33 =	vmul.f32 v33, v59;
	v34 =	vadd.f32 v41, v34;
	v41 =	vmul.f32 v48, v52  }
0x3ac: {  	v35 =	vmul.f32 v35, v53;
	v37 =	vmul.f32 v39, v56;
	v0 =	vadd.f32 v36, v0  }
0x3ad: {  	v57 =	vadd.f32 v43, v38;
	v55 =	vadd.f32 v41, v46;
	v38 =	vmul.f32 v45, v58  }
0x3ae: {  	v2 =	vmul.f32 v2, v61;
	v34 =	vadd.f32 v35, v34;
	v0 =	vadd.f32 v37, v0  }
0x3af: {  	v37 =	vmul.f32 v40, v60;
	v1 =	vmul.f32 v1, v62;
	v36 =	vadd.f32 v38, v55  }
0x3b0: {  	v33 =	vadd.f32 v33, v34;
	v0 =	vadd.f32 v2, v0  }
0x3b1: {  	v63 =	vadd.f32 v37, v57;
	v1 =	vadd.f32 v1, v36;
	_ =	sdelay $0x1  }
0x3b2: {  	v0 =	vadd.f32 v33, v0;
	v1 =	vadd.f32 v1, v63;
	_ =	sdelay $0x1  }
0x3b3: {  	v0 =	vadd.f32 v1, v0;
	_ =	sdelay $0x1  }
0x3b4: {  	v0 =	vsub.f32 $0.0e+00, v0;
	_ =	sdelay $0x1  }
0x3b5: {  	v0 =	vmul.f32 $1.442695020e+00, v0;
	_ =	sdelay $0x1  }
0x3b6: {  	(erf) = vpow2.f32 v0;
	_ =	sdelay $0x8  }
0x3b7: {  	v0 =	vpop (erf)  }
0x3b8: {  	v0 =	vadd.f32 $1.000000000e+00, v0;
	_ =	sdelay $0x1  }
0x3b9: {  	(erf) = vrcp.f32 v0;
	_ =	sdelay $0x6  }
0x3ba: {  	s31 =	simm.s32 $0x10  }
0x3bb: {  	v0 =	vmov s31  }
0x3bc: {  	s23 =	simm.s32 $0x13800;
	v0 =	vshll.u32 v0, $0x5;
	v1 =	vpop (erf)  }
0x3bd: {  	s24 =	simm.s32 $0x12410;
	v33 =	vor.u32 v3, v0;
	[tilespmem:s23+$0x0] =	vst v1  }
0x3be: {  	s25 =	simm.s32 $0x20;
	v34 =	vor.u32 $0x1C, v33;
	v35 =	vor.u32 $0x1D, v33;
	v36 =	vor.u32 $0x18, v33;
	v37 =	vld [tilespmem:s24+$0x0]  }
.LBB2_10:
0x3bf: {  	_ =	sdelay $0x3  }
0x3c0: {  	v37 =	vmul.f32 $4.096000000e+03, v37;
	_ =	sdelay $0x1  }
0x3c1: {  	v41 =	vtrunc.f32 v37  }
0x3c2: {  	v41 =	vcvt.f32.s32 v41;
	_ =	sdelay $0x1  }
0x3c3: {  	vm0 =	vgt.s32 v41, $0x0  }
0x3c4: {  	v0 =	vor.u32 $0x19, v33;
	v41 =	vnsel vm0, $0x0, v41  }
0x3c5: {  	v34 =	vld.idx.msk [tilespmem:v34+s14+$0x0], $0xffff;
	v41 =	vmin.u32 v41, $0xFFF  }
0x3c6: {  	v35 =	vld.idx.msk [tilespmem:v35+s14+$0x0], $0xffff;
	v47 =	vadd.s32 $0x1, v41  }
0x3c7: {  	v1 =	vor.u32 $0x14, v33;
	v36 =	vld.idx.msk [tilespmem:v36+s14+$0x0], $0xffff  }
0x3c8: {  	v2 =	vor.u32 $0x15, v33;
	v60 =	vld.idx.msk [tilespmem:v33+s14+$0x0], $0xffff  }
0x3c9: {  	v38 =	vor.u32 $0x10, v33;
	v0 =	vld.idx.msk [tilespmem:v0+s14+$0x0], $0xffff  }
0x3ca: {  	v39 =	vor.u32 $0x11, v33;
	v51 =	vld.idx.msk [tilespmem:v41+s12+$0x0], $0xffff  }
0x3cb: {  	v40 =	vor.u32 $0xC, v33;
	v47 =	vld.idx.msk [tilespmem:v47+s12+$0x0], $0xffff  }
0x3cc: {  	v42 =	vor.u32 $0xD, v33;
	v1 =	vld.idx.msk [tilespmem:v1+s14+$0x0], $0xffff  }
0x3cd: {  	v43 =	vor.u32 $0x8, v33;
	v2 =	vld.idx.msk [tilespmem:v2+s14+$0x0], $0xffff  }
0x3ce: {  	v44 =	vor.u32 $0x9, v33;
	v38 =	vld.idx.msk [tilespmem:v38+s14+$0x0], $0xffff;
	v41 =	vcvt.s32.f32 v41  }
0x3cf: {  	v39 =	vld.idx.msk [tilespmem:v39+s14+$0x0], $0xffff  }
0x3d0: {  	v45 =	vor.u32 $0x4, v33;
	v40 =	vld.idx.msk [tilespmem:v40+s14+$0x0], $0xffff;
	v37 =	vsub.f32 v37, v41;
	v63 =	vsub.f32 v47, v51  }
0x3d1: {  	v46 =	vor.u32 $0x1, v33;
	v42 =	vld.idx.msk [tilespmem:v42+s14+$0x0], $0xffff  }
0x3d2: {  	v48 =	vor.u32 $0x5, v33;
	v43 =	vld.idx.msk [tilespmem:v43+s14+$0x0], $0xffff;
	v37 =	vmul.f32 v37, v63  }
0x3d3: {  	v49 =	vor.u32 $0x2, v33;
	v44 =	vld.idx.msk [tilespmem:v44+s14+$0x0], $0xffff  }
0x3d4: {  	v37 =	vadd.f32 v37, v51;
	v51 =	vld [tilespmem:$0x1FFA0]  }
0x3d5: {  	v50 =	vor.u32 $0x6, v33;
	v45 =	vld.idx.msk [tilespmem:v45+s14+$0x0], $0xffff  }
0x3d6: {  	v53 =	vor.u32 $0x3, v33;
	v46 =	vld.idx.msk [tilespmem:v46+s14+$0x0], $0xffff  }
0x3d7: {  	v59 =	vor.u32 $0xB, v33;
	v48 =	vld.idx.msk [tilespmem:v48+s14+$0x0], $0xffff  }
0x3d8: {  	v56 =	vor.u32 $0x7, v33;
	v49 =	vld.idx.msk [tilespmem:v49+s14+$0x0], $0xffff  }
0x3d9: {  	v62 =	vor.u32 $0xF, v33;
	v51 =	vmul.f32 v60, v51;
	v60 =	vld [tilespmem:$0x1FFB0]  }
0x3da: {  	v52 =	vor.u32 $0x1E, v33;
	v50 =	vld.idx.msk [tilespmem:v50+s14+$0x0], $0xffff  }
0x3db: {  	v58 =	vor.u32 $0xA, v33;
	v34 =	vmul.f32 v34, v18;
	v36 =	vmul.f32 v36, v19;
	v53 =	vld.idx.msk [tilespmem:v53+s14+$0x0], $0xffff  }
0x3dc: {  	v54 =	vor.u32 $0x1A, v33;
	v35 =	vmul.f32 v35, v21;
	v41 =	vmul.f32 v44, v24;
	v44 =	vld.idx.msk [tilespmem:v59+s14+$0x0], $0xffff  }
0x3dd: {  	v61 =	vor.u32 $0xE, v33;
	v1 =	vmul.f32 v1, v31;
	v0 =	vmul.f32 v0, v32;
	v47 =	vld.idx.msk [tilespmem:v56+s14+$0x0], $0xffff  }
0x3de: {  	v55 =	vor.u32 $0x1F, v33;
	v2 =	vmul.f32 v2, v30;
	v48 =	vmul.f32 v48, v60;
	v60 =	vld.idx.msk [tilespmem:v62+s14+$0x0], $0xffff  }
0x3df: {  	v57 =	vor.u32 $0x12, v33;
	v38 =	vmul.f32 v38, v28;
	v39 =	vmul.f32 v39, v29;
	v62 =	vld [tilespmem:$0x1FFC0]  }
0x3e0: {  	v40 =	vmul.f32 v40, v27;
	v43 =	vmul.f32 v43, v25;
	v56 =	vld.idx.msk [tilespmem:v58+s14+$0x0], $0xffff;
	v58 =	vor.u32 $0x13, v33  }
0x3e1: {  	v42 =	vmul.f32 v42, v26;
	v46 =	vmul.f32 v46, v22;
	v63 =	vor.u32 $0x17, v33  }
0x3e2: {  	v61 =	vld.idx.msk [tilespmem:v61+s14+$0x0], $0xffff;
	v45 =	vmul.f32 v45, v23;
	v50 =	vmul.f32 v50, v20;
	v59 =	vor.u32 $0x16, v33  }
0x3e3: {  	v33 =	vor.u32 $0x1B, v33;
	v47 =	vmul.f32 v47, v17;
	v37 =	vadd.f32 v37, v51  }
0x3e4: {  	v57 =	vld.idx.msk [tilespmem:v57+s14+$0x0], $0xffff;
	v51 =	vmul.f32 v53, v15;
	v49 =	vmul.f32 v49, v62  }
0x3e5: {  	v44 =	vmul.f32 v44, v14;
	v53 =	vld.idx.msk [tilespmem:v58+s14+$0x0], $0xffff;
	v37 =	vadd.f32 v37, v45;
	v46 =	vadd.f32 v48, v46  }
0x3e6: {  	v62 =	vmul.f32 v56, v16;
	v56 =	vadd.f32 v47, v51;
	v47 =	vld.idx.msk [tilespmem:v63+s14+$0x0], $0xffff;
	v58 =	vadd.f32 v50, v49  }
0x3e7: {  	v37 =	vadd.f32 v43, v37;
	v41 =	vadd.f32 v41, v46;
	v50 =	vld.idx.msk [tilespmem:v59+s14+$0x0], $0xffff;
	v59 =	vmul.f32 v61, v13  }
0x3e8: {  	v33 =	vld.idx.msk [tilespmem:v33+s14+$0x0], $0xffff;
	v61 =	vadd.f32 v44, v56;
	v58 =	vadd.f32 v62, v58;
	v62 =	vmul.f32 v60, v12  }
0x3e9: {  	v48 =	vmul.f32 v57, v11;
	v37 =	vadd.f32 v40, v37;
	v41 =	vadd.f32 v42, v41;
	v49 =	vld.idx.msk [tilespmem:v54+s14+$0x0], $0xffff  }
0x3ea: {  	v53 =	vmul.f32 v53, v10;
	v51 =	vld.idx.msk [tilespmem:v52+s14+$0x0], $0xffff;
	v63 =	vadd.f32 v59, v58;
	v52 =	vadd.f32 v62, v61  }
0x3eb: {  	v37 =	vadd.f32 v38, v37;
	v54 =	vld.idx.msk [tilespmem:v55+s14+$0x0], $0xffff;
	v39 =	vadd.f32 v39, v41;
	v58 =	vmul.f32 v47, v7  }
0x3ec: {  	v56 =	vmul.f32 v50, v9;
	v55 =	vadd.f32 v48, v63;
	v57 =	vadd.f32 v53, v52  }
0x3ed: {  	v33 =	vmul.f32 v33, v5;
	v1 =	vadd.f32 v1, v37;
	v2 =	vadd.f32 v2, v39  }
0x3ee: {  	v60 =	vmul.f32 v49, v8;
	v59 =	vadd.f32 v56, v55;
	v61 =	vadd.f32 v58, v57  }
0x3ef: {  	v1 =	vadd.f32 v36, v1;
	v62 =	vmul.f32 v51, v6;
	v0 =	vadd.f32 v0, v2  }
0x3f0: {  	v63 =	vmul.f32 v54, v4;
	v2 =	vadd.f32 v60, v59;
	v33 =	vadd.f32 v33, v61  }
0x3f1: {  	v1 =	vadd.f32 v34, v1;
	v0 =	vadd.f32 v35, v0  }
0x3f2: {  	v2 =	vadd.f32 v62, v2;
	v33 =	vadd.f32 v63, v33;
	_ =	sdelay $0x1  }
0x3f3: {  	v0 =	vadd.f32 v0, v1;
	v1 =	vadd.f32 v33, v2;
	_ =	sdelay $0x1  }
0x3f4: {  	v0 =	vadd.f32 v1, v0;
	_ =	sdelay $0x1  }
0x3f5: {  	v0 =	vsub.f32 $0.0e+00, v0;
	_ =	sdelay $0x1  }
0x3f6: {  	v0 =	vmul.f32 $1.442695020e+00, v0;
	_ =	sdelay $0x1  }
0x3f7: {  	(erf) = vpow2.f32 v0;
	_ =	sdelay $0x8  }
0x3f8: {  	v0 =	vpop (erf)  }
0x3f9: {  	v0 =	vadd.f32 $1.000000000e+00, v0;
	_ =	sdelay $0x1  }
0x3fa: {  	(erf) = vrcp.f32 v0;
	_ =	sdelay $0x5  }
0x3fb: {  	p0 =	sne.s32 s25, $0x3F0;
	v0 =	vmov s25  }
.Ltmp4:
0x3fc: {  	_ = 	snop;
	(pc) =	sbr.rel @p0 .LBB2_10-.Ltmp4, $4  }
0x3fd: {  	_ = 	snop  }
0x3fe: {  	s23 =	sadd.s32 $0x10, s23;
	v1 =	vshll.u32 v0, $0x5;
	v0 =	vpop (erf)  }
0x3ff: {  	s24 =	sadd.s32 $0x10, s24;
	v33 =	vor.u32 v3, v1;
	[tilespmem:s23+$0x0] =	vst v0  }
0x400: {  	s25 =	sadd.s32 $0x10, s25;
	v34 =	vor.u32 $0x1C, v33;
	v35 =	vor.u32 $0x1D, v33;
	v36 =	vor.u32 $0x18, v33;
	v37 =	vld [tilespmem:s24+$0x0]  }
0x401: {  	_ =	sdelay $0x2  }
0x402: {  	v0 =	vor.u32 $0x19, v33  }
0x403: {  	v1 =	vor.u32 $0x14, v33;
	v34 =	vld.idx.msk [tilespmem:v34+s14+$0x0], $0xffff  }
0x404: {  	v2 =	vor.u32 $0x15, v33;
	v35 =	vld.idx.msk [tilespmem:v35+s14+$0x0], $0xffff  }
0x405: {  	v38 =	vor.u32 $0x10, v33;
	v36 =	vld.idx.msk [tilespmem:v36+s14+$0x0], $0xffff  }
0x406: {  	v58 =	vmov v3;
	v39 =	vor.u32 $0x11, v33;
	v3 =	vld.idx.msk [tilespmem:v33+s14+$0x0], $0xffff  }
0x407: {  	v40 =	vor.u32 $0xC, v33;
	v0 =	vld.idx.msk [tilespmem:v0+s14+$0x0], $0xffff  }
0x408: {  	v42 =	vor.u32 $0xD, v33;
	v1 =	vld.idx.msk [tilespmem:v1+s14+$0x0], $0xffff  }
0x409: {  	v43 =	vor.u32 $0x8, v33;
	v2 =	vld.idx.msk [tilespmem:v2+s14+$0x0], $0xffff  }
0x40a: {  	v44 =	vor.u32 $0x9, v33;
	v37 =	vmul.f32 $4.096000000e+03, v37;
	v38 =	vld.idx.msk [tilespmem:v38+s14+$0x0], $0xffff  }
0x40b: {  	v45 =	vor.u32 $0x4, v33;
	v39 =	vld.idx.msk [tilespmem:v39+s14+$0x0], $0xffff  }
0x40c: {  	v46 =	vor.u32 $0x1, v33;
	v40 =	vld.idx.msk [tilespmem:v40+s14+$0x0], $0xffff;
	v41 =	vtrunc.f32 v37  }
0x40d: {  	v48 =	vor.u32 $0x5, v33;
	v42 =	vld.idx.msk [tilespmem:v42+s14+$0x0], $0xffff;
	v41 =	vcvt.f32.s32 v41  }
0x40e: {  	v49 =	vor.u32 $0x2, v33;
	v43 =	vld.idx.msk [tilespmem:v43+s14+$0x0], $0xffff  }
0x40f: {  	v50 =	vor.u32 $0x6, v33;
	v44 =	vld.idx.msk [tilespmem:v44+s14+$0x0], $0xffff;
	vm0 =	vgt.s32 v41, $0x0  }
0x410: {  	v53 =	vor.u32 $0x3, v33;
	v45 =	vld.idx.msk [tilespmem:v45+s14+$0x0], $0xffff;
	v41 =	vnsel vm0, $0x0, v41  }
0x411: {  	v46 =	vld.idx.msk [tilespmem:v46+s14+$0x0], $0xffff;
	v41 =	vmin.u32 v41, $0xFFF  }
0x412: {  	v61 =	vmul.f32 v34, v18;
	v34 =	vld.idx.msk [tilespmem:v48+s14+$0x0], $0xffff;
	v62 =	vmul.f32 v35, v21;
	v47 =	vadd.s32 $0x1, v41  }
0x413: {  	v56 =	vor.u32 $0x7, v33;
	v35 =	vld.idx.msk [tilespmem:v49+s14+$0x0], $0xffff  }
0x414: {  	v48 =	vor.u32 $0xA, v33;
	[tilespmem:$0x1FE70] =	vst v62;
	v62 =	vld.idx.msk [tilespmem:v50+s14+$0x0], $0xffff  }
0x415: {  	v60 =	vmul.f32 v38, v28;
	v38 =	vld.idx.msk [tilespmem:v53+s14+$0x0], $0xffff  }
0x416: {  	v52 =	vld.idx.msk [tilespmem:v41+s12+$0x0], $0xffff  }
0x417: {  	v63 =	vmul.f32 v36, v19;
	v36 =	vor.u32 $0xB, v33;
	v47 =	vld.idx.msk [tilespmem:v47+s12+$0x0], $0xffff  }
0x418: {  	v51 =	vor.u32 $0x1E, v33;
	v54 =	vor.u32 $0x1A, v33;
	[tilespmem:$0x1FE80] =	vst v61;
	v61 =	vmul.f32 v39, v29;
	v39 =	vld.idx.msk [tilespmem:v56+s14+$0x0], $0xffff  }
0x419: {  	v49 =	vor.u32 $0xF, v33;
	v1 =	vmul.f32 v1, v31;
	v56 =	vmul.f32 v42, v26;
	v42 =	vld.idx.msk [tilespmem:v48+s14+$0x0], $0xffff  }
0x41a: {  	v57 =	vor.u32 $0x12, v33;
	v0 =	vmul.f32 v0, v32;
	v32 =	vld [tilespmem:$0x1FFA0];
	v18 =	vcvt.s32.f32 v41  }
0x41b: {  	v19 =	vor.u32 $0xE, v33;
	v59 =	vmul.f32 v40, v27;
	v48 =	vmul.f32 v45, v23;
	v45 =	vld [tilespmem:$0x1FFC0]  }
0x41c: {  	v40 =	vor.u32 $0x13, v33;
	v36 =	vld.idx.msk [tilespmem:v36+s14+$0x0], $0xffff;
	v21 =	vsub.f32 v37, v18;
	v31 =	vsub.f32 v47, v52  }
0x41d: {  	v53 =	vmul.f32 v43, v25;
	v50 =	vmul.f32 v44, v24;
	v43 =	vor.u32 $0x17, v33;
	v44 =	vld [tilespmem:$0x1FFB0]  }
0x41e: {  	v2 =	vmul.f32 v2, v30;
	v27 =	vld.idx.msk [tilespmem:v49+s14+$0x0], $0xffff;
	v37 =	vor.u32 $0x16, v33;
	v29 =	vmul.f32 v21, v31  }
0x41f: {  	v55 =	vor.u32 $0x1F, v33;
	v49 =	vmul.f32 v62, v20;
	v62 =	vld.idx.msk [tilespmem:v57+s14+$0x0], $0xffff;
	v3 =	vmul.f32 v3, v32  }
0x420: {  	v35 =	vmul.f32 v35, v45;
	v23 =	vmul.f32 v39, v17;
	v41 =	vld.idx.msk [tilespmem:v19+s14+$0x0], $0xffff;
	v29 =	vadd.f32 v29, v52  }
0x421: {  	v24 =	vld.idx.msk [tilespmem:v40+s14+$0x0], $0xffff;
	v47 =	vmul.f32 v46, v22;
	v22 =	vmul.f32 v38, v15;
	v52 =	vor.u32 $0x1B, v33  }
0x422: {  	v30 =	vmul.f32 v42, v16;
	v46 =	vmul.f32 v34, v44;
	v38 =	vld.idx.msk [tilespmem:v43+s14+$0x0], $0xffff;
	v21 =	vadd.f32 v29, v3  }
0x423: {  	v26 =	vadd.f32 v49, v35;
	v31 =	vld.idx.msk [tilespmem:v37+s14+$0x0], $0xffff;
	v35 =	vadd.f32 v23, v22;
	v37 =	vmul.f32 v36, v14  }
0x424: {  	v42 =	vmul.f32 v27, v12;
	v25 =	vadd.f32 v46, v47;
	v32 =	vadd.f32 v21, v48  }
0x425: {  	v39 =	vadd.f32 v30, v26;
	v40 =	vmul.f32 v41, v13;
	v41 =	vld.idx.msk [tilespmem:v54+s14+$0x0], $0xffff;
	v20 =	vadd.f32 v37, v35  }
0x426: {  	v44 =	vmul.f32 v62, v11;
	v18 =	vadd.f32 v50, v25;
	v43 =	vld.idx.msk [tilespmem:v52+s14+$0x0], $0xffff;
	v16 =	vadd.f32 v53, v32  }
0x427: {  	v45 =	vld.idx.msk [tilespmem:v51+s14+$0x0], $0xffff;
	v46 =	vmul.f32 v24, v10;
	v20 =	vadd.f32 v42, v20;
	v21 =	vadd.f32 v40, v39  }
0x428: {  	v47 =	vld.idx.msk [tilespmem:v55+s14+$0x0], $0xffff;
	v50 =	vmul.f32 v38, v7;
	v18 =	vadd.f32 v56, v18;
	v16 =	vadd.f32 v59, v16  }
0x429: {  	v17 =	vmul.f32 v31, v9;
	v49 =	vadd.f32 v46, v20;
	v19 =	vadd.f32 v44, v21  }
0x42a: {  	v18 =	vadd.f32 v61, v18;
	v61 =	vld [tilespmem:$0x1FE80];
	v52 =	vmul.f32 v41, v8;
	v48 =	vadd.f32 v60, v16  }
0x42b: {  	v53 =	vadd.f32 v50, v49;
	v51 =	vadd.f32 v17, v19;
	v54 =	vmul.f32 v43, v5;
	v60 =	vld [tilespmem:$0x1FE70]  }
0x42c: {  	v56 =	vmul.f32 v45, v6;
	v2 =	vadd.f32 v2, v18;
	v1 =	vadd.f32 v1, v48  }
0x42d: {  	v59 =	vmul.f32 v47, v4;
	v55 =	vadd.f32 v52, v51;
	v57 =	vadd.f32 v54, v53  }
0x42e: {  	v0 =	vadd.f32 v0, v2;
	v1 =	vadd.f32 v63, v1  }
0x42f: {  	v2 =	vadd.f32 v56, v55;
	v62 =	vadd.f32 v59, v57  }
0x430: {  	v0 =	vadd.f32 v60, v0;
	v1 =	vadd.f32 v61, v1;
	_ =	sdelay $0x1  }
0x431: {  	v63 =	vadd.f32 v62, v2;
	v0 =	vadd.f32 v0, v1;
	_ =	sdelay $0x1  }
0x432: {  	v0 =	vadd.f32 v63, v0;
	_ =	sdelay $0x1  }
0x433: {  	v0 =	vsub.f32 $0.0e+00, v0;
	_ =	sdelay $0x1  }
0x434: {  	v0 =	vmul.f32 $1.442695020e+00, v0;
	_ =	sdelay $0x1  }
0x435: {  	(erf) = vpow2.f32 v0;
	_ =	sdelay $0x8  }
0x436: {  	v0 =	vpop (erf)  }
0x437: {  	v0 =	vadd.f32 $1.000000000e+00, v0;
	_ =	sdelay $0x1  }
0x438: {  	(erf) = vrcp.f32 v0;
	_ =	sdelay $0x7  }
0x439: {  	s22 =	sadd.s32 $0x1, s22  }
0x43a: {  	s23 =	sadd.s32 $0x10, s23;
	p0 =	sne.s32 s22, s9;
	v0 =	vpop (erf)  }
.Ltmp5:
0x43b: {  	[tilespmem:s23+$0x0] =	vst v0;
	(pc) =	sbr.rel @p0 .LBB2_1-.Ltmp5, $4  }
0x43c: {  	[hbm4b:s8+s2] =	stream.linear.scatter [tilespmem:s21], [sflag:$0x3], $0x1400, $0x38;
	[tilespmem:$0x14E80] =	vst v63  }
0x43d: {  	_ =	swait.ge [sflag:s11], $0x1400  }
0x43e: {  	[sflag:s11] =	ssyncset.done $0x0  }
0x43f: {  	[sflag:s11] =	ssyncadd.s32 $0xFFFFEC00  }
0x440: {  	_ =	sfence.sel $0x180000  }
0x441: {  	[bflag:$0x0] =	sbarrier.arrive $0xFFFF  }
0x442: {  	p0 =	sne.s32 s1, $0x0;
	_ =	strace $0x90000047  }
0x443: {  	s0 =	sadd.s32 @!p0 $0x100000, s0;
	[bflag:$0x2] =	sbarrier.arrive $0xFFFF  }
0x444: {  	[sflag:s0] =	ssyncadd.tile.s32 @!p0 $0x1;
	_ =	shalt  }
.Lfunc_end2:
_tile_overlayer_lowered:
.L_overlay_start_2:
0x445: {  	(tag) =	ssettag $0x2  }
0x446: {  	s0 =	rddreg [dreg:$0x0];
	s2 =	stileid.u32  }
0x447: {  	s1 =	rddreg [dreg:$0x1];
	p0 =	sne.s32 s2, $0x0  }
0x448: {  	s3 =	rddreg [dreg:$0x2];
	[bflag:$0x3] =	sbarrier.arrive $0xFFFF;
	s2 =	simm.s32 @!p0 $0x1C03  }
0x449: {  	[timem:s3], [sflag:s2] =	dma.local @!p0 [hbm:s0], s1  }
0x44a: {  	s0 =	simm.s32 @!p0 $0x3  }
0x44b: {  	_ =	swait.ge @!p0 [sflag:s0], s1  }
0x44c: {  	s1 =	ssub.s32 @!p0 $0x0, s1;
	[sflag:s0] =	ssyncset.done @!p0 $0x0  }
0x44d: {  	[sflag:s0] =	ssyncadd.s32 @!p0 s1  }
0x44e: {  	[bflag:$0x3] =	sbarrier.arrive $0xFFFF  }
0x44f: {  	_ =	shalt  }

</sc_bundles>
